<compile_context>
chip_gen: v7x
topology: tpu7x:2x2x1
jax: 0.10.2.dev20260603
libtpu: 0.0.44.dev20260713+nightly
codegen_flags: <defaults>
</compile_context>

<pallas_src>
import functools

import jax
import jax.numpy as jnp
from jax import lax
from jax.experimental import pallas as pl
from jax.experimental.pallas import tpu as pltpu
from jax.experimental.pallas import tpu_sc as plsc

N = 10000
E = 320000
D = 128
C = 16

NC = 2
NS = 16
NW = NC * NS
CHUNK = 128
NCHUNK = 79
EPT = NCHUNK * CHUNK
EPADDED = NW * EPT
NPAD = 10240
RPT = NPAD // NS
ZR = 128
ZROW = NPAD // NS

_MESH = plsc.VectorSubcoreMesh(core_axis_name="c", subcore_axis_name="s")



@functools.partial(
    pl.kernel,
    out_type=jax.ShapeDtypeStruct((NC, NPAD), jnp.float32),
    mesh=_MESH,
    scratch_types=[
        pltpu.VMEM((NCHUNK, CHUNK), jnp.int32),
        pltpu.VMEM((CHUNK,), jnp.float32),
        pltpu.VMEM((ZROW,), jnp.float32),
        pltpu.VMEM_SHARED((NPAD,), jnp.float32),
    ],
)
def _deg_kernel(dst_hbm, out_hbm, didx_all, ones_v, zero_v, acc_sh):
    cid = lax.axis_index("c")
    sid = lax.axis_index("s")
    wid = sid * NC + cid

    for i in range(CHUNK // 16):
        ones_v[pl.ds(i * 16, 16)] = jnp.full((16,), 1.0, jnp.float32)
    zv = jnp.zeros((16,), jnp.float32)
    for i in range(ZROW // 16):
        zero_v[pl.ds(i * 16, 16)] = zv

    pltpu.sync_copy(zero_v, acc_sh.at[pl.ds(sid * ZROW, ZROW)])
    pltpu.sync_copy(dst_hbm.at[wid], didx_all)
    plsc.subcore_barrier()

    def body(c, carry):
        pltpu.sync_copy(ones_v, acc_sh.at[didx_all.at[c]], add=True)
        return carry

    lax.fori_loop(0, NCHUNK, body, 0)
    plsc.subcore_barrier()
    pltpu.sync_copy(acc_sh.at[pl.ds(sid * ZROW, ZROW)],
                    out_hbm.at[cid, pl.ds(sid * ZROW, ZROW)])


def _make_spmm(d):

    scratch = [
        pltpu.VMEM((CHUNK,), jnp.int32),
        pltpu.VMEM((CHUNK,), jnp.int32),
        pltpu.VMEM((CHUNK,), jnp.int32),
        pltpu.VMEM((CHUNK,), jnp.int32),
        pltpu.VMEM((CHUNK, d), jnp.float32),
        pltpu.VMEM((CHUNK, d), jnp.float32),
        pltpu.VMEM_SHARED((NPAD, d), jnp.float32),
        pltpu.SemaphoreType.DMA,
        pltpu.SemaphoreType.DMA,
        pltpu.SemaphoreType.DMA,
        pltpu.SemaphoreType.DMA,
    ]

    @functools.partial(
        pl.kernel,
        out_type=jax.ShapeDtypeStruct((NC, NPAD, d), jnp.float32),
        mesh=_MESH,
        scratch_types=scratch,
    )
    def spmm(table_hbm, src_hbm, dst_hbm, out_hbm,
             si0, di0, si1, di1, rows0, rows1, acc,
             is0, is1, gs0, gs1):
        cid = lax.axis_index("c")
        sid = lax.axis_index("s")
        wid = sid * NC + cid

        zv = jnp.zeros((16,), jnp.float32)

        def zero_body(i, carry):
            for j in range(d // 16):
                rows0[i, pl.ds(j * 16, 16)] = zv
            return carry

        lax.fori_loop(0, CHUNK, zero_body, 0)
        for r in range(RPT // CHUNK):
            pltpu.sync_copy(rows0, acc.at[pl.ds(sid * RPT + r * CHUNK, CHUNK)])

        gather_src = table_hbm
        plsc.subcore_barrier()

        sets = ((si0, di0, is0), (si1, di1, is1))
        gathers = ((rows0, gs0), (rows1, gs1))

        def idx_load(c, k):
            si, di, sem = sets[k]
            pltpu.async_copy(src_hbm.at[wid, c], si, sem)
            pltpu.async_copy(dst_hbm.at[wid, c], di, sem)

        def idx_wait(c, k):
            si, di, sem = sets[k]
            pltpu.make_async_copy(src_hbm.at[wid, c], si, sem).wait()
            pltpu.make_async_copy(dst_hbm.at[wid, c], di, sem).wait()

        def gather(k, j):
            rows, sem = gathers[j]
            pltpu.async_copy(gather_src.at[sets[k][0]], rows, sem)

        def gather_wait(k, j):
            rows, sem = gathers[j]
            pltpu.make_async_copy(gather_src.at[sets[k][0]], rows, sem).wait()

        def scatter(k, j):
            pltpu.sync_copy(gathers[j][0], acc.at[sets[k][1]], add=True)

        idx_load(0, 0)
        idx_wait(0, 0)
        gather(0, 0)
        idx_load(1, 1)

        def half(c0, cnext, a, b):
            idx_wait(c0 + 1, b)
            gather_wait(a, a)
            gather(b, b)
            scatter(a, a)
            idx_load(cnext, a)

        def body(g, carry):
            c0 = 2 * g
            half(c0, c0 + 2, 0, 1)
            half(c0 + 1, jnp.minimum(c0 + 3, NCHUNK - 1), 1, 0)
            return carry

        lax.fori_loop(0, (NCHUNK - 1) // 2, body, 0)
        idx_wait(0, 1)
        gather_wait(0, 0)
        scatter(0, 0)

        plsc.subcore_barrier()
        pltpu.sync_copy(acc.at[pl.ds(sid * RPT, RPT)],
                        out_hbm.at[cid, pl.ds(sid * RPT, RPT)])

    return spmm


_spmm_d = _make_spmm(D)



_RB = 2000
_GRID = N // _RB


def _dinv_of(deg_ref):
    return lax.rsqrt(jnp.maximum(deg_ref[0] + deg_ref[1], 1.0))


def _l1_body(x_ref, w_ref, out_ref):
    xr = x_ref[...]
    nrm = jnp.sqrt(jnp.sum(xr * xr, axis=1, keepdims=True))
    xn = xr / (nrm + 1e-12)
    out_ref[...] = jnp.dot(xn, w_ref[...], preferred_element_type=jnp.float32)


def _l1_call(x, w1):
    return pl.pallas_call(
        _l1_body,
        grid=(_GRID,),
        in_specs=[
            pl.BlockSpec((_RB, D), lambda i: (i, 0)),
            pl.BlockSpec((D, D), lambda i: (0, 0)),
        ],
        out_specs=pl.BlockSpec((_RB, D), lambda i: (i, 0)),
        out_shape=jax.ShapeDtypeStruct((N, D), jnp.float32),
    )(x, w1)


def _scale_body(m_ref, deg_ref, out_ref):
    out_ref[...] = m_ref[...] * _dinv_of(deg_ref)


def _scale_call(m1, degp3):
    return pl.pallas_call(
        _scale_body,
        grid=(_GRID,),
        in_specs=[
            pl.BlockSpec((_RB, D), lambda i: (i, 0)),
            pl.BlockSpec((NC, _RB, 1), lambda i: (0, i, 0)),
        ],
        out_specs=pl.BlockSpec((_RB, D), lambda i: (i, 0)),
        out_shape=jax.ShapeDtypeStruct((N, D), jnp.float32),
    )(m1, degp3)


def _l2_body(p_ref, deg_ref, b1_ref, out_ref):
    dinv = _dinv_of(deg_ref)
    h = jnp.maximum((p_ref[0] + p_ref[1]) * dinv + b1_ref[...], 0.0)
    out_ref[...] = h * dinv


_RB2 = 1280
_GRID2 = NPAD // _RB2


def _l2_call(p, degp3, b1):
    return pl.pallas_call(
        _l2_body,
        grid=(_GRID2,),
        in_specs=[
            pl.BlockSpec((NC, _RB2, D), lambda i: (0, i, 0)),
            pl.BlockSpec((NC, _RB2, 1), lambda i: (0, i, 0)),
            pl.BlockSpec((1, D), lambda i: (0, 0)),
        ],
        out_specs=pl.BlockSpec((_RB2, D), lambda i: (i, 0)),
        out_shape=jax.ShapeDtypeStruct((NPAD, D), jnp.float32),
    )(p, degp3, b1.reshape(1, D))


def _l3_body(q_ref, deg_ref, w2_ref, b2_ref, out_ref):
    agg = (q_ref[0] + q_ref[1]) * _dinv_of(deg_ref)
    logits = jnp.dot(agg, w2_ref[...],
                     preferred_element_type=jnp.float32) + b2_ref[...]
    z = logits - jnp.max(logits, axis=1, keepdims=True)
    e = jnp.exp(z)
    out_ref[...] = e / jnp.sum(e, axis=1, keepdims=True)


def _l3_call(q, degp3, w2, b2):
    return pl.pallas_call(
        _l3_body,
        grid=(_GRID,),
        in_specs=[
            pl.BlockSpec((NC, _RB, D), lambda i: (0, i, 0)),
            pl.BlockSpec((NC, _RB, 1), lambda i: (0, i, 0)),
            pl.BlockSpec((D, C), lambda i: (0, 0)),
            pl.BlockSpec((1, C), lambda i: (0, 0)),
        ],
        out_specs=pl.BlockSpec((_RB, C), lambda i: (i, 0)),
        out_shape=jax.ShapeDtypeStruct((N, C), jnp.float32),
    )(q, degp3, w2, b2.reshape(1, C))



def kernel(x, adj_c, W1, b1, W2, b2):
    npad_e = EPADDED - E
    pad_i = jnp.arange(npad_e, dtype=jnp.int32)
    src = jnp.concatenate(
        [adj_c[0], pad_i % N]).reshape(NW, NCHUNK, CHUNK)
    dst = jnp.concatenate(
        [adj_c[1], N + pad_i % (NPAD - N)]).reshape(NW, NCHUNK, CHUNK)

    degp = _deg_kernel(dst)
    m1 = _l1_call(x, W1)
    degp3 = degp.reshape(NC, NPAD, 1)
    t1 = _scale_call(m1, degp3)
    p1 = _spmm_d(t1, src, dst)
    t2 = _l2_call(p1, degp3, b1)
    p2 = _spmm_d(t2, src, dst)
    return _l3_call(p2, degp3, W2, b2)

# --- scband reference (transcript-rebuilt; emitter-appended) ---
"""Pipeline reference for scband-y-encoder-58506044506603 (READ-ONLY COPY).

The authoritative reference and input builder live on the scoring server;
editing this copy changes nothing except your own understanding.
"""

import jax, jax.numpy as jnp
import numpy as np

N_NODES = 10000
N_EDGES = 320000
D_IN = 128
D_HID = 128
N_CLS = 16


def setup_inputs(seed: int = 0) -> dict:
    key = jax.random.key(seed)
    k1, k2, k3, k4 = jax.random.split(key, 4)
    x = jax.random.normal(k1, (N_NODES, D_IN), dtype=jnp.float32)
    adj_c = jax.random.randint(k2, (2, N_EDGES), 0, N_NODES, dtype=jnp.int32)
    W1 = jax.random.normal(k3, (D_IN, D_HID), dtype=jnp.float32) * 0.05
    b1 = jnp.zeros((D_HID,), dtype=jnp.float32)
    W2 = jax.random.normal(k4, (D_HID, N_CLS), dtype=jnp.float32) * 0.05
    b2 = jnp.zeros((N_CLS,), dtype=jnp.float32)
    return {"x": x, "adj_c": adj_c, "W1": W1, "b1": b1, "W2": W2, "b2": b2}


def reference(x, adj_c, W1, b1, W2, b2):
    n = x.shape[0]
    # F.normalize(x): row-wise L2 normalization
    xn = x / (jnp.linalg.norm(x, axis=1, keepdims=True) + 1e-12)
    src = adj_c[0]
    dst = adj_c[1]
    # symmetric GCN degree normalization (scatter-add degree count)
    deg = jnp.zeros((n,), dtype=x.dtype).at[dst].add(1.0)
    deg = jnp.maximum(deg, 1.0)
    dinv = jax.lax.rsqrt(deg)
    norm = dinv[src] * dinv[dst]

    def gcn_layer(h, W, b):
        m = h @ W
        msg = jnp.take(m, src, axis=0) * norm[:, None]
        agg = jnp.zeros((n, m.shape[1]), dtype=m.dtype).at[dst].add(msg)
        return agg + b

    # GCN layer 1 + ReLU (dropout is identity in eval/reference)
    h1 = jax.nn.relu(gcn_layer(xn, W1, b1))
    # GCN layer 2 -> num_classes logits
    logits = gcn_layer(h1, W2, b2)
    # final softmax as in forward
    return jax.nn.softmax(logits, axis=-1)

if __name__ == "__main__":
    import jax
    _d = setup_inputs()
    print(jax.jit(kernel)(*tuple(_d.values())))

</pallas_src>

<mosaic_0001>
#map = affine_map<(d0, d1) -> (0, 0, 0)>
#map1 = affine_map<(d0, d1) -> (0, 0)>
module attributes {stable_mosaic.version = 14 : i64} {
  func.func @_deg_kernel(%arg0: i32, %arg1: i32, %arg2: memref<32x79x128xi32, #tpu.memory_space<hbm>>, %arg3: memref<2x10240xf32, #tpu.memory_space<hbm>>, %arg4: memref<79x128xi32, #tpu.memory_space<vmem>>, %arg5: memref<128xf32, #tpu.memory_space<vmem>>, %arg6: memref<640xf32, #tpu.memory_space<vmem>>, %arg7: memref<10240xf32, #tpu.memory_space<vmem_shared>>) attributes {dimension_semantics = [#tpu.dimension_semantics<core_parallel>, #tpu.dimension_semantics<subcore_parallel>], iteration_bounds = array<i64: 2, 16>, scalar_prefetch = 0 : i64, scratch_operands = 4 : i64, tpu.core_type = #tpu.core_type<sc_vector_subcore>, window_params = [{transform_indices = #map}, {transform_indices = #map1}]} {
    %mul3A = arith.constant 2 : i32
    %mul3A_0 = arith.muli %arg1, %mul3A : i32
    %add3A = arith.addi %mul3A_0, %arg0 : i32
    %broadcast_in_dim3A = arith.constant 1.000000e+00 : f32
    %broadcast_in_dim3A_1 = vector.broadcast %broadcast_in_dim3A : f32 to vector<16xf32>
    %swap3A = arith.constant 0 : index
    %swap3A_2 = tpu.vector_load %arg5[%swap3A] {strides = array<i32>} : memref<128xf32, #tpu.memory_space<vmem>>, vector<16xf32>,
    %swap3A_3 = vector.shape_cast %swap3A_2 : vector<16xf32> to vector<16xf32>
    %swap3A_4 = vector.shape_cast %broadcast_in_dim3A_1 : vector<16xf32> to vector<16xf32>
    tpu.vector_store %arg5[%swap3A], %swap3A_4 {strides = array<i32>} : memref<128xf32, #tpu.memory_space<vmem>>, vector<16xf32>,
    %broadcast_in_dim3A_5 = arith.constant 1.000000e+00 : f32
    %broadcast_in_dim3A_6 = vector.broadcast %broadcast_in_dim3A_5 : f32 to vector<16xf32>
    %swap3A_7 = arith.constant 16 : index
    %swap3A_8 = tpu.vector_load %arg5[%swap3A_7] {strides = array<i32>} : memref<128xf32, #tpu.memory_space<vmem>>, vector<16xf32>,
    %swap3A_9 = vector.shape_cast %swap3A_8 : vector<16xf32> to vector<16xf32>
    %swap3A_10 = vector.shape_cast %broadcast_in_dim3A_6 : vector<16xf32> to vector<16xf32>
    tpu.vector_store %arg5[%swap3A_7], %swap3A_10 {strides = array<i32>} : memref<128xf32, #tpu.memory_space<vmem>>, vector<16xf32>,
    %broadcast_in_dim3A_11 = arith.constant 1.000000e+00 : f32
    %broadcast_in_dim3A_12 = vector.broadcast %broadcast_in_dim3A_11 : f32 to vector<16xf32>
    %swap3A_13 = arith.constant 32 : index
    %swap3A_14 = tpu.vector_load %arg5[%swap3A_13] {strides = array<i32>} : memref<128xf32, #tpu.memory_space<vmem>>, vector<16xf32>,
    %swap3A_15 = vector.shape_cast %swap3A_14 : vector<16xf32> to vector<16xf32>
    %swap3A_16 = vector.shape_cast %broadcast_in_dim3A_12 : vector<16xf32> to vector<16xf32>
    tpu.vector_store %arg5[%swap3A_13], %swap3A_16 {strides = array<i32>} : memref<128xf32, #tpu.memory_space<vmem>>, vector<16xf32>,
    %broadcast_in_dim3A_17 = arith.constant 1.000000e+00 : f32
    %broadcast_in_dim3A_18 = vector.broadcast %broadcast_in_dim3A_17 : f32 to vector<16xf32>
    %swap3A_19 = arith.constant 48 : index
    %swap3A_20 = tpu.vector_load %arg5[%swap3A_19] {strides = array<i32>} : memref<128xf32, #tpu.memory_space<vmem>>, vector<16xf32>,
    %swap3A_21 = vector.shape_cast %swap3A_20 : vector<16xf32> to vector<16xf32>
    %swap3A_22 = vector.shape_cast %broadcast_in_dim3A_18 : vector<16xf32> to vector<16xf32>
    tpu.vector_store %arg5[%swap3A_19], %swap3A_22 {strides = array<i32>} : memref<128xf32, #tpu.memory_space<vmem>>, vector<16xf32>,
    %broadcast_in_dim3A_23 = arith.constant 1.000000e+00 : f32
    %broadcast_in_dim3A_24 = vector.broadcast %broadcast_in_dim3A_23 : f32 to vector<16xf32>
    %swap3A_25 = arith.constant 64 : index
    %swap3A_26 = tpu.vector_load %arg5[%swap3A_25] {strides = array<i32>} : memref<128xf32, #tpu.memory_space<vmem>>, vector<16xf32>,
    %swap3A_27 = vector.shape_cast %swap3A_26 : vector<16xf32> to vector<16xf32>
    %swap3A_28 = vector.shape_cast %broadcast_in_dim3A_24 : vector<16xf32> to vector<16xf32>
    tpu.vector_store %arg5[%swap3A_25], %swap3A_28 {strides = array<i32>} : memref<128xf32, #tpu.memory_space<vmem>>, vector<16xf32>,
    %broadcast_in_dim3A_29 = arith.constant 1.000000e+00 : f32
    %broadcast_in_dim3A_30 = vector.broadcast %broadcast_in_dim3A_29 : f32 to vector<16xf32>
    %swap3A_31 = arith.constant 80 : index
    %swap3A_32 = tpu.vector_load %arg5[%swap3A_31] {strides = array<i32>} : memref<128xf32, #tpu.memory_space<vmem>>, vector<16xf32>,
    %swap3A_33 = vector.shape_cast %swap3A_32 : vector<16xf32> to vector<16xf32>
    %swap3A_34 = vector.shape_cast %broadcast_in_dim3A_30 : vector<16xf32> to vector<16xf32>
    tpu.vector_store %arg5[%swap3A_31], %swap3A_34 {strides = array<i32>} : memref<128xf32, #tpu.memory_space<vmem>>, vector<16xf32>,
    %broadcast_in_dim3A_35 = arith.constant 1.000000e+00 : f32
    %broadcast_in_dim3A_36 = vector.broadcast %broadcast_in_dim3A_35 : f32 to vector<16xf32>
    %swap3A_37 = arith.constant 96 : index
    %swap3A_38 = tpu.vector_load %arg5[%swap3A_37] {strides = array<i32>} : memref<128xf32, #tpu.memory_space<vmem>>, vector<16xf32>,
    %swap3A_39 = vector.shape_cast %swap3A_38 : vector<16xf32> to vector<16xf32>
    %swap3A_40 = vector.shape_cast %broadcast_in_dim3A_36 : vector<16xf32> to vector<16xf32>
    tpu.vector_store %arg5[%swap3A_37], %swap3A_40 {strides = array<i32>} : memref<128xf32, #tpu.memory_space<vmem>>, vector<16xf32>,
    %broadcast_in_dim3A_41 = arith.constant 1.000000e+00 : f32
    %broadcast_in_dim3A_42 = vector.broadcast %broadcast_in_dim3A_41 : f32 to vector<16xf32>
    %swap3A_43 = arith.constant 112 : index
    %swap3A_44 = tpu.vector_load %arg5[%swap3A_43] {strides = array<i32>} : memref<128xf32, #tpu.memory_space<vmem>>, vector<16xf32>,
    %swap3A_45 = vector.shape_cast %swap3A_44 : vector<16xf32> to vector<16xf32>
    %swap3A_46 = vector.shape_cast %broadcast_in_dim3A_42 : vector<16xf32> to vector<16xf32>
    tpu.vector_store %arg5[%swap3A_43], %swap3A_46 {strides = array<i32>} : memref<128xf32, #tpu.memory_space<vmem>>, vector<16xf32>,
    %broadcast_in_dim3A_47 = arith.constant 0.000000e+00 : f32
    %broadcast_in_dim3A_48 = vector.broadcast %broadcast_in_dim3A_47 : f32 to vector<16xf32>
    %swap3A_49 = arith.constant 0 : index
    %swap3A_50 = tpu.vector_load %arg6[%swap3A_49] {strides = array<i32>} : memref<640xf32, #tpu.memory_space<vmem>>, vector<16xf32>,
    %swap3A_51 = vector.shape_cast %swap3A_50 : vector<16xf32> to vector<16xf32>
    %swap3A_52 = vector.shape_cast %broadcast_in_dim3A_48 : vector<16xf32> to vector<16xf32>
    tpu.vector_store %arg6[%swap3A_49], %swap3A_52 {strides = array<i32>} : memref<640xf32, #tpu.memory_space<vmem>>, vector<16xf32>,
    %swap3A_53 = arith.constant 16 : index
    %swap3A_54 = tpu.vector_load %arg6[%swap3A_53] {strides = array<i32>} : memref<640xf32, #tpu.memory_space<vmem>>, vector<16xf32>,
    %swap3A_55 = vector.shape_cast %swap3A_54 : vector<16xf32> to vector<16xf32>
    %swap3A_56 = vector.shape_cast %broadcast_in_dim3A_48 : vector<16xf32> to vector<16xf32>
    tpu.vector_store %arg6[%swap3A_53], %swap3A_56 {strides = array<i32>} : memref<640xf32, #tpu.memory_space<vmem>>, vector<16xf32>,
    %swap3A_57 = arith.constant 32 : index
    %swap3A_58 = tpu.vector_load %arg6[%swap3A_57] {strides = array<i32>} : memref<640xf32, #tpu.memory_space<vmem>>, vector<16xf32>,
    %swap3A_59 = vector.shape_cast %swap3A_58 : vector<16xf32> to vector<16xf32>
    %swap3A_60 = vector.shape_cast %broadcast_in_dim3A_48 : vector<16xf32> to vector<16xf32>
    tpu.vector_store %arg6[%swap3A_57], %swap3A_60 {strides = array<i32>} : memref<640xf32, #tpu.memory_space<vmem>>, vector<16xf32>,
    %swap3A_61 = arith.constant 48 : index
    %swap3A_62 = tpu.vector_load %arg6[%swap3A_61] {strides = array<i32>} : memref<640xf32, #tpu.memory_space<vmem>>, vector<16xf32>,
    %swap3A_63 = vector.shape_cast %swap3A_62 : vector<16xf32> to vector<16xf32>
    %swap3A_64 = vector.shape_cast %broadcast_in_dim3A_48 : vector<16xf32> to vector<16xf32>
    tpu.vector_store %arg6[%swap3A_61], %swap3A_64 {strides = array<i32>} : memref<640xf32, #tpu.memory_space<vmem>>, vector<16xf32>,
    %swap3A_65 = arith.constant 64 : index
    %swap3A_66 = tpu.vector_load %arg6[%swap3A_65] {strides = array<i32>} : memref<640xf32, #tpu.memory_space<vmem>>, vector<16xf32>,
    %swap3A_67 = vector.shape_cast %swap3A_66 : vector<16xf32> to vector<16xf32>
    %swap3A_68 = vector.shape_cast %broadcast_in_dim3A_48 : vector<16xf32> to vector<16xf32>
    tpu.vector_store %arg6[%swap3A_65], %swap3A_68 {strides = array<i32>} : memref<640xf32, #tpu.memory_space<vmem>>, vector<16xf32>,
    %swap3A_69 = arith.constant 80 : index
    %swap3A_70 = tpu.vector_load %arg6[%swap3A_69] {strides = array<i32>} : memref<640xf32, #tpu.memory_space<vmem>>, vector<16xf32>,
    %swap3A_71 = vector.shape_cast %swap3A_70 : vector<16xf32> to vector<16xf32>
    %swap3A_72 = vector.shape_cast %broadcast_in_dim3A_48 : vector<16xf32> to vector<16xf32>
    tpu.vector_store %arg6[%swap3A_69], %swap3A_72 {strides = array<i32>} : memref<640xf32, #tpu.memory_space<vmem>>, vector<16xf32>,
    %swap3A_73 = arith.constant 96 : index
    %swap3A_74 = tpu.vector_load %arg6[%swap3A_73] {strides = array<i32>} : memref<640xf32, #tpu.memory_space<vmem>>, vector<16xf32>,
    %swap3A_75 = vector.shape_cast %swap3A_74 : vector<16xf32> to vector<16xf32>
    %swap3A_76 = vector.shape_cast %broadcast_in_dim3A_48 : vector<16xf32> to vector<16xf32>
    tpu.vector_store %arg6[%swap3A_73], %swap3A_76 {strides = array<i32>} : memref<640xf32, #tpu.memory_space<vmem>>, vector<16xf32>,
    %swap3A_77 = arith.constant 112 : index
    %swap3A_78 = tpu.vector_load %arg6[%swap3A_77] {strides = array<i32>} : memref<640xf32, #tpu.memory_space<vmem>>, vector<16xf32>,
    %swap3A_79 = vector.shape_cast %swap3A_78 : vector<16xf32> to vector<16xf32>
    %swap3A_80 = vector.shape_cast %broadcast_in_dim3A_48 : vector<16xf32> to vector<16xf32>
    tpu.vector_store %arg6[%swap3A_77], %swap3A_80 {strides = array<i32>} : memref<640xf32, #tpu.memory_space<vmem>>, vector<16xf32>,
    %swap3A_81 = arith.constant 128 : index
    %swap3A_82 = tpu.vector_load %arg6[%swap3A_81] {strides = array<i32>} : memref<640xf32, #tpu.memory_space<vmem>>, vector<16xf32>,
    %swap3A_83 = vector.shape_cast %swap3A_82 : vector<16xf32> to vector<16xf32>
    %swap3A_84 = vector.shape_cast %broadcast_in_dim3A_48 : vector<16xf32> to vector<16xf32>
    tpu.vector_store %arg6[%swap3A_81], %swap3A_84 {strides = array<i32>} : memref<640xf32, #tpu.memory_space<vmem>>, vector<16xf32>,
    %swap3A_85 = arith.constant 144 : index
    %swap3A_86 = tpu.vector_load %arg6[%swap3A_85] {strides = array<i32>} : memref<640xf32, #tpu.memory_space<vmem>>, vector<16xf32>,
    %swap3A_87 = vector.shape_cast %swap3A_86 : vector<16xf32> to vector<16xf32>
    %swap3A_88 = vector.shape_cast %broadcast_in_dim3A_48 : vector<16xf32> to vector<16xf32>
    tpu.vector_store %arg6[%swap3A_85], %swap3A_88 {strides = array<i32>} : memref<640xf32, #tpu.memory_space<vmem>>, vector<16xf32>,
    %swap3A_89 = arith.constant 160 : index
    %swap3A_90 = tpu.vector_load %arg6[%swap3A_89] {strides = array<i32>} : memref<640xf32, #tpu.memory_space<vmem>>, vector<16xf32>,
    %swap3A_91 = vector.shape_cast %swap3A_90 : vector<16xf32> to vector<16xf32>
    %swap3A_92 = vector.shape_cast %broadcast_in_dim3A_48 : vector<16xf32> to vector<16xf32>
    tpu.vector_store %arg6[%swap3A_89], %swap3A_92 {strides = array<i32>} : memref<640xf32, #tpu.memory_space<vmem>>, vector<16xf32>,
    %swap3A_93 = arith.constant 176 : index
    %swap3A_94 = tpu.vector_load %arg6[%swap3A_93] {strides = array<i32>} : memref<640xf32, #tpu.memory_space<vmem>>, vector<16xf32>,
    %swap3A_95 = vector.shape_cast %swap3A_94 : vector<16xf32> to vector<16xf32>
    %swap3A_96 = vector.shape_cast %broadcast_in_dim3A_48 : vector<16xf32> to vector<16xf32>
    tpu.vector_store %arg6[%swap3A_93], %swap3A_96 {strides = array<i32>} : memref<640xf32, #tpu.memory_space<vmem>>, vector<16xf32>,
    %swap3A_97 = arith.constant 192 : index
    %swap3A_98 = tpu.vector_load %arg6[%swap3A_97] {strides = array<i32>} : memref<640xf32, #tpu.memory_space<vmem>>, vector<16xf32>,
    %swap3A_99 = vector.shape_cast %swap3A_98 : vector<16xf32> to vector<16xf32>
    %swap3A_100 = vector.shape_cast %broadcast_in_dim3A_48 : vector<16xf32> to vector<16xf32>
    tpu.vector_store %arg6[%swap3A_97], %swap3A_100 {strides = array<i32>} : memref<640xf32, #tpu.memory_space<vmem>>, vector<16xf32>,
    %swap3A_101 = arith.constant 208 : index
    %swap3A_102 = tpu.vector_load %arg6[%swap3A_101] {strides = array<i32>} : memref<640xf32, #tpu.memory_space<vmem>>, vector<16xf32>,
    %swap3A_103 = vector.shape_cast %swap3A_102 : vector<16xf32> to vector<16xf32>
    %swap3A_104 = vector.shape_cast %broadcast_in_dim3A_48 : vector<16xf32> to vector<16xf32>
    tpu.vector_store %arg6[%swap3A_101], %swap3A_104 {strides = array<i32>} : memref<640xf32, #tpu.memory_space<vmem>>, vector<16xf32>,
    %swap3A_105 = arith.constant 224 : index
    %swap3A_106 = tpu.vector_load %arg6[%swap3A_105] {strides = array<i32>} : memref<640xf32, #tpu.memory_space<vmem>>, vector<16xf32>,
    %swap3A_107 = vector.shape_cast %swap3A_106 : vector<16xf32> to vector<16xf32>
    %swap3A_108 = vector.shape_cast %broadcast_in_dim3A_48 : vector<16xf32> to vector<16xf32>
    tpu.vector_store %arg6[%swap3A_105], %swap3A_108 {strides = array<i32>} : memref<640xf32, #tpu.memory_space<vmem>>, vector<16xf32>,
    %swap3A_109 = arith.constant 240 : index
    %swap3A_110 = tpu.vector_load %arg6[%swap3A_109] {strides = array<i32>} : memref<640xf32, #tpu.memory_space<vmem>>, vector<16xf32>,
    %swap3A_111 = vector.shape_cast %swap3A_110 : vector<16xf32> to vector<16xf32>
    %swap3A_112 = vector.shape_cast %broadcast_in_dim3A_48 : vector<16xf32> to vector<16xf32>
    tpu.vector_store %arg6[%swap3A_109], %swap3A_112 {strides = array<i32>} : memref<640xf32, #tpu.memory_space<vmem>>, vector<16xf32>,
    %swap3A_113 = arith.constant 256 : index
    %swap3A_114 = tpu.vector_load %arg6[%swap3A_113] {strides = array<i32>} : memref<640xf32, #tpu.memory_space<vmem>>, vector<16xf32>,
    %swap3A_115 = vector.shape_cast %swap3A_114 : vector<16xf32> to vector<16xf32>
    %swap3A_116 = vector.shape_cast %broadcast_in_dim3A_48 : vector<16xf32> to vector<16xf32>
    tpu.vector_store %arg6[%swap3A_113], %swap3A_116 {strides = array<i32>} : memref<640xf32, #tpu.memory_space<vmem>>, vector<16xf32>,
    %swap3A_117 = arith.constant 272 : index
    %swap3A_118 = tpu.vector_load %arg6[%swap3A_117] {strides = array<i32>} : memref<640xf32, #tpu.memory_space<vmem>>, vector<16xf32>,
    %swap3A_119 = vector.shape_cast %swap3A_118 : vector<16xf32> to vector<16xf32>
    %swap3A_120 = vector.shape_cast %broadcast_in_dim3A_48 : vector<16xf32> to vector<16xf32>
    tpu.vector_store %arg6[%swap3A_117], %swap3A_120 {strides = array<i32>} : memref<640xf32, #tpu.memory_space<vmem>>, vector<16xf32>,
    %swap3A_121 = arith.constant 288 : index
    %swap3A_122 = tpu.vector_load %arg6[%swap3A_121] {strides = array<i32>} : memref<640xf32, #tpu.memory_space<vmem>>, vector<16xf32>,
    %swap3A_123 = vector.shape_cast %swap3A_122 : vector<16xf32> to vector<16xf32>
    %swap3A_124 = vector.shape_cast %broadcast_in_dim3A_48 : vector<16xf32> to vector<16xf32>
    tpu.vector_store %arg6[%swap3A_121], %swap3A_124 {strides = array<i32>} : memref<640xf32, #tpu.memory_space<vmem>>, vector<16xf32>,
    %swap3A_125 = arith.constant 304 : index
    %swap3A_126 = tpu.vector_load %arg6[%swap3A_125] {strides = array<i32>} : memref<640xf32, #tpu.memory_space<vmem>>, vector<16xf32>,
    %swap3A_127 = vector.shape_cast %swap3A_126 : vector<16xf32> to vector<16xf32>
    %swap3A_128 = vector.shape_cast %broadcast_in_dim3A_48 : vector<16xf32> to vector<16xf32>
    tpu.vector_store %arg6[%swap3A_125], %swap3A_128 {strides = array<i32>} : memref<640xf32, #tpu.memory_space<vmem>>, vector<16xf32>,
    %swap3A_129 = arith.constant 320 : index
    %swap3A_130 = tpu.vector_load %arg6[%swap3A_129] {strides = array<i32>} : memref<640xf32, #tpu.memory_space<vmem>>, vector<16xf32>,
    %swap3A_131 = vector.shape_cast %swap3A_130 : vector<16xf32> to vector<16xf32>
    %swap3A_132 = vector.shape_cast %broadcast_in_dim3A_48 : vector<16xf32> to vector<16xf32>
    tpu.vector_store %arg6[%swap3A_129], %swap3A_132 {strides = array<i32>} : memref<640xf32, #tpu.memory_space<vmem>>, vector<16xf32>,
    %swap3A_133 = arith.constant 336 : index
    %swap3A_134 = tpu.vector_load %arg6[%swap3A_133] {strides = array<i32>} : memref<640xf32, #tpu.memory_space<vmem>>, vector<16xf32>,
    %swap3A_135 = vector.shape_cast %swap3A_134 : vector<16xf32> to vector<16xf32>
    %swap3A_136 = vector.shape_cast %broadcast_in_dim3A_48 : vector<16xf32> to vector<16xf32>
    tpu.vector_store %arg6[%swap3A_133], %swap3A_136 {strides = array<i32>} : memref<640xf32, #tpu.memory_space<vmem>>, vector<16xf32>,
    %swap3A_137 = arith.constant 352 : index
    %swap3A_138 = tpu.vector_load %arg6[%swap3A_137] {strides = array<i32>} : memref<640xf32, #tpu.memory_space<vmem>>, vector<16xf32>,
    %swap3A_139 = vector.shape_cast %swap3A_138 : vector<16xf32> to vector<16xf32>
    %swap3A_140 = vector.shape_cast %broadcast_in_dim3A_48 : vector<16xf32> to vector<16xf32>
    tpu.vector_store %arg6[%swap3A_137], %swap3A_140 {strides = array<i32>} : memref<640xf32, #tpu.memory_space<vmem>>, vector<16xf32>,
    %swap3A_141 = arith.constant 368 : index
    %swap3A_142 = tpu.vector_load %arg6[%swap3A_141] {strides = array<i32>} : memref<640xf32, #tpu.memory_space<vmem>>, vector<16xf32>,
    %swap3A_143 = vector.shape_cast %swap3A_142 : vector<16xf32> to vector<16xf32>
    %swap3A_144 = vector.shape_cast %broadcast_in_dim3A_48 : vector<16xf32> to vector<16xf32>
    tpu.vector_store %arg6[%swap3A_141], %swap3A_144 {strides = array<i32>} : memref<640xf32, #tpu.memory_space<vmem>>, vector<16xf32>,
    %swap3A_145 = arith.constant 384 : index
    %swap3A_146 = tpu.vector_load %arg6[%swap3A_145] {strides = array<i32>} : memref<640xf32, #tpu.memory_space<vmem>>, vector<16xf32>,
    %swap3A_147 = vector.shape_cast %swap3A_146 : vector<16xf32> to vector<16xf32>
    %swap3A_148 = vector.shape_cast %broadcast_in_dim3A_48 : vector<16xf32> to vector<16xf32>
    tpu.vector_store %arg6[%swap3A_145], %swap3A_148 {strides = array<i32>} : memref<640xf32, #tpu.memory_space<vmem>>, vector<16xf32>,
    %swap3A_149 = arith.constant 400 : index
    %swap3A_150 = tpu.vector_load %arg6[%swap3A_149] {strides = array<i32>} : memref<640xf32, #tpu.memory_space<vmem>>, vector<16xf32>,
    %swap3A_151 = vector.shape_cast %swap3A_150 : vector<16xf32> to vector<16xf32>
    %swap3A_152 = vector.shape_cast %broadcast_in_dim3A_48 : vector<16xf32> to vector<16xf32>
    tpu.vector_store %arg6[%swap3A_149], %swap3A_152 {strides = array<i32>} : memref<640xf32, #tpu.memory_space<vmem>>, vector<16xf32>,
    %swap3A_153 = arith.constant 416 : index
    %swap3A_154 = tpu.vector_load %arg6[%swap3A_153] {strides = array<i32>} : memref<640xf32, #tpu.memory_space<vmem>>, vector<16xf32>,
    %swap3A_155 = vector.shape_cast %swap3A_154 : vector<16xf32> to vector<16xf32>
    %swap3A_156 = vector.shape_cast %broadcast_in_dim3A_48 : vector<16xf32> to vector<16xf32>
    tpu.vector_store %arg6[%swap3A_153], %swap3A_156 {strides = array<i32>} : memref<640xf32, #tpu.memory_space<vmem>>, vector<16xf32>,
    %swap3A_157 = arith.constant 432 : index
    %swap3A_158 = tpu.vector_load %arg6[%swap3A_157] {strides = array<i32>} : memref<640xf32, #tpu.memory_space<vmem>>, vector<16xf32>,
    %swap3A_159 = vector.shape_cast %swap3A_158 : vector<16xf32> to vector<16xf32>
    %swap3A_160 = vector.shape_cast %broadcast_in_dim3A_48 : vector<16xf32> to vector<16xf32>
    tpu.vector_store %arg6[%swap3A_157], %swap3A_160 {strides = array<i32>} : memref<640xf32, #tpu.memory_space<vmem>>, vector<16xf32>,
    %swap3A_161 = arith.constant 448 : index
    %swap3A_162 = tpu.vector_load %arg6[%swap3A_161] {strides = array<i32>} : memref<640xf32, #tpu.memory_space<vmem>>, vector<16xf32>,
    %swap3A_163 = vector.shape_cast %swap3A_162 : vector<16xf32> to vector<16xf32>
    %swap3A_164 = vector.shape_cast %broadcast_in_dim3A_48 : vector<16xf32> to vector<16xf32>
    tpu.vector_store %arg6[%swap3A_161], %swap3A_164 {strides = array<i32>} : memref<640xf32, #tpu.memory_space<vmem>>, vector<16xf32>,
    %swap3A_165 = arith.constant 464 : index
    %swap3A_166 = tpu.vector_load %arg6[%swap3A_165] {strides = array<i32>} : memref<640xf32, #tpu.memory_space<vmem>>, vector<16xf32>,
    %swap3A_167 = vector.shape_cast %swap3A_166 : vector<16xf32> to vector<16xf32>
    %swap3A_168 = vector.shape_cast %broadcast_in_dim3A_48 : vector<16xf32> to vector<16xf32>
    tpu.vector_store %arg6[%swap3A_165], %swap3A_168 {strides = array<i32>} : memref<640xf32, #tpu.memory_space<vmem>>, vector<16xf32>,
    %swap3A_169 = arith.constant 480 : index
    %swap3A_170 = tpu.vector_load %arg6[%swap3A_169] {strides = array<i32>} : memref<640xf32, #tpu.memory_space<vmem>>, vector<16xf32>,
    %swap3A_171 = vector.shape_cast %swap3A_170 : vector<16xf32> to vector<16xf32>
    %swap3A_172 = vector.shape_cast %broadcast_in_dim3A_48 : vector<16xf32> to vector<16xf32>
    tpu.vector_store %arg6[%swap3A_169], %swap3A_172 {strides = array<i32>} : memref<640xf32, #tpu.memory_space<vmem>>, vector<16xf32>,
    %swap3A_173 = arith.constant 496 : index
    %swap3A_174 = tpu.vector_load %arg6[%swap3A_173] {strides = array<i32>} : memref<640xf32, #tpu.memory_space<vmem>>, vector<16xf32>,
    %swap3A_175 = vector.shape_cast %swap3A_174 : vector<16xf32> to vector<16xf32>
    %swap3A_176 = vector.shape_cast %broadcast_in_dim3A_48 : vector<16xf32> to vector<16xf32>
    tpu.vector_store %arg6[%swap3A_173], %swap3A_176 {strides = array<i32>} : memref<640xf32, #tpu.memory_space<vmem>>, vector<16xf32>,
    %swap3A_177 = arith.constant 512 : index
    %swap3A_178 = tpu.vector_load %arg6[%swap3A_177] {strides = array<i32>} : memref<640xf32, #tpu.memory_space<vmem>>, vector<16xf32>,
    %swap3A_179 = vector.shape_cast %swap3A_178 : vector<16xf32> to vector<16xf32>
    %swap3A_180 = vector.shape_cast %broadcast_in_dim3A_48 : vector<16xf32> to vector<16xf32>
    tpu.vector_store %arg6[%swap3A_177], %swap3A_180 {strides = array<i32>} : memref<640xf32, #tpu.memory_space<vmem>>, vector<16xf32>,
    %swap3A_181 = arith.constant 528 : index
    %swap3A_182 = tpu.vector_load %arg6[%swap3A_181] {strides = array<i32>} : memref<640xf32, #tpu.memory_space<vmem>>, vector<16xf32>,
    %swap3A_183 = vector.shape_cast %swap3A_182 : vector<16xf32> to vector<16xf32>
    %swap3A_184 = vector.shape_cast %broadcast_in_dim3A_48 : vector<16xf32> to vector<16xf32>
    tpu.vector_store %arg6[%swap3A_181], %swap3A_184 {strides = array<i32>} : memref<640xf32, #tpu.memory_space<vmem>>, vector<16xf32>,
    %swap3A_185 = arith.constant 544 : index
    %swap3A_186 = tpu.vector_load %arg6[%swap3A_185] {strides = array<i32>} : memref<640xf32, #tpu.memory_space<vmem>>, vector<16xf32>,
    %swap3A_187 = vector.shape_cast %swap3A_186 : vector<16xf32> to vector<16xf32>
    %swap3A_188 = vector.shape_cast %broadcast_in_dim3A_48 : vector<16xf32> to vector<16xf32>
    tpu.vector_store %arg6[%swap3A_185], %swap3A_188 {strides = array<i32>} : memref<640xf32, #tpu.memory_space<vmem>>, vector<16xf32>,
    %swap3A_189 = arith.constant 560 : index
    %swap3A_190 = tpu.vector_load %arg6[%swap3A_189] {strides = array<i32>} : memref<640xf32, #tpu.memory_space<vmem>>, vector<16xf32>,
    %swap3A_191 = vector.shape_cast %swap3A_190 : vector<16xf32> to vector<16xf32>
    %swap3A_192 = vector.shape_cast %broadcast_in_dim3A_48 : vector<16xf32> to vector<16xf32>
    tpu.vector_store %arg6[%swap3A_189], %swap3A_192 {strides = array<i32>} : memref<640xf32, #tpu.memory_space<vmem>>, vector<16xf32>,
    %swap3A_193 = arith.constant 576 : index
    %swap3A_194 = tpu.vector_load %arg6[%swap3A_193] {strides = array<i32>} : memref<640xf32, #tpu.memory_space<vmem>>, vector<16xf32>,
    %swap3A_195 = vector.shape_cast %swap3A_194 : vector<16xf32> to vector<16xf32>
    %swap3A_196 = vector.shape_cast %broadcast_in_dim3A_48 : vector<16xf32> to vector<16xf32>
    tpu.vector_store %arg6[%swap3A_193], %swap3A_196 {strides = array<i32>} : memref<640xf32, #tpu.memory_space<vmem>>, vector<16xf32>,
    %swap3A_197 = arith.constant 592 : index
    %swap3A_198 = tpu.vector_load %arg6[%swap3A_197] {strides = array<i32>} : memref<640xf32, #tpu.memory_space<vmem>>, vector<16xf32>,
    %swap3A_199 = vector.shape_cast %swap3A_198 : vector<16xf32> to vector<16xf32>
    %swap3A_200 = vector.shape_cast %broadcast_in_dim3A_48 : vector<16xf32> to vector<16xf32>
    tpu.vector_store %arg6[%swap3A_197], %swap3A_200 {strides = array<i32>} : memref<640xf32, #tpu.memory_space<vmem>>, vector<16xf32>,
    %swap3A_201 = arith.constant 608 : index
    %swap3A_202 = tpu.vector_load %arg6[%swap3A_201] {strides = array<i32>} : memref<640xf32, #tpu.memory_space<vmem>>, vector<16xf32>,
    %swap3A_203 = vector.shape_cast %swap3A_202 : vector<16xf32> to vector<16xf32>
    %swap3A_204 = vector.shape_cast %broadcast_in_dim3A_48 : vector<16xf32> to vector<16xf32>
    tpu.vector_store %arg6[%swap3A_201], %swap3A_204 {strides = array<i32>} : memref<640xf32, #tpu.memory_space<vmem>>, vector<16xf32>,
    %swap3A_205 = arith.constant 624 : index
    %swap3A_206 = tpu.vector_load %arg6[%swap3A_205] {strides = array<i32>} : memref<640xf32, #tpu.memory_space<vmem>>, vector<16xf32>,
    %swap3A_207 = vector.shape_cast %swap3A_206 : vector<16xf32> to vector<16xf32>
    %swap3A_208 = vector.shape_cast %broadcast_in_dim3A_48 : vector<16xf32> to vector<16xf32>
    tpu.vector_store %arg6[%swap3A_205], %swap3A_208 {strides = array<i32>} : memref<640xf32, #tpu.memory_space<vmem>>, vector<16xf32>,
    %mul3A_209 = arith.constant 640 : i32
    %mul3A_210 = arith.muli %arg1, %mul3A_209 : i32
    "tpu.region"() ({
      %run_scoped3A = tpu.sem_alloc : memref<!tpu.dma_semaphore, #tpu.memory_space<semaphore_mem>>
      %dma_start3A = tpu.memref_slice %arg7[%mul3A_210] : memref<10240xf32, #tpu.memory_space<vmem_shared>> -> memref<640xf32, #tpu.memory_space<vmem_shared>>
      %dma_start3A_221 = tpu.memref_slice %arg7[%mul3A_210] : memref<10240xf32, #tpu.memory_space<vmem_shared>> -> memref<640xf32, #tpu.memory_space<vmem_shared>>
      tpu.enqueue_dma source(%arg6 : memref<640xf32, #tpu.memory_space<vmem>>) target(%dma_start3A_221 : memref<640xf32, #tpu.memory_space<vmem_shared>>) target_semaphore(%run_scoped3A : memref<!tpu.dma_semaphore, #tpu.memory_space<semaphore_mem>>)
      %dma_wait3A = tpu.memref_slice %arg7[%mul3A_210] : memref<10240xf32, #tpu.memory_space<vmem_shared>> -> memref<640xf32, #tpu.memory_space<vmem_shared>>
      %dma_wait3A_222 = tpu.memref_slice %arg7[%mul3A_210] : memref<10240xf32, #tpu.memory_space<vmem_shared>> -> memref<640xf32, #tpu.memory_space<vmem_shared>>
      tpu.wait_dma2 semaphore(%run_scoped3A : memref<!tpu.dma_semaphore, #tpu.memory_space<semaphore_mem>>) src(%arg6 : memref<640xf32, #tpu.memory_space<vmem>>) dst(%dma_wait3A_222 : memref<640xf32, #tpu.memory_space<vmem_shared>>)
      tpu.yield
    }) : () -> ()
    "tpu.region"() ({
      %run_scoped3A = tpu.sem_alloc : memref<!tpu.dma_semaphore, #tpu.memory_space<semaphore_mem>>
      %dma_start3A = arith.constant 0 : i32
      %dma_start3A_221 = arith.constant 0 : i32
      %dma_start3A_222 = tpu.memref_slice %arg2[%add3A, %dma_start3A, %dma_start3A_221] : memref<32x79x128xi32, #tpu.memory_space<hbm>> -> memref<1x79x128xi32, #tpu.memory_space<hbm>>
      %dma_start3A_223 = tpu.memref_squeeze %dma_start3A_222 : memref<1x79x128xi32, #tpu.memory_space<hbm>> -> memref<79x128xi32, #tpu.memory_space<hbm>>
      %dma_start3A_224 = arith.constant 0 : i32
      %dma_start3A_225 = arith.constant 0 : i32
      %dma_start3A_226 = tpu.memref_slice %arg2[%add3A, %dma_start3A_224, %dma_start3A_225] : memref<32x79x128xi32, #tpu.memory_space<hbm>> -> memref<1x79x128xi32, #tpu.memory_space<hbm>>
      %dma_start3A_227 = tpu.memref_squeeze %dma_start3A_226 : memref<1x79x128xi32, #tpu.memory_space<hbm>> -> memref<79x128xi32, #tpu.memory_space<hbm>>
      tpu.enqueue_dma source(%dma_start3A_227 : memref<79x128xi32, #tpu.memory_space<hbm>>) target(%arg4 : memref<79x128xi32, #tpu.memory_space<vmem>>) target_semaphore(%run_scoped3A : memref<!tpu.dma_semaphore, #tpu.memory_space<semaphore_mem>>)
      %dma_wait3A = arith.constant 0 : i32
      %dma_wait3A_228 = arith.constant 0 : i32
      %dma_wait3A_229 = tpu.memref_slice %arg2[%add3A, %dma_wait3A, %dma_wait3A_228] : memref<32x79x128xi32, #tpu.memory_space<hbm>> -> memref<1x79x128xi32, #tpu.memory_space<hbm>>
      %dma_wait3A_230 = tpu.memref_squeeze %dma_wait3A_229 : memref<1x79x128xi32, #tpu.memory_space<hbm>> -> memref<79x128xi32, #tpu.memory_space<hbm>>
      %dma_wait3A_231 = arith.constant 0 : i32
      %dma_wait3A_232 = arith.constant 0 : i32
      %dma_wait3A_233 = tpu.memref_slice %arg2[%add3A, %dma_wait3A_231, %dma_wait3A_232] : memref<32x79x128xi32, #tpu.memory_space<hbm>> -> memref<1x79x128xi32, #tpu.memory_space<hbm>>
      %dma_wait3A_234 = tpu.memref_squeeze %dma_wait3A_233 : memref<1x79x128xi32, #tpu.memory_space<hbm>> -> memref<79x128xi32, #tpu.memory_space<hbm>>
      tpu.wait_dma2 semaphore(%run_scoped3A : memref<!tpu.dma_semaphore, #tpu.memory_space<semaphore_mem>>) src(%dma_wait3A_234 : memref<79x128xi32, #tpu.memory_space<hbm>>) dst(%arg4 : memref<79x128xi32, #tpu.memory_space<vmem>>)
      tpu.yield
    }) : () -> ()
    %barrier3A = arith.constant 0 : index
    tpu.barrier barrier_id(%barrier3A)
    %scan3A = arith.constant 0 : i32
    %scan3A_211 = arith.constant 0 : i32
    %scan3A_212 = arith.constant 79 : i32
    %scan3A_213 = arith.addi %scan3A_211, %scan3A_212 : i32
    %scan3A_214 = arith.constant 1 : i32
    scf.for %scan3A_221 = %scan3A_211 to %scan3A_213 step %scan3A_214  : i32 {
      "tpu.region"() ({
        %run_scoped3A = tpu.sem_alloc : memref<!tpu.dma_semaphore, #tpu.memory_space<semaphore_mem>>
        %dma_start3A = arith.constant 0 : i32
        %dma_start3A_222 = tpu.memref_slice %arg4[%scan3A_221, %dma_start3A] : memref<79x128xi32, #tpu.memory_space<vmem>> -> memref<1x128xi32, #tpu.memory_space<vmem>>
        %dma_start3A_223 = tpu.memref_squeeze %dma_start3A_222 : memref<1x128xi32, #tpu.memory_space<vmem>> -> memref<128xi32, #tpu.memory_space<vmem>>
        %dma_start3A_224 = arith.constant 0 : i32
        %dma_start3A_225 = tpu.memref_slice %arg7[%dma_start3A_224] : memref<10240xf32, #tpu.memory_space<vmem_shared>> -> memref<10240xf32, #tpu.memory_space<vmem_shared>>
        tpu.enqueue_indirect_dma source(%arg5 : memref<128xf32, #tpu.memory_space<vmem>>) target(%dma_start3A_225 : memref<10240xf32, #tpu.memory_space<vmem_shared>>) offsets(%dma_start3A_223 : memref<128xi32, #tpu.memory_space<vmem>>) semaphore(%run_scoped3A : memref<!tpu.dma_semaphore, #tpu.memory_space<semaphore_mem>>) {add = true}
        %dma_wait3A = arith.constant 0 : i32
        %dma_wait3A_226 = tpu.memref_slice %arg4[%scan3A_221, %dma_wait3A] : memref<79x128xi32, #tpu.memory_space<vmem>> -> memref<1x128xi32, #tpu.memory_space<vmem>>
        %dma_wait3A_227 = tpu.memref_squeeze %dma_wait3A_226 : memref<1x128xi32, #tpu.memory_space<vmem>> -> memref<128xi32, #tpu.memory_space<vmem>>
        %dma_wait3A_228 = arith.constant 0 : i32
        %dma_wait3A_229 = tpu.memref_slice %arg7[%dma_wait3A_228] : memref<10240xf32, #tpu.memory_space<vmem_shared>> -> memref<10240xf32, #tpu.memory_space<vmem_shared>>
        tpu.wait_indirect_dma semaphore(%run_scoped3A : memref<!tpu.dma_semaphore, #tpu.memory_space<semaphore_mem>>) src(%arg5 : memref<128xf32, #tpu.memory_space<vmem>>) dst(%dma_wait3A_229 : memref<10240xf32, #tpu.memory_space<vmem_shared>>)
        tpu.yield
      }) : () -> ()
    }
    %scan3A_215 = arith.constant 79 : i32
    %barrier3A_216 = arith.constant 0 : index
    tpu.barrier barrier_id(%barrier3A_216)
    %mul3A_217 = arith.constant 640 : i32
    %mul3A_218 = arith.muli %arg1, %mul3A_217 : i32
    %mul3A_219 = arith.constant 640 : i32
    %mul3A_220 = arith.muli %arg1, %mul3A_219 : i32
    "tpu.region"() ({
      %run_scoped3A = tpu.sem_alloc : memref<!tpu.dma_semaphore, #tpu.memory_space<semaphore_mem>>
      %dma_start3A = tpu.memref_slice %arg3[%arg0, %mul3A_220] : memref<2x10240xf32, #tpu.memory_space<hbm>> -> memref<1x640xf32, #tpu.memory_space<hbm>>
      %dma_start3A_221 = tpu.memref_squeeze %dma_start3A : memref<1x640xf32, #tpu.memory_space<hbm>> -> memref<640xf32, #tpu.memory_space<hbm>>
      %dma_start3A_222 = tpu.memref_slice %arg7[%mul3A_218] : memref<10240xf32, #tpu.memory_space<vmem_shared>> -> memref<640xf32, #tpu.memory_space<vmem_shared>>
      tpu.enqueue_dma source(%dma_start3A_222 : memref<640xf32, #tpu.memory_space<vmem_shared>>) target(%dma_start3A_221 : memref<640xf32, #tpu.memory_space<hbm>>) target_semaphore(%run_scoped3A : memref<!tpu.dma_semaphore, #tpu.memory_space<semaphore_mem>>)
      %dma_wait3A = tpu.memref_slice %arg3[%arg0, %mul3A_220] : memref<2x10240xf32, #tpu.memory_space<hbm>> -> memref<1x640xf32, #tpu.memory_space<hbm>>
      %dma_wait3A_223 = tpu.memref_squeeze %dma_wait3A : memref<1x640xf32, #tpu.memory_space<hbm>> -> memref<640xf32, #tpu.memory_space<hbm>>
      %dma_wait3A_224 = tpu.memref_slice %arg7[%mul3A_218] : memref<10240xf32, #tpu.memory_space<vmem_shared>> -> memref<640xf32, #tpu.memory_space<vmem_shared>>
      tpu.wait_dma2 semaphore(%run_scoped3A : memref<!tpu.dma_semaphore, #tpu.memory_space<semaphore_mem>>) src(%dma_wait3A_224 : memref<640xf32, #tpu.memory_space<vmem_shared>>) dst(%dma_wait3A_223 : memref<640xf32, #tpu.memory_space<hbm>>)
      tpu.yield
    }) : () -> ()
    return
  }
}

#map = affine_map<(d0, d1) -> (0, 0)>
#map1 = affine_map<(d0, d1) -> (0, 0, 0)>
module attributes {stable_mosaic.version = 14 : i64} {
  func.func @spmm(%arg0: i32, %arg1: i32, %arg2: memref<10240x128xf32, #tpu.memory_space<hbm>>, %arg3: memref<32x79x128xi32, #tpu.memory_space<hbm>>, %arg4: memref<32x79x128xi32, #tpu.memory_space<hbm>>, %arg5: memref<2x10240x128xf32, #tpu.memory_space<hbm>>, %arg6: memref<128xi32, #tpu.memory_space<vmem>>, %arg7: memref<128xi32, #tpu.memory_space<vmem>>, %arg8: memref<128xi32, #tpu.memory_space<vmem>>, %arg9: memref<128xi32, #tpu.memory_space<vmem>>, %arg10: memref<128x128xf32, #tpu.memory_space<vmem>>, %arg11: memref<128x128xf32, #tpu.memory_space<vmem>>, %arg12: memref<10240x128xf32, #tpu.memory_space<vmem_shared>>, %arg13: memref<!tpu.dma_semaphore, #tpu.memory_space<semaphore_mem>>, %arg14: memref<!tpu.dma_semaphore, #tpu.memory_space<semaphore_mem>>, %arg15: memref<!tpu.dma_semaphore, #tpu.memory_space<semaphore_mem>>, %arg16: memref<!tpu.dma_semaphore, #tpu.memory_space<semaphore_mem>>) attributes {dimension_semantics = [#tpu.dimension_semantics<core_parallel>, #tpu.dimension_semantics<subcore_parallel>], iteration_bounds = array<i64: 2, 16>, scalar_prefetch = 0 : i64, scratch_operands = 11 : i64, tpu.core_type = #tpu.core_type<sc_vector_subcore>, window_params = [{transform_indices = #map}, {transform_indices = #map1}, {transform_indices = #map1}, {transform_indices = #map1}]} {
    %mul3A = arith.constant 2 : i32
    %mul3A_0 = arith.muli %arg1, %mul3A : i32
    %add3A = arith.addi %mul3A_0, %arg0 : i32
    %broadcast_in_dim3A = arith.constant 0.000000e+00 : f32
    %broadcast_in_dim3A_1 = vector.broadcast %broadcast_in_dim3A : f32 to vector<16xf32>
    %scan3A = arith.constant 0 : i32
    %scan3A_2 = arith.constant 0 : i32
    %scan3A_3 = arith.constant 128 : i32
    %scan3A_4 = arith.addi %scan3A_2, %scan3A_3 : i32
    %scan3A_5 = arith.constant 1 : i32
    scf.for %scan3A_98 = %scan3A_2 to %scan3A_4 step %scan3A_5  : i32 {
      %swap3A = arith.index_cast %scan3A_98 : i32 to index
      %swap3A_99 = arith.constant 0 : index
      %swap3A_100 = tpu.vector_load %arg10[%swap3A, %swap3A_99] {strides = array<i32>} : memref<128x128xf32, #tpu.memory_space<vmem>>, vector<1x16xf32>,
      %swap3A_101 = vector.shape_cast %swap3A_100 : vector<1x16xf32> to vector<16xf32>
      %swap3A_102 = vector.shape_cast %broadcast_in_dim3A_1 : vector<16xf32> to vector<1x16xf32>
      tpu.vector_store %arg10[%swap3A, %swap3A_99], %swap3A_102 {strides = array<i32>} : memref<128x128xf32, #tpu.memory_space<vmem>>, vector<1x16xf32>,
      %swap3A_103 = arith.index_cast %scan3A_98 : i32 to index
      %swap3A_104 = arith.constant 16 : index
      %swap3A_105 = tpu.vector_load %arg10[%swap3A_103, %swap3A_104] {strides = array<i32>} : memref<128x128xf32, #tpu.memory_space<vmem>>, vector<1x16xf32>,
      %swap3A_106 = vector.shape_cast %swap3A_105 : vector<1x16xf32> to vector<16xf32>
      %swap3A_107 = vector.shape_cast %broadcast_in_dim3A_1 : vector<16xf32> to vector<1x16xf32>
      tpu.vector_store %arg10[%swap3A_103, %swap3A_104], %swap3A_107 {strides = array<i32>} : memref<128x128xf32, #tpu.memory_space<vmem>>, vector<1x16xf32>,
      %swap3A_108 = arith.index_cast %scan3A_98 : i32 to index
      %swap3A_109 = arith.constant 32 : index
      %swap3A_110 = tpu.vector_load %arg10[%swap3A_108, %swap3A_109] {strides = array<i32>} : memref<128x128xf32, #tpu.memory_space<vmem>>, vector<1x16xf32>,
      %swap3A_111 = vector.shape_cast %swap3A_110 : vector<1x16xf32> to vector<16xf32>
      %swap3A_112 = vector.shape_cast %broadcast_in_dim3A_1 : vector<16xf32> to vector<1x16xf32>
      tpu.vector_store %arg10[%swap3A_108, %swap3A_109], %swap3A_112 {strides = array<i32>} : memref<128x128xf32, #tpu.memory_space<vmem>>, vector<1x16xf32>,
      %swap3A_113 = arith.index_cast %scan3A_98 : i32 to index
      %swap3A_114 = arith.constant 48 : index
      %swap3A_115 = tpu.vector_load %arg10[%swap3A_113, %swap3A_114] {strides = array<i32>} : memref<128x128xf32, #tpu.memory_space<vmem>>, vector<1x16xf32>,
      %swap3A_116 = vector.shape_cast %swap3A_115 : vector<1x16xf32> to vector<16xf32>
      %swap3A_117 = vector.shape_cast %broadcast_in_dim3A_1 : vector<16xf32> to vector<1x16xf32>
      tpu.vector_store %arg10[%swap3A_113, %swap3A_114], %swap3A_117 {strides = array<i32>} : memref<128x128xf32, #tpu.memory_space<vmem>>, vector<1x16xf32>,
      %swap3A_118 = arith.index_cast %scan3A_98 : i32 to index
      %swap3A_119 = arith.constant 64 : index
      %swap3A_120 = tpu.vector_load %arg10[%swap3A_118, %swap3A_119] {strides = array<i32>} : memref<128x128xf32, #tpu.memory_space<vmem>>, vector<1x16xf32>,
      %swap3A_121 = vector.shape_cast %swap3A_120 : vector<1x16xf32> to vector<16xf32>
      %swap3A_122 = vector.shape_cast %broadcast_in_dim3A_1 : vector<16xf32> to vector<1x16xf32>
      tpu.vector_store %arg10[%swap3A_118, %swap3A_119], %swap3A_122 {strides = array<i32>} : memref<128x128xf32, #tpu.memory_space<vmem>>, vector<1x16xf32>,
      %swap3A_123 = arith.index_cast %scan3A_98 : i32 to index
      %swap3A_124 = arith.constant 80 : index
      %swap3A_125 = tpu.vector_load %arg10[%swap3A_123, %swap3A_124] {strides = array<i32>} : memref<128x128xf32, #tpu.memory_space<vmem>>, vector<1x16xf32>,
      %swap3A_126 = vector.shape_cast %swap3A_125 : vector<1x16xf32> to vector<16xf32>
      %swap3A_127 = vector.shape_cast %broadcast_in_dim3A_1 : vector<16xf32> to vector<1x16xf32>
      tpu.vector_store %arg10[%swap3A_123, %swap3A_124], %swap3A_127 {strides = array<i32>} : memref<128x128xf32, #tpu.memory_space<vmem>>, vector<1x16xf32>,
      %swap3A_128 = arith.index_cast %scan3A_98 : i32 to index
      %swap3A_129 = arith.constant 96 : index
      %swap3A_130 = tpu.vector_load %arg10[%swap3A_128, %swap3A_129] {strides = array<i32>} : memref<128x128xf32, #tpu.memory_space<vmem>>, vector<1x16xf32>,
      %swap3A_131 = vector.shape_cast %swap3A_130 : vector<1x16xf32> to vector<16xf32>
      %swap3A_132 = vector.shape_cast %broadcast_in_dim3A_1 : vector<16xf32> to vector<1x16xf32>
      tpu.vector_store %arg10[%swap3A_128, %swap3A_129], %swap3A_132 {strides = array<i32>} : memref<128x128xf32, #tpu.memory_space<vmem>>, vector<1x16xf32>,
      %swap3A_133 = arith.index_cast %scan3A_98 : i32 to index
      %swap3A_134 = arith.constant 112 : index
      %swap3A_135 = tpu.vector_load %arg10[%swap3A_133, %swap3A_134] {strides = array<i32>} : memref<128x128xf32, #tpu.memory_space<vmem>>, vector<1x16xf32>,
      %swap3A_136 = vector.shape_cast %swap3A_135 : vector<1x16xf32> to vector<16xf32>
      %swap3A_137 = vector.shape_cast %broadcast_in_dim3A_1 : vector<16xf32> to vector<1x16xf32>
      tpu.vector_store %arg10[%swap3A_133, %swap3A_134], %swap3A_137 {strides = array<i32>} : memref<128x128xf32, #tpu.memory_space<vmem>>, vector<1x16xf32>,
    }
    %scan3A_6 = arith.constant 128 : i32
    %mul3A_7 = arith.constant 640 : i32
    %mul3A_8 = arith.muli %arg1, %mul3A_7 : i32
    %add3A_9 = arith.constant 0 : i32
    %add3A_10 = arith.addi %mul3A_8, %add3A_9 : i32
    "tpu.region"() ({
      %run_scoped3A = tpu.sem_alloc : memref<!tpu.dma_semaphore, #tpu.memory_space<semaphore_mem>>
      %dma_start3A_98 = arith.constant 0 : i32
      %dma_start3A_99 = tpu.memref_slice %arg12[%add3A_10, %dma_start3A_98] : memref<10240x128xf32, #tpu.memory_space<vmem_shared>> -> memref<128x128xf32, #tpu.memory_space<vmem_shared>>
      %dma_start3A_100 = arith.constant 0 : i32
      %dma_start3A_101 = tpu.memref_slice %arg12[%add3A_10, %dma_start3A_100] : memref<10240x128xf32, #tpu.memory_space<vmem_shared>> -> memref<128x128xf32, #tpu.memory_space<vmem_shared>>
      tpu.enqueue_dma source(%arg10 : memref<128x128xf32, #tpu.memory_space<vmem>>) target(%dma_start3A_101 : memref<128x128xf32, #tpu.memory_space<vmem_shared>>) target_semaphore(%run_scoped3A : memref<!tpu.dma_semaphore, #tpu.memory_space<semaphore_mem>>)
      %dma_wait3A_102 = arith.constant 0 : i32
      %dma_wait3A_103 = tpu.memref_slice %arg12[%add3A_10, %dma_wait3A_102] : memref<10240x128xf32, #tpu.memory_space<vmem_shared>> -> memref<128x128xf32, #tpu.memory_space<vmem_shared>>
      %dma_wait3A_104 = arith.constant 0 : i32
      %dma_wait3A_105 = tpu.memref_slice %arg12[%add3A_10, %dma_wait3A_104] : memref<10240x128xf32, #tpu.memory_space<vmem_shared>> -> memref<128x128xf32, #tpu.memory_space<vmem_shared>>
      tpu.wait_dma2 semaphore(%run_scoped3A : memref<!tpu.dma_semaphore, #tpu.memory_space<semaphore_mem>>) src(%arg10 : memref<128x128xf32, #tpu.memory_space<vmem>>) dst(%dma_wait3A_105 : memref<128x128xf32, #tpu.memory_space<vmem_shared>>)
      tpu.yield
    }) : () -> ()
    %mul3A_11 = arith.constant 640 : i32
    %mul3A_12 = arith.muli %arg1, %mul3A_11 : i32
    %add3A_13 = arith.constant 128 : i32
    %add3A_14 = arith.addi %mul3A_12, %add3A_13 : i32
    "tpu.region"() ({
      %run_scoped3A = tpu.sem_alloc : memref<!tpu.dma_semaphore, #tpu.memory_space<semaphore_mem>>
      %dma_start3A_98 = arith.constant 0 : i32
      %dma_start3A_99 = tpu.memref_slice %arg12[%add3A_14, %dma_start3A_98] : memref<10240x128xf32, #tpu.memory_space<vmem_shared>> -> memref<128x128xf32, #tpu.memory_space<vmem_shared>>
      %dma_start3A_100 = arith.constant 0 : i32
      %dma_start3A_101 = tpu.memref_slice %arg12[%add3A_14, %dma_start3A_100] : memref<10240x128xf32, #tpu.memory_space<vmem_shared>> -> memref<128x128xf32, #tpu.memory_space<vmem_shared>>
      tpu.enqueue_dma source(%arg10 : memref<128x128xf32, #tpu.memory_space<vmem>>) target(%dma_start3A_101 : memref<128x128xf32, #tpu.memory_space<vmem_shared>>) target_semaphore(%run_scoped3A : memref<!tpu.dma_semaphore, #tpu.memory_space<semaphore_mem>>)
      %dma_wait3A_102 = arith.constant 0 : i32
      %dma_wait3A_103 = tpu.memref_slice %arg12[%add3A_14, %dma_wait3A_102] : memref<10240x128xf32, #tpu.memory_space<vmem_shared>> -> memref<128x128xf32, #tpu.memory_space<vmem_shared>>
      %dma_wait3A_104 = arith.constant 0 : i32
      %dma_wait3A_105 = tpu.memref_slice %arg12[%add3A_14, %dma_wait3A_104] : memref<10240x128xf32, #tpu.memory_space<vmem_shared>> -> memref<128x128xf32, #tpu.memory_space<vmem_shared>>
      tpu.wait_dma2 semaphore(%run_scoped3A : memref<!tpu.dma_semaphore, #tpu.memory_space<semaphore_mem>>) src(%arg10 : memref<128x128xf32, #tpu.memory_space<vmem>>) dst(%dma_wait3A_105 : memref<128x128xf32, #tpu.memory_space<vmem_shared>>)
      tpu.yield
    }) : () -> ()
    %mul3A_15 = arith.constant 640 : i32
    %mul3A_16 = arith.muli %arg1, %mul3A_15 : i32
    %add3A_17 = arith.constant 256 : i32
    %add3A_18 = arith.addi %mul3A_16, %add3A_17 : i32
    "tpu.region"() ({
      %run_scoped3A = tpu.sem_alloc : memref<!tpu.dma_semaphore, #tpu.memory_space<semaphore_mem>>
      %dma_start3A_98 = arith.constant 0 : i32
      %dma_start3A_99 = tpu.memref_slice %arg12[%add3A_18, %dma_start3A_98] : memref<10240x128xf32, #tpu.memory_space<vmem_shared>> -> memref<128x128xf32, #tpu.memory_space<vmem_shared>>
      %dma_start3A_100 = arith.constant 0 : i32
      %dma_start3A_101 = tpu.memref_slice %arg12[%add3A_18, %dma_start3A_100] : memref<10240x128xf32, #tpu.memory_space<vmem_shared>> -> memref<128x128xf32, #tpu.memory_space<vmem_shared>>
      tpu.enqueue_dma source(%arg10 : memref<128x128xf32, #tpu.memory_space<vmem>>) target(%dma_start3A_101 : memref<128x128xf32, #tpu.memory_space<vmem_shared>>) target_semaphore(%run_scoped3A : memref<!tpu.dma_semaphore, #tpu.memory_space<semaphore_mem>>)
      %dma_wait3A_102 = arith.constant 0 : i32
      %dma_wait3A_103 = tpu.memref_slice %arg12[%add3A_18, %dma_wait3A_102] : memref<10240x128xf32, #tpu.memory_space<vmem_shared>> -> memref<128x128xf32, #tpu.memory_space<vmem_shared>>
      %dma_wait3A_104 = arith.constant 0 : i32
      %dma_wait3A_105 = tpu.memref_slice %arg12[%add3A_18, %dma_wait3A_104] : memref<10240x128xf32, #tpu.memory_space<vmem_shared>> -> memref<128x128xf32, #tpu.memory_space<vmem_shared>>
      tpu.wait_dma2 semaphore(%run_scoped3A : memref<!tpu.dma_semaphore, #tpu.memory_space<semaphore_mem>>) src(%arg10 : memref<128x128xf32, #tpu.memory_space<vmem>>) dst(%dma_wait3A_105 : memref<128x128xf32, #tpu.memory_space<vmem_shared>>)
      tpu.yield
    }) : () -> ()
    %mul3A_19 = arith.constant 640 : i32
    %mul3A_20 = arith.muli %arg1, %mul3A_19 : i32
    %add3A_21 = arith.constant 384 : i32
    %add3A_22 = arith.addi %mul3A_20, %add3A_21 : i32
    "tpu.region"() ({
      %run_scoped3A = tpu.sem_alloc : memref<!tpu.dma_semaphore, #tpu.memory_space<semaphore_mem>>
      %dma_start3A_98 = arith.constant 0 : i32
      %dma_start3A_99 = tpu.memref_slice %arg12[%add3A_22, %dma_start3A_98] : memref<10240x128xf32, #tpu.memory_space<vmem_shared>> -> memref<128x128xf32, #tpu.memory_space<vmem_shared>>
      %dma_start3A_100 = arith.constant 0 : i32
      %dma_start3A_101 = tpu.memref_slice %arg12[%add3A_22, %dma_start3A_100] : memref<10240x128xf32, #tpu.memory_space<vmem_shared>> -> memref<128x128xf32, #tpu.memory_space<vmem_shared>>
      tpu.enqueue_dma source(%arg10 : memref<128x128xf32, #tpu.memory_space<vmem>>) target(%dma_start3A_101 : memref<128x128xf32, #tpu.memory_space<vmem_shared>>) target_semaphore(%run_scoped3A : memref<!tpu.dma_semaphore, #tpu.memory_space<semaphore_mem>>)
      %dma_wait3A_102 = arith.constant 0 : i32
      %dma_wait3A_103 = tpu.memref_slice %arg12[%add3A_22, %dma_wait3A_102] : memref<10240x128xf32, #tpu.memory_space<vmem_shared>> -> memref<128x128xf32, #tpu.memory_space<vmem_shared>>
      %dma_wait3A_104 = arith.constant 0 : i32
      %dma_wait3A_105 = tpu.memref_slice %arg12[%add3A_22, %dma_wait3A_104] : memref<10240x128xf32, #tpu.memory_space<vmem_shared>> -> memref<128x128xf32, #tpu.memory_space<vmem_shared>>
      tpu.wait_dma2 semaphore(%run_scoped3A : memref<!tpu.dma_semaphore, #tpu.memory_space<semaphore_mem>>) src(%arg10 : memref<128x128xf32, #tpu.memory_space<vmem>>) dst(%dma_wait3A_105 : memref<128x128xf32, #tpu.memory_space<vmem_shared>>)
      tpu.yield
    }) : () -> ()
    %mul3A_23 = arith.constant 640 : i32
    %mul3A_24 = arith.muli %arg1, %mul3A_23 : i32
    %add3A_25 = arith.constant 512 : i32
    %add3A_26 = arith.addi %mul3A_24, %add3A_25 : i32
    "tpu.region"() ({
      %run_scoped3A = tpu.sem_alloc : memref<!tpu.dma_semaphore, #tpu.memory_space<semaphore_mem>>
      %dma_start3A_98 = arith.constant 0 : i32
      %dma_start3A_99 = tpu.memref_slice %arg12[%add3A_26, %dma_start3A_98] : memref<10240x128xf32, #tpu.memory_space<vmem_shared>> -> memref<128x128xf32, #tpu.memory_space<vmem_shared>>
      %dma_start3A_100 = arith.constant 0 : i32
      %dma_start3A_101 = tpu.memref_slice %arg12[%add3A_26, %dma_start3A_100] : memref<10240x128xf32, #tpu.memory_space<vmem_shared>> -> memref<128x128xf32, #tpu.memory_space<vmem_shared>>
      tpu.enqueue_dma source(%arg10 : memref<128x128xf32, #tpu.memory_space<vmem>>) target(%dma_start3A_101 : memref<128x128xf32, #tpu.memory_space<vmem_shared>>) target_semaphore(%run_scoped3A : memref<!tpu.dma_semaphore, #tpu.memory_space<semaphore_mem>>)
      %dma_wait3A_102 = arith.constant 0 : i32
      %dma_wait3A_103 = tpu.memref_slice %arg12[%add3A_26, %dma_wait3A_102] : memref<10240x128xf32, #tpu.memory_space<vmem_shared>> -> memref<128x128xf32, #tpu.memory_space<vmem_shared>>
      %dma_wait3A_104 = arith.constant 0 : i32
      %dma_wait3A_105 = tpu.memref_slice %arg12[%add3A_26, %dma_wait3A_104] : memref<10240x128xf32, #tpu.memory_space<vmem_shared>> -> memref<128x128xf32, #tpu.memory_space<vmem_shared>>
      tpu.wait_dma2 semaphore(%run_scoped3A : memref<!tpu.dma_semaphore, #tpu.memory_space<semaphore_mem>>) src(%arg10 : memref<128x128xf32, #tpu.memory_space<vmem>>) dst(%dma_wait3A_105 : memref<128x128xf32, #tpu.memory_space<vmem_shared>>)
      tpu.yield
    }) : () -> ()
    %barrier3A = arith.constant 0 : index
    tpu.barrier barrier_id(%barrier3A)
    %dma_start3A = arith.constant 0 : i32
    %dma_start3A_27 = arith.constant 0 : i32
    %dma_start3A_28 = tpu.memref_slice %arg3[%add3A, %dma_start3A, %dma_start3A_27] : memref<32x79x128xi32, #tpu.memory_space<hbm>> -> memref<1x1x128xi32, #tpu.memory_space<hbm>>
    %dma_start3A_29 = tpu.memref_squeeze %dma_start3A_28 : memref<1x1x128xi32, #tpu.memory_space<hbm>> -> memref<128xi32, #tpu.memory_space<hbm>>
    %dma_start3A_30 = arith.constant 0 : i32
    %dma_start3A_31 = tpu.memref_slice %arg3[%add3A, %dma_start3A, %dma_start3A_30] : memref<32x79x128xi32, #tpu.memory_space<hbm>> -> memref<1x1x128xi32, #tpu.memory_space<hbm>>
    %dma_start3A_32 = tpu.memref_squeeze %dma_start3A_31 : memref<1x1x128xi32, #tpu.memory_space<hbm>> -> memref<128xi32, #tpu.memory_space<hbm>>
    tpu.enqueue_dma source(%dma_start3A_32 : memref<128xi32, #tpu.memory_space<hbm>>) target(%arg6 : memref<128xi32, #tpu.memory_space<vmem>>) target_semaphore(%arg13 : memref<!tpu.dma_semaphore, #tpu.memory_space<semaphore_mem>>)
    %dma_start3A_33 = arith.constant 0 : i32
    %dma_start3A_34 = arith.constant 0 : i32
    %dma_start3A_35 = tpu.memref_slice %arg4[%add3A, %dma_start3A_33, %dma_start3A_34] : memref<32x79x128xi32, #tpu.memory_space<hbm>> -> memref<1x1x128xi32, #tpu.memory_space<hbm>>
    %dma_start3A_36 = tpu.memref_squeeze %dma_start3A_35 : memref<1x1x128xi32, #tpu.memory_space<hbm>> -> memref<128xi32, #tpu.memory_space<hbm>>
    %dma_start3A_37 = arith.constant 0 : i32
    %dma_start3A_38 = tpu.memref_slice %arg4[%add3A, %dma_start3A_33, %dma_start3A_37] : memref<32x79x128xi32, #tpu.memory_space<hbm>> -> memref<1x1x128xi32, #tpu.memory_space<hbm>>
    %dma_start3A_39 = tpu.memref_squeeze %dma_start3A_38 : memref<1x1x128xi32, #tpu.memory_space<hbm>> -> memref<128xi32, #tpu.memory_space<hbm>>
    tpu.enqueue_dma source(%dma_start3A_39 : memref<128xi32, #tpu.memory_space<hbm>>) target(%arg7 : memref<128xi32, #tpu.memory_space<vmem>>) target_semaphore(%arg13 : memref<!tpu.dma_semaphore, #tpu.memory_space<semaphore_mem>>)
    %dma_wait3A = arith.constant 0 : i32
    %dma_wait3A_40 = arith.constant 0 : i32
    %dma_wait3A_41 = tpu.memref_slice %arg3[%add3A, %dma_wait3A, %dma_wait3A_40] : memref<32x79x128xi32, #tpu.memory_space<hbm>> -> memref<1x1x128xi32, #tpu.memory_space<hbm>>
    %dma_wait3A_42 = tpu.memref_squeeze %dma_wait3A_41 : memref<1x1x128xi32, #tpu.memory_space<hbm>> -> memref<128xi32, #tpu.memory_space<hbm>>
    %dma_wait3A_43 = arith.constant 0 : i32
    %dma_wait3A_44 = tpu.memref_slice %arg3[%add3A, %dma_wait3A, %dma_wait3A_43] : memref<32x79x128xi32, #tpu.memory_space<hbm>> -> memref<1x1x128xi32, #tpu.memory_space<hbm>>
    %dma_wait3A_45 = tpu.memref_squeeze %dma_wait3A_44 : memref<1x1x128xi32, #tpu.memory_space<hbm>> -> memref<128xi32, #tpu.memory_space<hbm>>
    tpu.wait_dma2 semaphore(%arg13 : memref<!tpu.dma_semaphore, #tpu.memory_space<semaphore_mem>>) src(%dma_wait3A_45 : memref<128xi32, #tpu.memory_space<hbm>>) dst(%arg6 : memref<128xi32, #tpu.memory_space<vmem>>)
    %dma_wait3A_46 = arith.constant 0 : i32
    %dma_wait3A_47 = arith.constant 0 : i32
    %dma_wait3A_48 = tpu.memref_slice %arg4[%add3A, %dma_wait3A_46, %dma_wait3A_47] : memref<32x79x128xi32, #tpu.memory_space<hbm>> -> memref<1x1x128xi32, #tpu.memory_space<hbm>>
    %dma_wait3A_49 = tpu.memref_squeeze %dma_wait3A_48 : memref<1x1x128xi32, #tpu.memory_space<hbm>> -> memref<128xi32, #tpu.memory_space<hbm>>
    %dma_wait3A_50 = arith.constant 0 : i32
    %dma_wait3A_51 = tpu.memref_slice %arg4[%add3A, %dma_wait3A_46, %dma_wait3A_50] : memref<32x79x128xi32, #tpu.memory_space<hbm>> -> memref<1x1x128xi32, #tpu.memory_space<hbm>>
    %dma_wait3A_52 = tpu.memref_squeeze %dma_wait3A_51 : memref<1x1x128xi32, #tpu.memory_space<hbm>> -> memref<128xi32, #tpu.memory_space<hbm>>
    tpu.wait_dma2 semaphore(%arg13 : memref<!tpu.dma_semaphore, #tpu.memory_space<semaphore_mem>>) src(%dma_wait3A_52 : memref<128xi32, #tpu.memory_space<hbm>>) dst(%arg7 : memref<128xi32, #tpu.memory_space<vmem>>)
    %dma_start3A_53 = arith.constant 0 : i32
    %dma_start3A_54 = arith.constant 0 : i32
    %dma_start3A_55 = tpu.memref_slice %arg2[%dma_start3A_53, %dma_start3A_54] : memref<10240x128xf32, #tpu.memory_space<hbm>> -> memref<10240x128xf32, #tpu.memory_space<hbm>>
    tpu.enqueue_indirect_dma source(%dma_start3A_55 : memref<10240x128xf32, #tpu.memory_space<hbm>>) target(%arg10 : memref<128x128xf32, #tpu.memory_space<vmem>>) offsets(%arg6 : memref<128xi32, #tpu.memory_space<vmem>>) semaphore(%arg15 : memref<!tpu.dma_semaphore, #tpu.memory_space<semaphore_mem>>)
    %dma_start3A_56 = arith.constant 1 : i32
    %dma_start3A_57 = arith.constant 0 : i32
    %dma_start3A_58 = tpu.memref_slice %arg3[%add3A, %dma_start3A_56, %dma_start3A_57] : memref<32x79x128xi32, #tpu.memory_space<hbm>> -> memref<1x1x128xi32, #tpu.memory_space<hbm>>
    %dma_start3A_59 = tpu.memref_squeeze %dma_start3A_58 : memref<1x1x128xi32, #tpu.memory_space<hbm>> -> memref<128xi32, #tpu.memory_space<hbm>>
    %dma_start3A_60 = arith.constant 0 : i32
    %dma_start3A_61 = tpu.memref_slice %arg3[%add3A, %dma_start3A_56, %dma_start3A_60] : memref<32x79x128xi32, #tpu.memory_space<hbm>> -> memref<1x1x128xi32, #tpu.memory_space<hbm>>
    %dma_start3A_62 = tpu.memref_squeeze %dma_start3A_61 : memref<1x1x128xi32, #tpu.memory_space<hbm>> -> memref<128xi32, #tpu.memory_space<hbm>>
    tpu.enqueue_dma source(%dma_start3A_62 : memref<128xi32, #tpu.memory_space<hbm>>) target(%arg8 : memref<128xi32, #tpu.memory_space<vmem>>) target_semaphore(%arg14 : memref<!tpu.dma_semaphore, #tpu.memory_space<semaphore_mem>>)
    %dma_start3A_63 = arith.constant 1 : i32
    %dma_start3A_64 = arith.constant 0 : i32
    %dma_start3A_65 = tpu.memref_slice %arg4[%add3A, %dma_start3A_63, %dma_start3A_64] : memref<32x79x128xi32, #tpu.memory_space<hbm>> -> memref<1x1x128xi32, #tpu.memory_space<hbm>>
    %dma_start3A_66 = tpu.memref_squeeze %dma_start3A_65 : memref<1x1x128xi32, #tpu.memory_space<hbm>> -> memref<128xi32, #tpu.memory_space<hbm>>
    %dma_start3A_67 = arith.constant 0 : i32
    %dma_start3A_68 = tpu.memref_slice %arg4[%add3A, %dma_start3A_63, %dma_start3A_67] : memref<32x79x128xi32, #tpu.memory_space<hbm>> -> memref<1x1x128xi32, #tpu.memory_space<hbm>>
    %dma_start3A_69 = tpu.memref_squeeze %dma_start3A_68 : memref<1x1x128xi32, #tpu.memory_space<hbm>> -> memref<128xi32, #tpu.memory_space<hbm>>
    tpu.enqueue_dma source(%dma_start3A_69 : memref<128xi32, #tpu.memory_space<hbm>>) target(%arg9 : memref<128xi32, #tpu.memory_space<vmem>>) target_semaphore(%arg14 : memref<!tpu.dma_semaphore, #tpu.memory_space<semaphore_mem>>)
    %scan3A_70 = arith.constant 0 : i32
    %scan3A_71 = arith.constant 0 : i32
    %scan3A_72 = arith.constant 39 : i32
    %scan3A_73 = arith.addi %scan3A_71, %scan3A_72 : i32
    %scan3A_74 = arith.constant 1 : i32
    scf.for %scan3A_98 = %scan3A_71 to %scan3A_73 step %scan3A_74  : i32 {
      %mul3A_99 = arith.constant 2 : i32
      %mul3A_100 = arith.muli %mul3A_99, %scan3A_98 : i32
      %add3A_101 = arith.constant 2 : i32
      %add3A_102 = arith.addi %mul3A_100, %add3A_101 : i32
      %add3A_103 = arith.constant 1 : i32
      %add3A_104 = arith.addi %mul3A_100, %add3A_103 : i32
      %dma_wait3A_105 = arith.constant 0 : i32
      %dma_wait3A_106 = tpu.memref_slice %arg3[%add3A, %add3A_104, %dma_wait3A_105] : memref<32x79x128xi32, #tpu.memory_space<hbm>> -> memref<1x1x128xi32, #tpu.memory_space<hbm>>
      %dma_wait3A_107 = tpu.memref_squeeze %dma_wait3A_106 : memref<1x1x128xi32, #tpu.memory_space<hbm>> -> memref<128xi32, #tpu.memory_space<hbm>>
      %dma_wait3A_108 = arith.constant 0 : i32
      %dma_wait3A_109 = tpu.memref_slice %arg3[%add3A, %add3A_104, %dma_wait3A_108] : memref<32x79x128xi32, #tpu.memory_space<hbm>> -> memref<1x1x128xi32, #tpu.memory_space<hbm>>
      %dma_wait3A_110 = tpu.memref_squeeze %dma_wait3A_109 : memref<1x1x128xi32, #tpu.memory_space<hbm>> -> memref<128xi32, #tpu.memory_space<hbm>>
      tpu.wait_dma2 semaphore(%arg14 : memref<!tpu.dma_semaphore, #tpu.memory_space<semaphore_mem>>) src(%dma_wait3A_110 : memref<128xi32, #tpu.memory_space<hbm>>) dst(%arg8 : memref<128xi32, #tpu.memory_space<vmem>>)
      %dma_wait3A_111 = arith.constant 0 : i32
      %dma_wait3A_112 = tpu.memref_slice %arg4[%add3A, %add3A_104, %dma_wait3A_111] : memref<32x79x128xi32, #tpu.memory_space<hbm>> -> memref<1x1x128xi32, #tpu.memory_space<hbm>>
      %dma_wait3A_113 = tpu.memref_squeeze %dma_wait3A_112 : memref<1x1x128xi32, #tpu.memory_space<hbm>> -> memref<128xi32, #tpu.memory_space<hbm>>
      %dma_wait3A_114 = arith.constant 0 : i32
      %dma_wait3A_115 = tpu.memref_slice %arg4[%add3A, %add3A_104, %dma_wait3A_114] : memref<32x79x128xi32, #tpu.memory_space<hbm>> -> memref<1x1x128xi32, #tpu.memory_space<hbm>>
      %dma_wait3A_116 = tpu.memref_squeeze %dma_wait3A_115 : memref<1x1x128xi32, #tpu.memory_space<hbm>> -> memref<128xi32, #tpu.memory_space<hbm>>
      tpu.wait_dma2 semaphore(%arg14 : memref<!tpu.dma_semaphore, #tpu.memory_space<semaphore_mem>>) src(%dma_wait3A_116 : memref<128xi32, #tpu.memory_space<hbm>>) dst(%arg9 : memref<128xi32, #tpu.memory_space<vmem>>)
      %dma_wait3A_117 = arith.constant 0 : i32
      %dma_wait3A_118 = arith.constant 0 : i32
      %dma_wait3A_119 = tpu.memref_slice %arg2[%dma_wait3A_117, %dma_wait3A_118] : memref<10240x128xf32, #tpu.memory_space<hbm>> -> memref<10240x128xf32, #tpu.memory_space<hbm>>
      tpu.wait_indirect_dma semaphore(%arg15 : memref<!tpu.dma_semaphore, #tpu.memory_space<semaphore_mem>>) src(%dma_wait3A_119 : memref<10240x128xf32, #tpu.memory_space<hbm>>) dst(%arg10 : memref<128x128xf32, #tpu.memory_space<vmem>>)
      %dma_start3A_120 = arith.constant 0 : i32
      %dma_start3A_121 = arith.constant 0 : i32
      %dma_start3A_122 = tpu.memref_slice %arg2[%dma_start3A_120, %dma_start3A_121] : memref<10240x128xf32, #tpu.memory_space<hbm>> -> memref<10240x128xf32, #tpu.memory_space<hbm>>
      tpu.enqueue_indirect_dma source(%dma_start3A_122 : memref<10240x128xf32, #tpu.memory_space<hbm>>) target(%arg11 : memref<128x128xf32, #tpu.memory_space<vmem>>) offsets(%arg8 : memref<128xi32, #tpu.memory_space<vmem>>) semaphore(%arg16 : memref<!tpu.dma_semaphore, #tpu.memory_space<semaphore_mem>>)
      "tpu.region"() ({
        %run_scoped3A = tpu.sem_alloc : memref<!tpu.dma_semaphore, #tpu.memory_space<semaphore_mem>>
        %dma_start3A_172 = arith.constant 0 : i32
        %dma_start3A_173 = arith.constant 0 : i32
        %dma_start3A_174 = tpu.memref_slice %arg12[%dma_start3A_172, %dma_start3A_173] : memref<10240x128xf32, #tpu.memory_space<vmem_shared>> -> memref<10240x128xf32, #tpu.memory_space<vmem_shared>>
        tpu.enqueue_indirect_dma source(%arg10 : memref<128x128xf32, #tpu.memory_space<vmem>>) target(%dma_start3A_174 : memref<10240x128xf32, #tpu.memory_space<vmem_shared>>) offsets(%arg7 : memref<128xi32, #tpu.memory_space<vmem>>) semaphore(%run_scoped3A : memref<!tpu.dma_semaphore, #tpu.memory_space<semaphore_mem>>) {add = true}
        %dma_wait3A_175 = arith.constant 0 : i32
        %dma_wait3A_176 = arith.constant 0 : i32
        %dma_wait3A_177 = tpu.memref_slice %arg12[%dma_wait3A_175, %dma_wait3A_176] : memref<10240x128xf32, #tpu.memory_space<vmem_shared>> -> memref<10240x128xf32, #tpu.memory_space<vmem_shared>>
        tpu.wait_indirect_dma semaphore(%run_scoped3A : memref<!tpu.dma_semaphore, #tpu.memory_space<semaphore_mem>>) src(%arg10 : memref<128x128xf32, #tpu.memory_space<vmem>>) dst(%dma_wait3A_177 : memref<10240x128xf32, #tpu.memory_space<vmem_shared>>)
        tpu.yield
      }) : () -> ()
      %dma_start3A_123 = arith.constant 0 : i32
      %dma_start3A_124 = tpu.memref_slice %arg3[%add3A, %add3A_102, %dma_start3A_123] : memref<32x79x128xi32, #tpu.memory_space<hbm>> -> memref<1x1x128xi32, #tpu.memory_space<hbm>>
      %dma_start3A_125 = tpu.memref_squeeze %dma_start3A_124 : memref<1x1x128xi32, #tpu.memory_space<hbm>> -> memref<128xi32, #tpu.memory_space<hbm>>
      %dma_start3A_126 = arith.constant 0 : i32
      %dma_start3A_127 = tpu.memref_slice %arg3[%add3A, %add3A_102, %dma_start3A_126] : memref<32x79x128xi32, #tpu.memory_space<hbm>> -> memref<1x1x128xi32, #tpu.memory_space<hbm>>
      %dma_start3A_128 = tpu.memref_squeeze %dma_start3A_127 : memref<1x1x128xi32, #tpu.memory_space<hbm>> -> memref<128xi32, #tpu.memory_space<hbm>>
      tpu.enqueue_dma source(%dma_start3A_128 : memref<128xi32, #tpu.memory_space<hbm>>) target(%arg6 : memref<128xi32, #tpu.memory_space<vmem>>) target_semaphore(%arg13 : memref<!tpu.dma_semaphore, #tpu.memory_space<semaphore_mem>>)
      %dma_start3A_129 = arith.constant 0 : i32
      %dma_start3A_130 = tpu.memref_slice %arg4[%add3A, %add3A_102, %dma_start3A_129] : memref<32x79x128xi32, #tpu.memory_space<hbm>> -> memref<1x1x128xi32, #tpu.memory_space<hbm>>
      %dma_start3A_131 = tpu.memref_squeeze %dma_start3A_130 : memref<1x1x128xi32, #tpu.memory_space<hbm>> -> memref<128xi32, #tpu.memory_space<hbm>>
      %dma_start3A_132 = arith.constant 0 : i32
      %dma_start3A_133 = tpu.memref_slice %arg4[%add3A, %add3A_102, %dma_start3A_132] : memref<32x79x128xi32, #tpu.memory_space<hbm>> -> memref<1x1x128xi32, #tpu.memory_space<hbm>>
      %dma_start3A_134 = tpu.memref_squeeze %dma_start3A_133 : memref<1x1x128xi32, #tpu.memory_space<hbm>> -> memref<128xi32, #tpu.memory_space<hbm>>
      tpu.enqueue_dma source(%dma_start3A_134 : memref<128xi32, #tpu.memory_space<hbm>>) target(%arg7 : memref<128xi32, #tpu.memory_space<vmem>>) target_semaphore(%arg13 : memref<!tpu.dma_semaphore, #tpu.memory_space<semaphore_mem>>)
      %add3A_135 = arith.constant 1 : i32
      %add3A_136 = arith.addi %mul3A_100, %add3A_135 : i32
      %add3A_137 = arith.constant 3 : i32
      %add3A_138 = arith.addi %mul3A_100, %add3A_137 : i32
      %min3A = arith.constant 78 : i32
      %min3A_139 = arith.minsi %add3A_138, %min3A : i32
      %add3A_140 = arith.constant 1 : i32
      %add3A_141 = arith.addi %add3A_136, %add3A_140 : i32
      %dma_wait3A_142 = arith.constant 0 : i32
      %dma_wait3A_143 = tpu.memref_slice %arg3[%add3A, %add3A_141, %dma_wait3A_142] : memref<32x79x128xi32, #tpu.memory_space<hbm>> -> memref<1x1x128xi32, #tpu.memory_space<hbm>>
      %dma_wait3A_144 = tpu.memref_squeeze %dma_wait3A_143 : memref<1x1x128xi32, #tpu.memory_space<hbm>> -> memref<128xi32, #tpu.memory_space<hbm>>
      %dma_wait3A_145 = arith.constant 0 : i32
      %dma_wait3A_146 = tpu.memref_slice %arg3[%add3A, %add3A_141, %dma_wait3A_145] : memref<32x79x128xi32, #tpu.memory_space<hbm>> -> memref<1x1x128xi32, #tpu.memory_space<hbm>>
      %dma_wait3A_147 = tpu.memref_squeeze %dma_wait3A_146 : memref<1x1x128xi32, #tpu.memory_space<hbm>> -> memref<128xi32, #tpu.memory_space<hbm>>
      tpu.wait_dma2 semaphore(%arg13 : memref<!tpu.dma_semaphore, #tpu.memory_space<semaphore_mem>>) src(%dma_wait3A_147 : memref<128xi32, #tpu.memory_space<hbm>>) dst(%arg6 : memref<128xi32, #tpu.memory_space<vmem>>)
      %dma_wait3A_148 = arith.constant 0 : i32
      %dma_wait3A_149 = tpu.memref_slice %arg4[%add3A, %add3A_141, %dma_wait3A_148] : memref<32x79x128xi32, #tpu.memory_space<hbm>> -> memref<1x1x128xi32, #tpu.memory_space<hbm>>
      %dma_wait3A_150 = tpu.memref_squeeze %dma_wait3A_149 : memref<1x1x128xi32, #tpu.memory_space<hbm>> -> memref<128xi32, #tpu.memory_space<hbm>>
      %dma_wait3A_151 = arith.constant 0 : i32
      %dma_wait3A_152 = tpu.memref_slice %arg4[%add3A, %add3A_141, %dma_wait3A_151] : memref<32x79x128xi32, #tpu.memory_space<hbm>> -> memref<1x1x128xi32, #tpu.memory_space<hbm>>
      %dma_wait3A_153 = tpu.memref_squeeze %dma_wait3A_152 : memref<1x1x128xi32, #tpu.memory_space<hbm>> -> memref<128xi32, #tpu.memory_space<hbm>>
      tpu.wait_dma2 semaphore(%arg13 : memref<!tpu.dma_semaphore, #tpu.memory_space<semaphore_mem>>) src(%dma_wait3A_153 : memref<128xi32, #tpu.memory_space<hbm>>) dst(%arg7 : memref<128xi32, #tpu.memory_space<vmem>>)
      %dma_wait3A_154 = arith.constant 0 : i32
      %dma_wait3A_155 = arith.constant 0 : i32
      %dma_wait3A_156 = tpu.memref_slice %arg2[%dma_wait3A_154, %dma_wait3A_155] : memref<10240x128xf32, #tpu.memory_space<hbm>> -> memref<10240x128xf32, #tpu.memory_space<hbm>>
      tpu.wait_indirect_dma semaphore(%arg16 : memref<!tpu.dma_semaphore, #tpu.memory_space<semaphore_mem>>) src(%dma_wait3A_156 : memref<10240x128xf32, #tpu.memory_space<hbm>>) dst(%arg11 : memref<128x128xf32, #tpu.memory_space<vmem>>)
      %dma_start3A_157 = arith.constant 0 : i32
      %dma_start3A_158 = arith.constant 0 : i32
      %dma_start3A_159 = tpu.memref_slice %arg2[%dma_start3A_157, %dma_start3A_158] : memref<10240x128xf32, #tpu.memory_space<hbm>> -> memref<10240x128xf32, #tpu.memory_space<hbm>>
      tpu.enqueue_indirect_dma source(%dma_start3A_159 : memref<10240x128xf32, #tpu.memory_space<hbm>>) target(%arg10 : memref<128x128xf32, #tpu.memory_space<vmem>>) offsets(%arg6 : memref<128xi32, #tpu.memory_space<vmem>>) semaphore(%arg15 : memref<!tpu.dma_semaphore, #tpu.memory_space<semaphore_mem>>)
      "tpu.region"() ({
        %run_scoped3A = tpu.sem_alloc : memref<!tpu.dma_semaphore, #tpu.memory_space<semaphore_mem>>
        %dma_start3A_172 = arith.constant 0 : i32
        %dma_start3A_173 = arith.constant 0 : i32
        %dma_start3A_174 = tpu.memref_slice %arg12[%dma_start3A_172, %dma_start3A_173] : memref<10240x128xf32, #tpu.memory_space<vmem_shared>> -> memref<10240x128xf32, #tpu.memory_space<vmem_shared>>
        tpu.enqueue_indirect_dma source(%arg11 : memref<128x128xf32, #tpu.memory_space<vmem>>) target(%dma_start3A_174 : memref<10240x128xf32, #tpu.memory_space<vmem_shared>>) offsets(%arg9 : memref<128xi32, #tpu.memory_space<vmem>>) semaphore(%run_scoped3A : memref<!tpu.dma_semaphore, #tpu.memory_space<semaphore_mem>>) {add = true}
        %dma_wait3A_175 = arith.constant 0 : i32
        %dma_wait3A_176 = arith.constant 0 : i32
        %dma_wait3A_177 = tpu.memref_slice %arg12[%dma_wait3A_175, %dma_wait3A_176] : memref<10240x128xf32, #tpu.memory_space<vmem_shared>> -> memref<10240x128xf32, #tpu.memory_space<vmem_shared>>
        tpu.wait_indirect_dma semaphore(%run_scoped3A : memref<!tpu.dma_semaphore, #tpu.memory_space<semaphore_mem>>) src(%arg11 : memref<128x128xf32, #tpu.memory_space<vmem>>) dst(%dma_wait3A_177 : memref<10240x128xf32, #tpu.memory_space<vmem_shared>>)
        tpu.yield
      }) : () -> ()
      %dma_start3A_160 = arith.constant 0 : i32
      %dma_start3A_161 = tpu.memref_slice %arg3[%add3A, %min3A_139, %dma_start3A_160] : memref<32x79x128xi32, #tpu.memory_space<hbm>> -> memref<1x1x128xi32, #tpu.memory_space<hbm>>
      %dma_start3A_162 = tpu.memref_squeeze %dma_start3A_161 : memref<1x1x128xi32, #tpu.memory_space<hbm>> -> memref<128xi32, #tpu.memory_space<hbm>>
      %dma_start3A_163 = arith.constant 0 : i32
      %dma_start3A_164 = tpu.memref_slice %arg3[%add3A, %min3A_139, %dma_start3A_163] : memref<32x79x128xi32, #tpu.memory_space<hbm>> -> memref<1x1x128xi32, #tpu.memory_space<hbm>>
      %dma_start3A_165 = tpu.memref_squeeze %dma_start3A_164 : memref<1x1x128xi32, #tpu.memory_space<hbm>> -> memref<128xi32, #tpu.memory_space<hbm>>
      tpu.enqueue_dma source(%dma_start3A_165 : memref<128xi32, #tpu.memory_space<hbm>>) target(%arg8 : memref<128xi32, #tpu.memory_space<vmem>>) target_semaphore(%arg14 : memref<!tpu.dma_semaphore, #tpu.memory_space<semaphore_mem>>)
      %dma_start3A_166 = arith.constant 0 : i32
      %dma_start3A_167 = tpu.memref_slice %arg4[%add3A, %min3A_139, %dma_start3A_166] : memref<32x79x128xi32, #tpu.memory_space<hbm>> -> memref<1x1x128xi32, #tpu.memory_space<hbm>>
      %dma_start3A_168 = tpu.memref_squeeze %dma_start3A_167 : memref<1x1x128xi32, #tpu.memory_space<hbm>> -> memref<128xi32, #tpu.memory_space<hbm>>
      %dma_start3A_169 = arith.constant 0 : i32
      %dma_start3A_170 = tpu.memref_slice %arg4[%add3A, %min3A_139, %dma_start3A_169] : memref<32x79x128xi32, #tpu.memory_space<hbm>> -> memref<1x1x128xi32, #tpu.memory_space<hbm>>
      %dma_start3A_171 = tpu.memref_squeeze %dma_start3A_170 : memref<1x1x128xi32, #tpu.memory_space<hbm>> -> memref<128xi32, #tpu.memory_space<hbm>>
      tpu.enqueue_dma source(%dma_start3A_171 : memref<128xi32, #tpu.memory_space<hbm>>) target(%arg9 : memref<128xi32, #tpu.memory_space<vmem>>) target_semaphore(%arg14 : memref<!tpu.dma_semaphore, #tpu.memory_space<semaphore_mem>>)
    }
    %scan3A_75 = arith.constant 39 : i32
    %dma_wait3A_76 = arith.constant 0 : i32
    %dma_wait3A_77 = arith.constant 0 : i32
    %dma_wait3A_78 = tpu.memref_slice %arg3[%add3A, %dma_wait3A_76, %dma_wait3A_77] : memref<32x79x128xi32, #tpu.memory_space<hbm>> -> memref<1x1x128xi32, #tpu.memory_space<hbm>>
    %dma_wait3A_79 = tpu.memref_squeeze %dma_wait3A_78 : memref<1x1x128xi32, #tpu.memory_space<hbm>> -> memref<128xi32, #tpu.memory_space<hbm>>
    %dma_wait3A_80 = arith.constant 0 : i32
    %dma_wait3A_81 = tpu.memref_slice %arg3[%add3A, %dma_wait3A_76, %dma_wait3A_80] : memref<32x79x128xi32, #tpu.memory_space<hbm>> -> memref<1x1x128xi32, #tpu.memory_space<hbm>>
    %dma_wait3A_82 = tpu.memref_squeeze %dma_wait3A_81 : memref<1x1x128xi32, #tpu.memory_space<hbm>> -> memref<128xi32, #tpu.memory_space<hbm>>
    tpu.wait_dma2 semaphore(%arg14 : memref<!tpu.dma_semaphore, #tpu.memory_space<semaphore_mem>>) src(%dma_wait3A_82 : memref<128xi32, #tpu.memory_space<hbm>>) dst(%arg8 : memref<128xi32, #tpu.memory_space<vmem>>)
    %dma_wait3A_83 = arith.constant 0 : i32
    %dma_wait3A_84 = arith.constant 0 : i32
    %dma_wait3A_85 = tpu.memref_slice %arg4[%add3A, %dma_wait3A_83, %dma_wait3A_84] : memref<32x79x128xi32, #tpu.memory_space<hbm>> -> memref<1x1x128xi32, #tpu.memory_space<hbm>>
    %dma_wait3A_86 = tpu.memref_squeeze %dma_wait3A_85 : memref<1x1x128xi32, #tpu.memory_space<hbm>> -> memref<128xi32, #tpu.memory_space<hbm>>
    %dma_wait3A_87 = arith.constant 0 : i32
    %dma_wait3A_88 = tpu.memref_slice %arg4[%add3A, %dma_wait3A_83, %dma_wait3A_87] : memref<32x79x128xi32, #tpu.memory_space<hbm>> -> memref<1x1x128xi32, #tpu.memory_space<hbm>>
    %dma_wait3A_89 = tpu.memref_squeeze %dma_wait3A_88 : memref<1x1x128xi32, #tpu.memory_space<hbm>> -> memref<128xi32, #tpu.memory_space<hbm>>
    tpu.wait_dma2 semaphore(%arg14 : memref<!tpu.dma_semaphore, #tpu.memory_space<semaphore_mem>>) src(%dma_wait3A_89 : memref<128xi32, #tpu.memory_space<hbm>>) dst(%arg9 : memref<128xi32, #tpu.memory_space<vmem>>)
    %dma_wait3A_90 = arith.constant 0 : i32
    %dma_wait3A_91 = arith.constant 0 : i32
    %dma_wait3A_92 = tpu.memref_slice %arg2[%dma_wait3A_90, %dma_wait3A_91] : memref<10240x128xf32, #tpu.memory_space<hbm>> -> memref<10240x128xf32, #tpu.memory_space<hbm>>
    tpu.wait_indirect_dma semaphore(%arg15 : memref<!tpu.dma_semaphore, #tpu.memory_space<semaphore_mem>>) src(%dma_wait3A_92 : memref<10240x128xf32, #tpu.memory_space<hbm>>) dst(%arg10 : memref<128x128xf32, #tpu.memory_space<vmem>>)
    "tpu.region"() ({
      %run_scoped3A = tpu.sem_alloc : memref<!tpu.dma_semaphore, #tpu.memory_space<semaphore_mem>>
      %dma_start3A_98 = arith.constant 0 : i32
      %dma_start3A_99 = arith.constant 0 : i32
      %dma_start3A_100 = tpu.memref_slice %arg12[%dma_start3A_98, %dma_start3A_99] : memref<10240x128xf32, #tpu.memory_space<vmem_shared>> -> memref<10240x128xf32, #tpu.memory_space<vmem_shared>>
      tpu.enqueue_indirect_dma source(%arg10 : memref<128x128xf32, #tpu.memory_space<vmem>>) target(%dma_start3A_100 : memref<10240x128xf32, #tpu.memory_space<vmem_shared>>) offsets(%arg7 : memref<128xi32, #tpu.memory_space<vmem>>) semaphore(%run_scoped3A : memref<!tpu.dma_semaphore, #tpu.memory_space<semaphore_mem>>) {add = true}
      %dma_wait3A_101 = arith.constant 0 : i32
      %dma_wait3A_102 = arith.constant 0 : i32
      %dma_wait3A_103 = tpu.memref_slice %arg12[%dma_wait3A_101, %dma_wait3A_102] : memref<10240x128xf32, #tpu.memory_space<vmem_shared>> -> memref<10240x128xf32, #tpu.memory_space<vmem_shared>>
      tpu.wait_indirect_dma semaphore(%run_scoped3A : memref<!tpu.dma_semaphore, #tpu.memory_space<semaphore_mem>>) src(%arg10 : memref<128x128xf32, #tpu.memory_space<vmem>>) dst(%dma_wait3A_103 : memref<10240x128xf32, #tpu.memory_space<vmem_shared>>)
      tpu.yield
    }) : () -> ()
    %barrier3A_93 = arith.constant 0 : index
    tpu.barrier barrier_id(%barrier3A_93)
    %mul3A_94 = arith.constant 640 : i32
    %mul3A_95 = arith.muli %arg1, %mul3A_94 : i32
    %mul3A_96 = arith.constant 640 : i32
    %mul3A_97 = arith.muli %arg1, %mul3A_96 : i32
    "tpu.region"() ({
      %run_scoped3A = tpu.sem_alloc : memref<!tpu.dma_semaphore, #tpu.memory_space<semaphore_mem>>
      %dma_start3A_98 = arith.constant 0 : i32
      %dma_start3A_99 = tpu.memref_slice %arg5[%arg0, %mul3A_97, %dma_start3A_98] : memref<2x10240x128xf32, #tpu.memory_space<hbm>> -> memref<1x640x128xf32, #tpu.memory_space<hbm>>
      %dma_start3A_100 = tpu.memref_squeeze %dma_start3A_99 : memref<1x640x128xf32, #tpu.memory_space<hbm>> -> memref<640x128xf32, #tpu.memory_space<hbm>>
      %dma_start3A_101 = arith.constant 0 : i32
      %dma_start3A_102 = tpu.memref_slice %arg12[%mul3A_95, %dma_start3A_101] : memref<10240x128xf32, #tpu.memory_space<vmem_shared>> -> memref<640x128xf32, #tpu.memory_space<vmem_shared>>
      tpu.enqueue_dma source(%dma_start3A_102 : memref<640x128xf32, #tpu.memory_space<vmem_shared>>) target(%dma_start3A_100 : memref<640x128xf32, #tpu.memory_space<hbm>>) target_semaphore(%run_scoped3A : memref<!tpu.dma_semaphore, #tpu.memory_space<semaphore_mem>>)
      %dma_wait3A_103 = arith.constant 0 : i32
      %dma_wait3A_104 = tpu.memref_slice %arg5[%arg0, %mul3A_97, %dma_wait3A_103] : memref<2x10240x128xf32, #tpu.memory_space<hbm>> -> memref<1x640x128xf32, #tpu.memory_space<hbm>>
      %dma_wait3A_105 = tpu.memref_squeeze %dma_wait3A_104 : memref<1x640x128xf32, #tpu.memory_space<hbm>> -> memref<640x128xf32, #tpu.memory_space<hbm>>
      %dma_wait3A_106 = arith.constant 0 : i32
      %dma_wait3A_107 = tpu.memref_slice %arg12[%mul3A_95, %dma_wait3A_106] : memref<10240x128xf32, #tpu.memory_space<vmem_shared>> -> memref<640x128xf32, #tpu.memory_space<vmem_shared>>
      tpu.wait_dma2 semaphore(%run_scoped3A : memref<!tpu.dma_semaphore, #tpu.memory_space<semaphore_mem>>) src(%dma_wait3A_107 : memref<640x128xf32, #tpu.memory_space<vmem_shared>>) dst(%dma_wait3A_105 : memref<640x128xf32, #tpu.memory_space<hbm>>)
      tpu.yield
    }) : () -> ()
    return
  }
}

#map = affine_map<(d0, d1) -> (0, 0)>
#map1 = affine_map<(d0, d1) -> (0, 0, 0)>
module attributes {stable_mosaic.version = 14 : i64} {
  func.func @spmm(%arg0: i32, %arg1: i32, %arg2: memref<10000x128xf32, #tpu.memory_space<hbm>>, %arg3: memref<32x79x128xi32, #tpu.memory_space<hbm>>, %arg4: memref<32x79x128xi32, #tpu.memory_space<hbm>>, %arg5: memref<2x10240x128xf32, #tpu.memory_space<hbm>>, %arg6: memref<128xi32, #tpu.memory_space<vmem>>, %arg7: memref<128xi32, #tpu.memory_space<vmem>>, %arg8: memref<128xi32, #tpu.memory_space<vmem>>, %arg9: memref<128xi32, #tpu.memory_space<vmem>>, %arg10: memref<128x128xf32, #tpu.memory_space<vmem>>, %arg11: memref<128x128xf32, #tpu.memory_space<vmem>>, %arg12: memref<10240x128xf32, #tpu.memory_space<vmem_shared>>, %arg13: memref<!tpu.dma_semaphore, #tpu.memory_space<semaphore_mem>>, %arg14: memref<!tpu.dma_semaphore, #tpu.memory_space<semaphore_mem>>, %arg15: memref<!tpu.dma_semaphore, #tpu.memory_space<semaphore_mem>>, %arg16: memref<!tpu.dma_semaphore, #tpu.memory_space<semaphore_mem>>) attributes {dimension_semantics = [#tpu.dimension_semantics<core_parallel>, #tpu.dimension_semantics<subcore_parallel>], iteration_bounds = array<i64: 2, 16>, scalar_prefetch = 0 : i64, scratch_operands = 11 : i64, tpu.core_type = #tpu.core_type<sc_vector_subcore>, window_params = [{transform_indices = #map}, {transform_indices = #map1}, {transform_indices = #map1}, {transform_indices = #map1}]} {
    %mul3A = arith.constant 2 : i32
    %mul3A_0 = arith.muli %arg1, %mul3A : i32
    %add3A = arith.addi %mul3A_0, %arg0 : i32
    %broadcast_in_dim3A = arith.constant 0.000000e+00 : f32
    %broadcast_in_dim3A_1 = vector.broadcast %broadcast_in_dim3A : f32 to vector<16xf32>
    %scan3A = arith.constant 0 : i32
    %scan3A_2 = arith.constant 0 : i32
    %scan3A_3 = arith.constant 128 : i32
    %scan3A_4 = arith.addi %scan3A_2, %scan3A_3 : i32
    %scan3A_5 = arith.constant 1 : i32
    scf.for %scan3A_98 = %scan3A_2 to %scan3A_4 step %scan3A_5  : i32 {
      %swap3A = arith.index_cast %scan3A_98 : i32 to index
      %swap3A_99 = arith.constant 0 : index
      %swap3A_100 = tpu.vector_load %arg10[%swap3A, %swap3A_99] {strides = array<i32>} : memref<128x128xf32, #tpu.memory_space<vmem>>, vector<1x16xf32>,
      %swap3A_101 = vector.shape_cast %swap3A_100 : vector<1x16xf32> to vector<16xf32>
      %swap3A_102 = vector.shape_cast %broadcast_in_dim3A_1 : vector<16xf32> to vector<1x16xf32>
      tpu.vector_store %arg10[%swap3A, %swap3A_99], %swap3A_102 {strides = array<i32>} : memref<128x128xf32, #tpu.memory_space<vmem>>, vector<1x16xf32>,
      %swap3A_103 = arith.index_cast %scan3A_98 : i32 to index
      %swap3A_104 = arith.constant 16 : index
      %swap3A_105 = tpu.vector_load %arg10[%swap3A_103, %swap3A_104] {strides = array<i32>} : memref<128x128xf32, #tpu.memory_space<vmem>>, vector<1x16xf32>,
      %swap3A_106 = vector.shape_cast %swap3A_105 : vector<1x16xf32> to vector<16xf32>
      %swap3A_107 = vector.shape_cast %broadcast_in_dim3A_1 : vector<16xf32> to vector<1x16xf32>
      tpu.vector_store %arg10[%swap3A_103, %swap3A_104], %swap3A_107 {strides = array<i32>} : memref<128x128xf32, #tpu.memory_space<vmem>>, vector<1x16xf32>,
      %swap3A_108 = arith.index_cast %scan3A_98 : i32 to index
      %swap3A_109 = arith.constant 32 : index
      %swap3A_110 = tpu.vector_load %arg10[%swap3A_108, %swap3A_109] {strides = array<i32>} : memref<128x128xf32, #tpu.memory_space<vmem>>, vector<1x16xf32>,
      %swap3A_111 = vector.shape_cast %swap3A_110 : vector<1x16xf32> to vector<16xf32>
      %swap3A_112 = vector.shape_cast %broadcast_in_dim3A_1 : vector<16xf32> to vector<1x16xf32>
      tpu.vector_store %arg10[%swap3A_108, %swap3A_109], %swap3A_112 {strides = array<i32>} : memref<128x128xf32, #tpu.memory_space<vmem>>, vector<1x16xf32>,
      %swap3A_113 = arith.index_cast %scan3A_98 : i32 to index
      %swap3A_114 = arith.constant 48 : index
      %swap3A_115 = tpu.vector_load %arg10[%swap3A_113, %swap3A_114] {strides = array<i32>} : memref<128x128xf32, #tpu.memory_space<vmem>>, vector<1x16xf32>,
      %swap3A_116 = vector.shape_cast %swap3A_115 : vector<1x16xf32> to vector<16xf32>
      %swap3A_117 = vector.shape_cast %broadcast_in_dim3A_1 : vector<16xf32> to vector<1x16xf32>
      tpu.vector_store %arg10[%swap3A_113, %swap3A_114], %swap3A_117 {strides = array<i32>} : memref<128x128xf32, #tpu.memory_space<vmem>>, vector<1x16xf32>,
      %swap3A_118 = arith.index_cast %scan3A_98 : i32 to index
      %swap3A_119 = arith.constant 64 : index
      %swap3A_120 = tpu.vector_load %arg10[%swap3A_118, %swap3A_119] {strides = array<i32>} : memref<128x128xf32, #tpu.memory_space<vmem>>, vector<1x16xf32>,
      %swap3A_121 = vector.shape_cast %swap3A_120 : vector<1x16xf32> to vector<16xf32>
      %swap3A_122 = vector.shape_cast %broadcast_in_dim3A_1 : vector<16xf32> to vector<1x16xf32>
      tpu.vector_store %arg10[%swap3A_118, %swap3A_119], %swap3A_122 {strides = array<i32>} : memref<128x128xf32, #tpu.memory_space<vmem>>, vector<1x16xf32>,
      %swap3A_123 = arith.index_cast %scan3A_98 : i32 to index
      %swap3A_124 = arith.constant 80 : index
      %swap3A_125 = tpu.vector_load %arg10[%swap3A_123, %swap3A_124] {strides = array<i32>} : memref<128x128xf32, #tpu.memory_space<vmem>>, vector<1x16xf32>,
      %swap3A_126 = vector.shape_cast %swap3A_125 : vector<1x16xf32> to vector<16xf32>
      %swap3A_127 = vector.shape_cast %broadcast_in_dim3A_1 : vector<16xf32> to vector<1x16xf32>
      tpu.vector_store %arg10[%swap3A_123, %swap3A_124], %swap3A_127 {strides = array<i32>} : memref<128x128xf32, #tpu.memory_space<vmem>>, vector<1x16xf32>,
      %swap3A_128 = arith.index_cast %scan3A_98 : i32 to index
      %swap3A_129 = arith.constant 96 : index
      %swap3A_130 = tpu.vector_load %arg10[%swap3A_128, %swap3A_129] {strides = array<i32>} : memref<128x128xf32, #tpu.memory_space<vmem>>, vector<1x16xf32>,
      %swap3A_131 = vector.shape_cast %swap3A_130 : vector<1x16xf32> to vector<16xf32>
      %swap3A_132 = vector.shape_cast %broadcast_in_dim3A_1 : vector<16xf32> to vector<1x16xf32>
      tpu.vector_store %arg10[%swap3A_128, %swap3A_129], %swap3A_132 {strides = array<i32>} : memref<128x128xf32, #tpu.memory_space<vmem>>, vector<1x16xf32>,
      %swap3A_133 = arith.index_cast %scan3A_98 : i32 to index
      %swap3A_134 = arith.constant 112 : index
      %swap3A_135 = tpu.vector_load %arg10[%swap3A_133, %swap3A_134] {strides = array<i32>} : memref<128x128xf32, #tpu.memory_space<vmem>>, vector<1x16xf32>,
      %swap3A_136 = vector.shape_cast %swap3A_135 : vector<1x16xf32> to vector<16xf32>
      %swap3A_137 = vector.shape_cast %broadcast_in_dim3A_1 : vector<16xf32> to vector<1x16xf32>
      tpu.vector_store %arg10[%swap3A_133, %swap3A_134], %swap3A_137 {strides = array<i32>} : memref<128x128xf32, #tpu.memory_space<vmem>>, vector<1x16xf32>,
    }
    %scan3A_6 = arith.constant 128 : i32
    %mul3A_7 = arith.constant 640 : i32
    %mul3A_8 = arith.muli %arg1, %mul3A_7 : i32
    %add3A_9 = arith.constant 0 : i32
    %add3A_10 = arith.addi %mul3A_8, %add3A_9 : i32
    "tpu.region"() ({
      %run_scoped3A = tpu.sem_alloc : memref<!tpu.dma_semaphore, #tpu.memory_space<semaphore_mem>>
      %dma_start3A_98 = arith.constant 0 : i32
      %dma_start3A_99 = tpu.memref_slice %arg12[%add3A_10, %dma_start3A_98] : memref<10240x128xf32, #tpu.memory_space<vmem_shared>> -> memref<128x128xf32, #tpu.memory_space<vmem_shared>>
      %dma_start3A_100 = arith.constant 0 : i32
      %dma_start3A_101 = tpu.memref_slice %arg12[%add3A_10, %dma_start3A_100] : memref<10240x128xf32, #tpu.memory_space<vmem_shared>> -> memref<128x128xf32, #tpu.memory_space<vmem_shared>>
      tpu.enqueue_dma source(%arg10 : memref<128x128xf32, #tpu.memory_space<vmem>>) target(%dma_start3A_101 : memref<128x128xf32, #tpu.memory_space<vmem_shared>>) target_semaphore(%run_scoped3A : memref<!tpu.dma_semaphore, #tpu.memory_space<semaphore_mem>>)
      %dma_wait3A_102 = arith.constant 0 : i32
      %dma_wait3A_103 = tpu.memref_slice %arg12[%add3A_10, %dma_wait3A_102] : memref<10240x128xf32, #tpu.memory_space<vmem_shared>> -> memref<128x128xf32, #tpu.memory_space<vmem_shared>>
      %dma_wait3A_104 = arith.constant 0 : i32
      %dma_wait3A_105 = tpu.memref_slice %arg12[%add3A_10, %dma_wait3A_104] : memref<10240x128xf32, #tpu.memory_space<vmem_shared>> -> memref<128x128xf32, #tpu.memory_space<vmem_shared>>
      tpu.wait_dma2 semaphore(%run_scoped3A : memref<!tpu.dma_semaphore, #tpu.memory_space<semaphore_mem>>) src(%arg10 : memref<128x128xf32, #tpu.memory_space<vmem>>) dst(%dma_wait3A_105 : memref<128x128xf32, #tpu.memory_space<vmem_shared>>)
      tpu.yield
    }) : () -> ()
    %mul3A_11 = arith.constant 640 : i32
    %mul3A_12 = arith.muli %arg1, %mul3A_11 : i32
    %add3A_13 = arith.constant 128 : i32
    %add3A_14 = arith.addi %mul3A_12, %add3A_13 : i32
    "tpu.region"() ({
      %run_scoped3A = tpu.sem_alloc : memref<!tpu.dma_semaphore, #tpu.memory_space<semaphore_mem>>
      %dma_start3A_98 = arith.constant 0 : i32
      %dma_start3A_99 = tpu.memref_slice %arg12[%add3A_14, %dma_start3A_98] : memref<10240x128xf32, #tpu.memory_space<vmem_shared>> -> memref<128x128xf32, #tpu.memory_space<vmem_shared>>
      %dma_start3A_100 = arith.constant 0 : i32
      %dma_start3A_101 = tpu.memref_slice %arg12[%add3A_14, %dma_start3A_100] : memref<10240x128xf32, #tpu.memory_space<vmem_shared>> -> memref<128x128xf32, #tpu.memory_space<vmem_shared>>
      tpu.enqueue_dma source(%arg10 : memref<128x128xf32, #tpu.memory_space<vmem>>) target(%dma_start3A_101 : memref<128x128xf32, #tpu.memory_space<vmem_shared>>) target_semaphore(%run_scoped3A : memref<!tpu.dma_semaphore, #tpu.memory_space<semaphore_mem>>)
      %dma_wait3A_102 = arith.constant 0 : i32
      %dma_wait3A_103 = tpu.memref_slice %arg12[%add3A_14, %dma_wait3A_102] : memref<10240x128xf32, #tpu.memory_space<vmem_shared>> -> memref<128x128xf32, #tpu.memory_space<vmem_shared>>
      %dma_wait3A_104 = arith.constant 0 : i32
      %dma_wait3A_105 = tpu.memref_slice %arg12[%add3A_14, %dma_wait3A_104] : memref<10240x128xf32, #tpu.memory_space<vmem_shared>> -> memref<128x128xf32, #tpu.memory_space<vmem_shared>>
      tpu.wait_dma2 semaphore(%run_scoped3A : memref<!tpu.dma_semaphore, #tpu.memory_space<semaphore_mem>>) src(%arg10 : memref<128x128xf32, #tpu.memory_space<vmem>>) dst(%dma_wait3A_105 : memref<128x128xf32, #tpu.memory_space<vmem_shared>>)
      tpu.yield
    }) : () -> ()
    %mul3A_15 = arith.constant 640 : i32
    %mul3A_16 = arith.muli %arg1, %mul3A_15 : i32
    %add3A_17 = arith.constant 256 : i32
    %add3A_18 = arith.addi %mul3A_16, %add3A_17 : i32
    "tpu.region"() ({
      %run_scoped3A = tpu.sem_alloc : memref<!tpu.dma_semaphore, #tpu.memory_space<semaphore_mem>>
      %dma_start3A_98 = arith.constant 0 : i32
      %dma_start3A_99 = tpu.memref_slice %arg12[%add3A_18, %dma_start3A_98] : memref<10240x128xf32, #tpu.memory_space<vmem_shared>> -> memref<128x128xf32, #tpu.memory_space<vmem_shared>>
      %dma_start3A_100 = arith.constant 0 : i32
      %dma_start3A_101 = tpu.memref_slice %arg12[%add3A_18, %dma_start3A_100] : memref<10240x128xf32, #tpu.memory_space<vmem_shared>> -> memref<128x128xf32, #tpu.memory_space<vmem_shared>>
      tpu.enqueue_dma source(%arg10 : memref<128x128xf32, #tpu.memory_space<vmem>>) target(%dma_start3A_101 : memref<128x128xf32, #tpu.memory_space<vmem_shared>>) target_semaphore(%run_scoped3A : memref<!tpu.dma_semaphore, #tpu.memory_space<semaphore_mem>>)
      %dma_wait3A_102 = arith.constant 0 : i32
      %dma_wait3A_103 = tpu.memref_slice %arg12[%add3A_18, %dma_wait3A_102] : memref<10240x128xf32, #tpu.memory_space<vmem_shared>> -> memref<128x128xf32, #tpu.memory_space<vmem_shared>>
      %dma_wait3A_104 = arith.constant 0 : i32
      %dma_wait3A_105 = tpu.memref_slice %arg12[%add3A_18, %dma_wait3A_104] : memref<10240x128xf32, #tpu.memory_space<vmem_shared>> -> memref<128x128xf32, #tpu.memory_space<vmem_shared>>
      tpu.wait_dma2 semaphore(%run_scoped3A : memref<!tpu.dma_semaphore, #tpu.memory_space<semaphore_mem>>) src(%arg10 : memref<128x128xf32, #tpu.memory_space<vmem>>) dst(%dma_wait3A_105 : memref<128x128xf32, #tpu.memory_space<vmem_shared>>)
      tpu.yield
    }) : () -> ()
    %mul3A_19 = arith.constant 640 : i32
    %mul3A_20 = arith.muli %arg1, %mul3A_19 : i32
    %add3A_21 = arith.constant 384 : i32
    %add3A_22 = arith.addi %mul3A_20, %add3A_21 : i32
    "tpu.region"() ({
      %run_scoped3A = tpu.sem_alloc : memref<!tpu.dma_semaphore, #tpu.memory_space<semaphore_mem>>
      %dma_start3A_98 = arith.constant 0 : i32
      %dma_start3A_99 = tpu.memref_slice %arg12[%add3A_22, %dma_start3A_98] : memref<10240x128xf32, #tpu.memory_space<vmem_shared>> -> memref<128x128xf32, #tpu.memory_space<vmem_shared>>
      %dma_start3A_100 = arith.constant 0 : i32
      %dma_start3A_101 = tpu.memref_slice %arg12[%add3A_22, %dma_start3A_100] : memref<10240x128xf32, #tpu.memory_space<vmem_shared>> -> memref<128x128xf32, #tpu.memory_space<vmem_shared>>
      tpu.enqueue_dma source(%arg10 : memref<128x128xf32, #tpu.memory_space<vmem>>) target(%dma_start3A_101 : memref<128x128xf32, #tpu.memory_space<vmem_shared>>) target_semaphore(%run_scoped3A : memref<!tpu.dma_semaphore, #tpu.memory_space<semaphore_mem>>)
      %dma_wait3A_102 = arith.constant 0 : i32
      %dma_wait3A_103 = tpu.memref_slice %arg12[%add3A_22, %dma_wait3A_102] : memref<10240x128xf32, #tpu.memory_space<vmem_shared>> -> memref<128x128xf32, #tpu.memory_space<vmem_shared>>
      %dma_wait3A_104 = arith.constant 0 : i32
      %dma_wait3A_105 = tpu.memref_slice %arg12[%add3A_22, %dma_wait3A_104] : memref<10240x128xf32, #tpu.memory_space<vmem_shared>> -> memref<128x128xf32, #tpu.memory_space<vmem_shared>>
      tpu.wait_dma2 semaphore(%run_scoped3A : memref<!tpu.dma_semaphore, #tpu.memory_space<semaphore_mem>>) src(%arg10 : memref<128x128xf32, #tpu.memory_space<vmem>>) dst(%dma_wait3A_105 : memref<128x128xf32, #tpu.memory_space<vmem_shared>>)
      tpu.yield
    }) : () -> ()
    %mul3A_23 = arith.constant 640 : i32
    %mul3A_24 = arith.muli %arg1, %mul3A_23 : i32
    %add3A_25 = arith.constant 512 : i32
    %add3A_26 = arith.addi %mul3A_24, %add3A_25 : i32
    "tpu.region"() ({
      %run_scoped3A = tpu.sem_alloc : memref<!tpu.dma_semaphore, #tpu.memory_space<semaphore_mem>>
      %dma_start3A_98 = arith.constant 0 : i32
      %dma_start3A_99 = tpu.memref_slice %arg12[%add3A_26, %dma_start3A_98] : memref<10240x128xf32, #tpu.memory_space<vmem_shared>> -> memref<128x128xf32, #tpu.memory_space<vmem_shared>>
      %dma_start3A_100 = arith.constant 0 : i32
      %dma_start3A_101 = tpu.memref_slice %arg12[%add3A_26, %dma_start3A_100] : memref<10240x128xf32, #tpu.memory_space<vmem_shared>> -> memref<128x128xf32, #tpu.memory_space<vmem_shared>>
      tpu.enqueue_dma source(%arg10 : memref<128x128xf32, #tpu.memory_space<vmem>>) target(%dma_start3A_101 : memref<128x128xf32, #tpu.memory_space<vmem_shared>>) target_semaphore(%run_scoped3A : memref<!tpu.dma_semaphore, #tpu.memory_space<semaphore_mem>>)
      %dma_wait3A_102 = arith.constant 0 : i32
      %dma_wait3A_103 = tpu.memref_slice %arg12[%add3A_26, %dma_wait3A_102] : memref<10240x128xf32, #tpu.memory_space<vmem_shared>> -> memref<128x128xf32, #tpu.memory_space<vmem_shared>>
      %dma_wait3A_104 = arith.constant 0 : i32
      %dma_wait3A_105 = tpu.memref_slice %arg12[%add3A_26, %dma_wait3A_104] : memref<10240x128xf32, #tpu.memory_space<vmem_shared>> -> memref<128x128xf32, #tpu.memory_space<vmem_shared>>
      tpu.wait_dma2 semaphore(%run_scoped3A : memref<!tpu.dma_semaphore, #tpu.memory_space<semaphore_mem>>) src(%arg10 : memref<128x128xf32, #tpu.memory_space<vmem>>) dst(%dma_wait3A_105 : memref<128x128xf32, #tpu.memory_space<vmem_shared>>)
      tpu.yield
    }) : () -> ()
    %barrier3A = arith.constant 0 : index
    tpu.barrier barrier_id(%barrier3A)
    %dma_start3A = arith.constant 0 : i32
    %dma_start3A_27 = arith.constant 0 : i32
    %dma_start3A_28 = tpu.memref_slice %arg3[%add3A, %dma_start3A, %dma_start3A_27] : memref<32x79x128xi32, #tpu.memory_space<hbm>> -> memref<1x1x128xi32, #tpu.memory_space<hbm>>
    %dma_start3A_29 = tpu.memref_squeeze %dma_start3A_28 : memref<1x1x128xi32, #tpu.memory_space<hbm>> -> memref<128xi32, #tpu.memory_space<hbm>>
    %dma_start3A_30 = arith.constant 0 : i32
    %dma_start3A_31 = tpu.memref_slice %arg3[%add3A, %dma_start3A, %dma_start3A_30] : memref<32x79x128xi32, #tpu.memory_space<hbm>> -> memref<1x1x128xi32, #tpu.memory_space<hbm>>
    %dma_start3A_32 = tpu.memref_squeeze %dma_start3A_31 : memref<1x1x128xi32, #tpu.memory_space<hbm>> -> memref<128xi32, #tpu.memory_space<hbm>>
    tpu.enqueue_dma source(%dma_start3A_32 : memref<128xi32, #tpu.memory_space<hbm>>) target(%arg6 : memref<128xi32, #tpu.memory_space<vmem>>) target_semaphore(%arg13 : memref<!tpu.dma_semaphore, #tpu.memory_space<semaphore_mem>>)
    %dma_start3A_33 = arith.constant 0 : i32
    %dma_start3A_34 = arith.constant 0 : i32
    %dma_start3A_35 = tpu.memref_slice %arg4[%add3A, %dma_start3A_33, %dma_start3A_34] : memref<32x79x128xi32, #tpu.memory_space<hbm>> -> memref<1x1x128xi32, #tpu.memory_space<hbm>>
    %dma_start3A_36 = tpu.memref_squeeze %dma_start3A_35 : memref<1x1x128xi32, #tpu.memory_space<hbm>> -> memref<128xi32, #tpu.memory_space<hbm>>
    %dma_start3A_37 = arith.constant 0 : i32
    %dma_start3A_38 = tpu.memref_slice %arg4[%add3A, %dma_start3A_33, %dma_start3A_37] : memref<32x79x128xi32, #tpu.memory_space<hbm>> -> memref<1x1x128xi32, #tpu.memory_space<hbm>>
    %dma_start3A_39 = tpu.memref_squeeze %dma_start3A_38 : memref<1x1x128xi32, #tpu.memory_space<hbm>> -> memref<128xi32, #tpu.memory_space<hbm>>
    tpu.enqueue_dma source(%dma_start3A_39 : memref<128xi32, #tpu.memory_space<hbm>>) target(%arg7 : memref<128xi32, #tpu.memory_space<vmem>>) target_semaphore(%arg13 : memref<!tpu.dma_semaphore, #tpu.memory_space<semaphore_mem>>)
    %dma_wait3A = arith.constant 0 : i32
    %dma_wait3A_40 = arith.constant 0 : i32
    %dma_wait3A_41 = tpu.memref_slice %arg3[%add3A, %dma_wait3A, %dma_wait3A_40] : memref<32x79x128xi32, #tpu.memory_space<hbm>> -> memref<1x1x128xi32, #tpu.memory_space<hbm>>
    %dma_wait3A_42 = tpu.memref_squeeze %dma_wait3A_41 : memref<1x1x128xi32, #tpu.memory_space<hbm>> -> memref<128xi32, #tpu.memory_space<hbm>>
    %dma_wait3A_43 = arith.constant 0 : i32
    %dma_wait3A_44 = tpu.memref_slice %arg3[%add3A, %dma_wait3A, %dma_wait3A_43] : memref<32x79x128xi32, #tpu.memory_space<hbm>> -> memref<1x1x128xi32, #tpu.memory_space<hbm>>
    %dma_wait3A_45 = tpu.memref_squeeze %dma_wait3A_44 : memref<1x1x128xi32, #tpu.memory_space<hbm>> -> memref<128xi32, #tpu.memory_space<hbm>>
    tpu.wait_dma2 semaphore(%arg13 : memref<!tpu.dma_semaphore, #tpu.memory_space<semaphore_mem>>) src(%dma_wait3A_45 : memref<128xi32, #tpu.memory_space<hbm>>) dst(%arg6 : memref<128xi32, #tpu.memory_space<vmem>>)
    %dma_wait3A_46 = arith.constant 0 : i32
    %dma_wait3A_47 = arith.constant 0 : i32
    %dma_wait3A_48 = tpu.memref_slice %arg4[%add3A, %dma_wait3A_46, %dma_wait3A_47] : memref<32x79x128xi32, #tpu.memory_space<hbm>> -> memref<1x1x128xi32, #tpu.memory_space<hbm>>
    %dma_wait3A_49 = tpu.memref_squeeze %dma_wait3A_48 : memref<1x1x128xi32, #tpu.memory_space<hbm>> -> memref<128xi32, #tpu.memory_space<hbm>>
    %dma_wait3A_50 = arith.constant 0 : i32
    %dma_wait3A_51 = tpu.memref_slice %arg4[%add3A, %dma_wait3A_46, %dma_wait3A_50] : memref<32x79x128xi32, #tpu.memory_space<hbm>> -> memref<1x1x128xi32, #tpu.memory_space<hbm>>
    %dma_wait3A_52 = tpu.memref_squeeze %dma_wait3A_51 : memref<1x1x128xi32, #tpu.memory_space<hbm>> -> memref<128xi32, #tpu.memory_space<hbm>>
    tpu.wait_dma2 semaphore(%arg13 : memref<!tpu.dma_semaphore, #tpu.memory_space<semaphore_mem>>) src(%dma_wait3A_52 : memref<128xi32, #tpu.memory_space<hbm>>) dst(%arg7 : memref<128xi32, #tpu.memory_space<vmem>>)
    %dma_start3A_53 = arith.constant 0 : i32
    %dma_start3A_54 = arith.constant 0 : i32
    %dma_start3A_55 = tpu.memref_slice %arg2[%dma_start3A_53, %dma_start3A_54] : memref<10000x128xf32, #tpu.memory_space<hbm>> -> memref<10000x128xf32, #tpu.memory_space<hbm>>
    tpu.enqueue_indirect_dma source(%dma_start3A_55 : memref<10000x128xf32, #tpu.memory_space<hbm>>) target(%arg10 : memref<128x128xf32, #tpu.memory_space<vmem>>) offsets(%arg6 : memref<128xi32, #tpu.memory_space<vmem>>) semaphore(%arg15 : memref<!tpu.dma_semaphore, #tpu.memory_space<semaphore_mem>>)
    %dma_start3A_56 = arith.constant 1 : i32
    %dma_start3A_57 = arith.constant 0 : i32
    %dma_start3A_58 = tpu.memref_slice %arg3[%add3A, %dma_start3A_56, %dma_start3A_57] : memref<32x79x128xi32, #tpu.memory_space<hbm>> -> memref<1x1x128xi32, #tpu.memory_space<hbm>>
    %dma_start3A_59 = tpu.memref_squeeze %dma_start3A_58 : memref<1x1x128xi32, #tpu.memory_space<hbm>> -> memref<128xi32, #tpu.memory_space<hbm>>
    %dma_start3A_60 = arith.constant 0 : i32
    %dma_start3A_61 = tpu.memref_slice %arg3[%add3A, %dma_start3A_56, %dma_start3A_60] : memref<32x79x128xi32, #tpu.memory_space<hbm>> -> memref<1x1x128xi32, #tpu.memory_space<hbm>>
    %dma_start3A_62 = tpu.memref_squeeze %dma_start3A_61 : memref<1x1x128xi32, #tpu.memory_space<hbm>> -> memref<128xi32, #tpu.memory_space<hbm>>
    tpu.enqueue_dma source(%dma_start3A_62 : memref<128xi32, #tpu.memory_space<hbm>>) target(%arg8 : memref<128xi32, #tpu.memory_space<vmem>>) target_semaphore(%arg14 : memref<!tpu.dma_semaphore, #tpu.memory_space<semaphore_mem>>)
    %dma_start3A_63 = arith.constant 1 : i32
    %dma_start3A_64 = arith.constant 0 : i32
    %dma_start3A_65 = tpu.memref_slice %arg4[%add3A, %dma_start3A_63, %dma_start3A_64] : memref<32x79x128xi32, #tpu.memory_space<hbm>> -> memref<1x1x128xi32, #tpu.memory_space<hbm>>
    %dma_start3A_66 = tpu.memref_squeeze %dma_start3A_65 : memref<1x1x128xi32, #tpu.memory_space<hbm>> -> memref<128xi32, #tpu.memory_space<hbm>>
    %dma_start3A_67 = arith.constant 0 : i32
    %dma_start3A_68 = tpu.memref_slice %arg4[%add3A, %dma_start3A_63, %dma_start3A_67] : memref<32x79x128xi32, #tpu.memory_space<hbm>> -> memref<1x1x128xi32, #tpu.memory_space<hbm>>
    %dma_start3A_69 = tpu.memref_squeeze %dma_start3A_68 : memref<1x1x128xi32, #tpu.memory_space<hbm>> -> memref<128xi32, #tpu.memory_space<hbm>>
    tpu.enqueue_dma source(%dma_start3A_69 : memref<128xi32, #tpu.memory_space<hbm>>) target(%arg9 : memref<128xi32, #tpu.memory_space<vmem>>) target_semaphore(%arg14 : memref<!tpu.dma_semaphore, #tpu.memory_space<semaphore_mem>>)
    %scan3A_70 = arith.constant 0 : i32
    %scan3A_71 = arith.constant 0 : i32
    %scan3A_72 = arith.constant 39 : i32
    %scan3A_73 = arith.addi %scan3A_71, %scan3A_72 : i32
    %scan3A_74 = arith.constant 1 : i32
    scf.for %scan3A_98 = %scan3A_71 to %scan3A_73 step %scan3A_74  : i32 {
      %mul3A_99 = arith.constant 2 : i32
      %mul3A_100 = arith.muli %mul3A_99, %scan3A_98 : i32
      %add3A_101 = arith.constant 2 : i32
      %add3A_102 = arith.addi %mul3A_100, %add3A_101 : i32
      %add3A_103 = arith.constant 1 : i32
      %add3A_104 = arith.addi %mul3A_100, %add3A_103 : i32
      %dma_wait3A_105 = arith.constant 0 : i32
      %dma_wait3A_106 = tpu.memref_slice %arg3[%add3A, %add3A_104, %dma_wait3A_105] : memref<32x79x128xi32, #tpu.memory_space<hbm>> -> memref<1x1x128xi32, #tpu.memory_space<hbm>>
      %dma_wait3A_107 = tpu.memref_squeeze %dma_wait3A_106 : memref<1x1x128xi32, #tpu.memory_space<hbm>> -> memref<128xi32, #tpu.memory_space<hbm>>
      %dma_wait3A_108 = arith.constant 0 : i32
      %dma_wait3A_109 = tpu.memref_slice %arg3[%add3A, %add3A_104, %dma_wait3A_108] : memref<32x79x128xi32, #tpu.memory_space<hbm>> -> memref<1x1x128xi32, #tpu.memory_space<hbm>>
      %dma_wait3A_110 = tpu.memref_squeeze %dma_wait3A_109 : memref<1x1x128xi32, #tpu.memory_space<hbm>> -> memref<128xi32, #tpu.memory_space<hbm>>
      tpu.wait_dma2 semaphore(%arg14 : memref<!tpu.dma_semaphore, #tpu.memory_space<semaphore_mem>>) src(%dma_wait3A_110 : memref<128xi32, #tpu.memory_space<hbm>>) dst(%arg8 : memref<128xi32, #tpu.memory_space<vmem>>)
      %dma_wait3A_111 = arith.constant 0 : i32
      %dma_wait3A_112 = tpu.memref_slice %arg4[%add3A, %add3A_104, %dma_wait3A_111] : memref<32x79x128xi32, #tpu.memory_space<hbm>> -> memref<1x1x128xi32, #tpu.memory_space<hbm>>
      %dma_wait3A_113 = tpu.memref_squeeze %dma_wait3A_112 : memref<1x1x128xi32, #tpu.memory_space<hbm>> -> memref<128xi32, #tpu.memory_space<hbm>>
      %dma_wait3A_114 = arith.constant 0 : i32
      %dma_wait3A_115 = tpu.memref_slice %arg4[%add3A, %add3A_104, %dma_wait3A_114] : memref<32x79x128xi32, #tpu.memory_space<hbm>> -> memref<1x1x128xi32, #tpu.memory_space<hbm>>
      %dma_wait3A_116 = tpu.memref_squeeze %dma_wait3A_115 : memref<1x1x128xi32, #tpu.memory_space<hbm>> -> memref<128xi32, #tpu.memory_space<hbm>>
      tpu.wait_dma2 semaphore(%arg14 : memref<!tpu.dma_semaphore, #tpu.memory_space<semaphore_mem>>) src(%dma_wait3A_116 : memref<128xi32, #tpu.memory_space<hbm>>) dst(%arg9 : memref<128xi32, #tpu.memory_space<vmem>>)
      %dma_wait3A_117 = arith.constant 0 : i32
      %dma_wait3A_118 = arith.constant 0 : i32
      %dma_wait3A_119 = tpu.memref_slice %arg2[%dma_wait3A_117, %dma_wait3A_118] : memref<10000x128xf32, #tpu.memory_space<hbm>> -> memref<10000x128xf32, #tpu.memory_space<hbm>>
      tpu.wait_indirect_dma semaphore(%arg15 : memref<!tpu.dma_semaphore, #tpu.memory_space<semaphore_mem>>) src(%dma_wait3A_119 : memref<10000x128xf32, #tpu.memory_space<hbm>>) dst(%arg10 : memref<128x128xf32, #tpu.memory_space<vmem>>)
      %dma_start3A_120 = arith.constant 0 : i32
      %dma_start3A_121 = arith.constant 0 : i32
      %dma_start3A_122 = tpu.memref_slice %arg2[%dma_start3A_120, %dma_start3A_121] : memref<10000x128xf32, #tpu.memory_space<hbm>> -> memref<10000x128xf32, #tpu.memory_space<hbm>>
      tpu.enqueue_indirect_dma source(%dma_start3A_122 : memref<10000x128xf32, #tpu.memory_space<hbm>>) target(%arg11 : memref<128x128xf32, #tpu.memory_space<vmem>>) offsets(%arg8 : memref<128xi32, #tpu.memory_space<vmem>>) semaphore(%arg16 : memref<!tpu.dma_semaphore, #tpu.memory_space<semaphore_mem>>)
      "tpu.region"() ({
        %run_scoped3A = tpu.sem_alloc : memref<!tpu.dma_semaphore, #tpu.memory_space<semaphore_mem>>
        %dma_start3A_172 = arith.constant 0 : i32
        %dma_start3A_173 = arith.constant 0 : i32
        %dma_start3A_174 = tpu.memref_slice %arg12[%dma_start3A_172, %dma_start3A_173] : memref<10240x128xf32, #tpu.memory_space<vmem_shared>> -> memref<10240x128xf32, #tpu.memory_space<vmem_shared>>
        tpu.enqueue_indirect_dma source(%arg10 : memref<128x128xf32, #tpu.memory_space<vmem>>) target(%dma_start3A_174 : memref<10240x128xf32, #tpu.memory_space<vmem_shared>>) offsets(%arg7 : memref<128xi32, #tpu.memory_space<vmem>>) semaphore(%run_scoped3A : memref<!tpu.dma_semaphore, #tpu.memory_space<semaphore_mem>>) {add = true}
        %dma_wait3A_175 = arith.constant 0 : i32
        %dma_wait3A_176 = arith.constant 0 : i32
        %dma_wait3A_177 = tpu.memref_slice %arg12[%dma_wait3A_175, %dma_wait3A_176] : memref<10240x128xf32, #tpu.memory_space<vmem_shared>> -> memref<10240x128xf32, #tpu.memory_space<vmem_shared>>
        tpu.wait_indirect_dma semaphore(%run_scoped3A : memref<!tpu.dma_semaphore, #tpu.memory_space<semaphore_mem>>) src(%arg10 : memref<128x128xf32, #tpu.memory_space<vmem>>) dst(%dma_wait3A_177 : memref<10240x128xf32, #tpu.memory_space<vmem_shared>>)
        tpu.yield
      }) : () -> ()
      %dma_start3A_123 = arith.constant 0 : i32
      %dma_start3A_124 = tpu.memref_slice %arg3[%add3A, %add3A_102, %dma_start3A_123] : memref<32x79x128xi32, #tpu.memory_space<hbm>> -> memref<1x1x128xi32, #tpu.memory_space<hbm>>
      %dma_start3A_125 = tpu.memref_squeeze %dma_start3A_124 : memref<1x1x128xi32, #tpu.memory_space<hbm>> -> memref<128xi32, #tpu.memory_space<hbm>>
      %dma_start3A_126 = arith.constant 0 : i32
      %dma_start3A_127 = tpu.memref_slice %arg3[%add3A, %add3A_102, %dma_start3A_126] : memref<32x79x128xi32, #tpu.memory_space<hbm>> -> memref<1x1x128xi32, #tpu.memory_space<hbm>>
      %dma_start3A_128 = tpu.memref_squeeze %dma_start3A_127 : memref<1x1x128xi32, #tpu.memory_space<hbm>> -> memref<128xi32, #tpu.memory_space<hbm>>
      tpu.enqueue_dma source(%dma_start3A_128 : memref<128xi32, #tpu.memory_space<hbm>>) target(%arg6 : memref<128xi32, #tpu.memory_space<vmem>>) target_semaphore(%arg13 : memref<!tpu.dma_semaphore, #tpu.memory_space<semaphore_mem>>)
      %dma_start3A_129 = arith.constant 0 : i32
      %dma_start3A_130 = tpu.memref_slice %arg4[%add3A, %add3A_102, %dma_start3A_129] : memref<32x79x128xi32, #tpu.memory_space<hbm>> -> memref<1x1x128xi32, #tpu.memory_space<hbm>>
      %dma_start3A_131 = tpu.memref_squeeze %dma_start3A_130 : memref<1x1x128xi32, #tpu.memory_space<hbm>> -> memref<128xi32, #tpu.memory_space<hbm>>
      %dma_start3A_132 = arith.constant 0 : i32
      %dma_start3A_133 = tpu.memref_slice %arg4[%add3A, %add3A_102, %dma_start3A_132] : memref<32x79x128xi32, #tpu.memory_space<hbm>> -> memref<1x1x128xi32, #tpu.memory_space<hbm>>
      %dma_start3A_134 = tpu.memref_squeeze %dma_start3A_133 : memref<1x1x128xi32, #tpu.memory_space<hbm>> -> memref<128xi32, #tpu.memory_space<hbm>>
      tpu.enqueue_dma source(%dma_start3A_134 : memref<128xi32, #tpu.memory_space<hbm>>) target(%arg7 : memref<128xi32, #tpu.memory_space<vmem>>) target_semaphore(%arg13 : memref<!tpu.dma_semaphore, #tpu.memory_space<semaphore_mem>>)
      %add3A_135 = arith.constant 1 : i32
      %add3A_136 = arith.addi %mul3A_100, %add3A_135 : i32
      %add3A_137 = arith.constant 3 : i32
      %add3A_138 = arith.addi %mul3A_100, %add3A_137 : i32
      %min3A = arith.constant 78 : i32
      %min3A_139 = arith.minsi %add3A_138, %min3A : i32
      %add3A_140 = arith.constant 1 : i32
      %add3A_141 = arith.addi %add3A_136, %add3A_140 : i32
      %dma_wait3A_142 = arith.constant 0 : i32
      %dma_wait3A_143 = tpu.memref_slice %arg3[%add3A, %add3A_141, %dma_wait3A_142] : memref<32x79x128xi32, #tpu.memory_space<hbm>> -> memref<1x1x128xi32, #tpu.memory_space<hbm>>
      %dma_wait3A_144 = tpu.memref_squeeze %dma_wait3A_143 : memref<1x1x128xi32, #tpu.memory_space<hbm>> -> memref<128xi32, #tpu.memory_space<hbm>>
      %dma_wait3A_145 = arith.constant 0 : i32
      %dma_wait3A_146 = tpu.memref_slice %arg3[%add3A, %add3A_141, %dma_wait3A_145] : memref<32x79x128xi32, #tpu.memory_space<hbm>> -> memref<1x1x128xi32, #tpu.memory_space<hbm>>
      %dma_wait3A_147 = tpu.memref_squeeze %dma_wait3A_146 : memref<1x1x128xi32, #tpu.memory_space<hbm>> -> memref<128xi32, #tpu.memory_space<hbm>>
      tpu.wait_dma2 semaphore(%arg13 : memref<!tpu.dma_semaphore, #tpu.memory_space<semaphore_mem>>) src(%dma_wait3A_147 : memref<128xi32, #tpu.memory_space<hbm>>) dst(%arg6 : memref<128xi32, #tpu.memory_space<vmem>>)
      %dma_wait3A_148 = arith.constant 0 : i32
      %dma_wait3A_149 = tpu.memref_slice %arg4[%add3A, %add3A_141, %dma_wait3A_148] : memref<32x79x128xi32, #tpu.memory_space<hbm>> -> memref<1x1x128xi32, #tpu.memory_space<hbm>>
      %dma_wait3A_150 = tpu.memref_squeeze %dma_wait3A_149 : memref<1x1x128xi32, #tpu.memory_space<hbm>> -> memref<128xi32, #tpu.memory_space<hbm>>
      %dma_wait3A_151 = arith.constant 0 : i32
      %dma_wait3A_152 = tpu.memref_slice %arg4[%add3A, %add3A_141, %dma_wait3A_151] : memref<32x79x128xi32, #tpu.memory_space<hbm>> -> memref<1x1x128xi32, #tpu.memory_space<hbm>>
      %dma_wait3A_153 = tpu.memref_squeeze %dma_wait3A_152 : memref<1x1x128xi32, #tpu.memory_space<hbm>> -> memref<128xi32, #tpu.memory_space<hbm>>
      tpu.wait_dma2 semaphore(%arg13 : memref<!tpu.dma_semaphore, #tpu.memory_space<semaphore_mem>>) src(%dma_wait3A_153 : memref<128xi32, #tpu.memory_space<hbm>>) dst(%arg7 : memref<128xi32, #tpu.memory_space<vmem>>)
      %dma_wait3A_154 = arith.constant 0 : i32
      %dma_wait3A_155 = arith.constant 0 : i32
      %dma_wait3A_156 = tpu.memref_slice %arg2[%dma_wait3A_154, %dma_wait3A_155] : memref<10000x128xf32, #tpu.memory_space<hbm>> -> memref<10000x128xf32, #tpu.memory_space<hbm>>
      tpu.wait_indirect_dma semaphore(%arg16 : memref<!tpu.dma_semaphore, #tpu.memory_space<semaphore_mem>>) src(%dma_wait3A_156 : memref<10000x128xf32, #tpu.memory_space<hbm>>) dst(%arg11 : memref<128x128xf32, #tpu.memory_space<vmem>>)
      %dma_start3A_157 = arith.constant 0 : i32
      %dma_start3A_158 = arith.constant 0 : i32
      %dma_start3A_159 = tpu.memref_slice %arg2[%dma_start3A_157, %dma_start3A_158] : memref<10000x128xf32, #tpu.memory_space<hbm>> -> memref<10000x128xf32, #tpu.memory_space<hbm>>
      tpu.enqueue_indirect_dma source(%dma_start3A_159 : memref<10000x128xf32, #tpu.memory_space<hbm>>) target(%arg10 : memref<128x128xf32, #tpu.memory_space<vmem>>) offsets(%arg6 : memref<128xi32, #tpu.memory_space<vmem>>) semaphore(%arg15 : memref<!tpu.dma_semaphore, #tpu.memory_space<semaphore_mem>>)
      "tpu.region"() ({
        %run_scoped3A = tpu.sem_alloc : memref<!tpu.dma_semaphore, #tpu.memory_space<semaphore_mem>>
        %dma_start3A_172 = arith.constant 0 : i32
        %dma_start3A_173 = arith.constant 0 : i32
        %dma_start3A_174 = tpu.memref_slice %arg12[%dma_start3A_172, %dma_start3A_173] : memref<10240x128xf32, #tpu.memory_space<vmem_shared>> -> memref<10240x128xf32, #tpu.memory_space<vmem_shared>>
        tpu.enqueue_indirect_dma source(%arg11 : memref<128x128xf32, #tpu.memory_space<vmem>>) target(%dma_start3A_174 : memref<10240x128xf32, #tpu.memory_space<vmem_shared>>) offsets(%arg9 : memref<128xi32, #tpu.memory_space<vmem>>) semaphore(%run_scoped3A : memref<!tpu.dma_semaphore, #tpu.memory_space<semaphore_mem>>) {add = true}
        %dma_wait3A_175 = arith.constant 0 : i32
        %dma_wait3A_176 = arith.constant 0 : i32
        %dma_wait3A_177 = tpu.memref_slice %arg12[%dma_wait3A_175, %dma_wait3A_176] : memref<10240x128xf32, #tpu.memory_space<vmem_shared>> -> memref<10240x128xf32, #tpu.memory_space<vmem_shared>>
        tpu.wait_indirect_dma semaphore(%run_scoped3A : memref<!tpu.dma_semaphore, #tpu.memory_space<semaphore_mem>>) src(%arg11 : memref<128x128xf32, #tpu.memory_space<vmem>>) dst(%dma_wait3A_177 : memref<10240x128xf32, #tpu.memory_space<vmem_shared>>)
        tpu.yield
      }) : () -> ()
      %dma_start3A_160 = arith.constant 0 : i32
      %dma_start3A_161 = tpu.memref_slice %arg3[%add3A, %min3A_139, %dma_start3A_160] : memref<32x79x128xi32, #tpu.memory_space<hbm>> -> memref<1x1x128xi32, #tpu.memory_space<hbm>>
      %dma_start3A_162 = tpu.memref_squeeze %dma_start3A_161 : memref<1x1x128xi32, #tpu.memory_space<hbm>> -> memref<128xi32, #tpu.memory_space<hbm>>
      %dma_start3A_163 = arith.constant 0 : i32
      %dma_start3A_164 = tpu.memref_slice %arg3[%add3A, %min3A_139, %dma_start3A_163] : memref<32x79x128xi32, #tpu.memory_space<hbm>> -> memref<1x1x128xi32, #tpu.memory_space<hbm>>
      %dma_start3A_165 = tpu.memref_squeeze %dma_start3A_164 : memref<1x1x128xi32, #tpu.memory_space<hbm>> -> memref<128xi32, #tpu.memory_space<hbm>>
      tpu.enqueue_dma source(%dma_start3A_165 : memref<128xi32, #tpu.memory_space<hbm>>) target(%arg8 : memref<128xi32, #tpu.memory_space<vmem>>) target_semaphore(%arg14 : memref<!tpu.dma_semaphore, #tpu.memory_space<semaphore_mem>>)
      %dma_start3A_166 = arith.constant 0 : i32
      %dma_start3A_167 = tpu.memref_slice %arg4[%add3A, %min3A_139, %dma_start3A_166] : memref<32x79x128xi32, #tpu.memory_space<hbm>> -> memref<1x1x128xi32, #tpu.memory_space<hbm>>
      %dma_start3A_168 = tpu.memref_squeeze %dma_start3A_167 : memref<1x1x128xi32, #tpu.memory_space<hbm>> -> memref<128xi32, #tpu.memory_space<hbm>>
      %dma_start3A_169 = arith.constant 0 : i32
      %dma_start3A_170 = tpu.memref_slice %arg4[%add3A, %min3A_139, %dma_start3A_169] : memref<32x79x128xi32, #tpu.memory_space<hbm>> -> memref<1x1x128xi32, #tpu.memory_space<hbm>>
      %dma_start3A_171 = tpu.memref_squeeze %dma_start3A_170 : memref<1x1x128xi32, #tpu.memory_space<hbm>> -> memref<128xi32, #tpu.memory_space<hbm>>
      tpu.enqueue_dma source(%dma_start3A_171 : memref<128xi32, #tpu.memory_space<hbm>>) target(%arg9 : memref<128xi32, #tpu.memory_space<vmem>>) target_semaphore(%arg14 : memref<!tpu.dma_semaphore, #tpu.memory_space<semaphore_mem>>)
    }
    %scan3A_75 = arith.constant 39 : i32
    %dma_wait3A_76 = arith.constant 0 : i32
    %dma_wait3A_77 = arith.constant 0 : i32
    %dma_wait3A_78 = tpu.memref_slice %arg3[%add3A, %dma_wait3A_76, %dma_wait3A_77] : memref<32x79x128xi32, #tpu.memory_space<hbm>> -> memref<1x1x128xi32, #tpu.memory_space<hbm>>
    %dma_wait3A_79 = tpu.memref_squeeze %dma_wait3A_78 : memref<1x1x128xi32, #tpu.memory_space<hbm>> -> memref<128xi32, #tpu.memory_space<hbm>>
    %dma_wait3A_80 = arith.constant 0 : i32
    %dma_wait3A_81 = tpu.memref_slice %arg3[%add3A, %dma_wait3A_76, %dma_wait3A_80] : memref<32x79x128xi32, #tpu.memory_space<hbm>> -> memref<1x1x128xi32, #tpu.memory_space<hbm>>
    %dma_wait3A_82 = tpu.memref_squeeze %dma_wait3A_81 : memref<1x1x128xi32, #tpu.memory_space<hbm>> -> memref<128xi32, #tpu.memory_space<hbm>>
    tpu.wait_dma2 semaphore(%arg14 : memref<!tpu.dma_semaphore, #tpu.memory_space<semaphore_mem>>) src(%dma_wait3A_82 : memref<128xi32, #tpu.memory_space<hbm>>) dst(%arg8 : memref<128xi32, #tpu.memory_space<vmem>>)
    %dma_wait3A_83 = arith.constant 0 : i32
    %dma_wait3A_84 = arith.constant 0 : i32
    %dma_wait3A_85 = tpu.memref_slice %arg4[%add3A, %dma_wait3A_83, %dma_wait3A_84] : memref<32x79x128xi32, #tpu.memory_space<hbm>> -> memref<1x1x128xi32, #tpu.memory_space<hbm>>
    %dma_wait3A_86 = tpu.memref_squeeze %dma_wait3A_85 : memref<1x1x128xi32, #tpu.memory_space<hbm>> -> memref<128xi32, #tpu.memory_space<hbm>>
    %dma_wait3A_87 = arith.constant 0 : i32
    %dma_wait3A_88 = tpu.memref_slice %arg4[%add3A, %dma_wait3A_83, %dma_wait3A_87] : memref<32x79x128xi32, #tpu.memory_space<hbm>> -> memref<1x1x128xi32, #tpu.memory_space<hbm>>
    %dma_wait3A_89 = tpu.memref_squeeze %dma_wait3A_88 : memref<1x1x128xi32, #tpu.memory_space<hbm>> -> memref<128xi32, #tpu.memory_space<hbm>>
    tpu.wait_dma2 semaphore(%arg14 : memref<!tpu.dma_semaphore, #tpu.memory_space<semaphore_mem>>) src(%dma_wait3A_89 : memref<128xi32, #tpu.memory_space<hbm>>) dst(%arg9 : memref<128xi32, #tpu.memory_space<vmem>>)
    %dma_wait3A_90 = arith.constant 0 : i32
    %dma_wait3A_91 = arith.constant 0 : i32
    %dma_wait3A_92 = tpu.memref_slice %arg2[%dma_wait3A_90, %dma_wait3A_91] : memref<10000x128xf32, #tpu.memory_space<hbm>> -> memref<10000x128xf32, #tpu.memory_space<hbm>>
    tpu.wait_indirect_dma semaphore(%arg15 : memref<!tpu.dma_semaphore, #tpu.memory_space<semaphore_mem>>) src(%dma_wait3A_92 : memref<10000x128xf32, #tpu.memory_space<hbm>>) dst(%arg10 : memref<128x128xf32, #tpu.memory_space<vmem>>)
    "tpu.region"() ({
      %run_scoped3A = tpu.sem_alloc : memref<!tpu.dma_semaphore, #tpu.memory_space<semaphore_mem>>
      %dma_start3A_98 = arith.constant 0 : i32
      %dma_start3A_99 = arith.constant 0 : i32
      %dma_start3A_100 = tpu.memref_slice %arg12[%dma_start3A_98, %dma_start3A_99] : memref<10240x128xf32, #tpu.memory_space<vmem_shared>> -> memref<10240x128xf32, #tpu.memory_space<vmem_shared>>
      tpu.enqueue_indirect_dma source(%arg10 : memref<128x128xf32, #tpu.memory_space<vmem>>) target(%dma_start3A_100 : memref<10240x128xf32, #tpu.memory_space<vmem_shared>>) offsets(%arg7 : memref<128xi32, #tpu.memory_space<vmem>>) semaphore(%run_scoped3A : memref<!tpu.dma_semaphore, #tpu.memory_space<semaphore_mem>>) {add = true}
      %dma_wait3A_101 = arith.constant 0 : i32
      %dma_wait3A_102 = arith.constant 0 : i32
      %dma_wait3A_103 = tpu.memref_slice %arg12[%dma_wait3A_101, %dma_wait3A_102] : memref<10240x128xf32, #tpu.memory_space<vmem_shared>> -> memref<10240x128xf32, #tpu.memory_space<vmem_shared>>
      tpu.wait_indirect_dma semaphore(%run_scoped3A : memref<!tpu.dma_semaphore, #tpu.memory_space<semaphore_mem>>) src(%arg10 : memref<128x128xf32, #tpu.memory_space<vmem>>) dst(%dma_wait3A_103 : memref<10240x128xf32, #tpu.memory_space<vmem_shared>>)
      tpu.yield
    }) : () -> ()
    %barrier3A_93 = arith.constant 0 : index
    tpu.barrier barrier_id(%barrier3A_93)
    %mul3A_94 = arith.constant 640 : i32
    %mul3A_95 = arith.muli %arg1, %mul3A_94 : i32
    %mul3A_96 = arith.constant 640 : i32
    %mul3A_97 = arith.muli %arg1, %mul3A_96 : i32
    "tpu.region"() ({
      %run_scoped3A = tpu.sem_alloc : memref<!tpu.dma_semaphore, #tpu.memory_space<semaphore_mem>>
      %dma_start3A_98 = arith.constant 0 : i32
      %dma_start3A_99 = tpu.memref_slice %arg5[%arg0, %mul3A_97, %dma_start3A_98] : memref<2x10240x128xf32, #tpu.memory_space<hbm>> -> memref<1x640x128xf32, #tpu.memory_space<hbm>>
      %dma_start3A_100 = tpu.memref_squeeze %dma_start3A_99 : memref<1x640x128xf32, #tpu.memory_space<hbm>> -> memref<640x128xf32, #tpu.memory_space<hbm>>
      %dma_start3A_101 = arith.constant 0 : i32
      %dma_start3A_102 = tpu.memref_slice %arg12[%mul3A_95, %dma_start3A_101] : memref<10240x128xf32, #tpu.memory_space<vmem_shared>> -> memref<640x128xf32, #tpu.memory_space<vmem_shared>>
      tpu.enqueue_dma source(%dma_start3A_102 : memref<640x128xf32, #tpu.memory_space<vmem_shared>>) target(%dma_start3A_100 : memref<640x128xf32, #tpu.memory_space<hbm>>) target_semaphore(%run_scoped3A : memref<!tpu.dma_semaphore, #tpu.memory_space<semaphore_mem>>)
      %dma_wait3A_103 = arith.constant 0 : i32
      %dma_wait3A_104 = tpu.memref_slice %arg5[%arg0, %mul3A_97, %dma_wait3A_103] : memref<2x10240x128xf32, #tpu.memory_space<hbm>> -> memref<1x640x128xf32, #tpu.memory_space<hbm>>
      %dma_wait3A_105 = tpu.memref_squeeze %dma_wait3A_104 : memref<1x640x128xf32, #tpu.memory_space<hbm>> -> memref<640x128xf32, #tpu.memory_space<hbm>>
      %dma_wait3A_106 = arith.constant 0 : i32
      %dma_wait3A_107 = tpu.memref_slice %arg12[%mul3A_95, %dma_wait3A_106] : memref<10240x128xf32, #tpu.memory_space<vmem_shared>> -> memref<640x128xf32, #tpu.memory_space<vmem_shared>>
      tpu.wait_dma2 semaphore(%run_scoped3A : memref<!tpu.dma_semaphore, #tpu.memory_space<semaphore_mem>>) src(%dma_wait3A_107 : memref<640x128xf32, #tpu.memory_space<vmem_shared>>) dst(%dma_wait3A_105 : memref<640x128xf32, #tpu.memory_space<hbm>>)
      tpu.yield
    }) : () -> ()
    return
  }
}

module attributes {stable_mosaic.version = 14 : i64} {
  func.func @_l1_body(%arg0: i32, %arg1: memref<2000x128xf32, #tpu.memory_space<vmem>>, %arg2: memref<128x128xf32, #tpu.memory_space<vmem>>, %arg3: memref<2000x128xf32, #tpu.memory_space<vmem>>) attributes {dimension_semantics = [#tpu.dimension_semantics<arbitrary>], iteration_bounds = array<i64: 5>, scalar_prefetch = 0 : i64, scratch_operands = 0 : i64, tpu.core_type = #tpu.core_type<tc>, window_params = [{transform_indices = @transform_0, window_bounds = array<i64: 2000, 128>}, {pipeline_mode = #tpu.pipeline_mode<synchronous>, transform_indices = @transform_1, window_bounds = array<i64: 128, 128>}, {transform_indices = @transform_2, window_bounds = array<i64: 2000, 128>}]} {
    %get3A = arith.constant 0 : index
    %get3A_0 = arith.constant 0 : index
    %get3A_1 = vector.load %arg1[%get3A, %get3A_0] : memref<2000x128xf32, #tpu.memory_space<vmem>>, vector<2000x128xf32>
    %mul3A = arith.mulf %get3A_1, %get3A_1 : vector<2000x128xf32>
    %reduce_sum3A = arith.constant dense<0.000000e+00> : vector<2000xf32>
    %reduce_sum3A_2 = vector.multi_reduction <add>, %mul3A, %reduce_sum3A [1] : vector<2000x128xf32> to vector<2000xf32>
    %broadcast_in_dim3A = vector.shape_cast %reduce_sum3A_2 : vector<2000xf32> to vector<2000x1xf32>
    %sqrt3A = math.sqrt %broadcast_in_dim3A : vector<2000x1xf32>
    %add3A = arith.constant 9.99999996E-13 : f32
    %add3A_3 = vector.broadcast %add3A : f32 to vector<2000x1xf32>
    %add3A_4 = arith.addf %sqrt3A, %add3A_3 : vector<2000x1xf32>
    %div3A = vector.broadcast %add3A_4 : vector<2000x1xf32> to vector<2000x128xf32>
    %div3A_5 = arith.divf %get3A_1, %div3A : vector<2000x128xf32>
    %get3A_6 = arith.constant 0 : index
    %get3A_7 = arith.constant 0 : index
    %get3A_8 = vector.load %arg2[%get3A_6, %get3A_7] : memref<128x128xf32, #tpu.memory_space<vmem>>, vector<128x128xf32>
    %dot_general3A = arith.constant dense<0.000000e+00> : vector<2000x128xf32>
    %dot_general3A_9 = tpu.matmul %div3A_5, %get3A_8, %dot_general3A {dimension_numbers = #tpu.dot_dimension_numbers<[1], [0], [0], [1], [0, 0, 1, 1], [], []>, transpose_lhs_hint = false} : vector<2000x128xf32>, vector<128x128xf32>, vector<2000x128xf32> -> vector<2000x128xf32>
    %swap3A = arith.constant 0 : index
    %swap3A_10 = arith.constant 0 : index
    %swap3A_11 = vector.load %arg3[%swap3A, %swap3A_10] : memref<2000x128xf32, #tpu.memory_space<vmem>>, vector<2000x128xf32>
    tpu.vector_store %arg3[%swap3A, %swap3A_10], %dot_general3A_9 {strides = array<i32>} : memref<2000x128xf32, #tpu.memory_space<vmem>>, vector<2000x128xf32>,
    return
  }
  func.func @transform_0(%arg0: i32) -> (i32, i32) {
    %c0_i32 = arith.constant 0 : i32
    %c0_i32_0 = arith.constant 0 : i32
    return %arg0, %c0_i32 : i32, i32
  }
  func.func @transform_1(%arg0: i32) -> (i32, i32) {
    %c0_i32 = arith.constant 0 : i32
    %c0_i32_0 = arith.constant 0 : i32
    %c0_i32_1 = arith.constant 0 : i32
    return %c0_i32, %c0_i32_0 : i32, i32
  }
  func.func @transform_2(%arg0: i32) -> (i32, i32) {
    %c0_i32 = arith.constant 0 : i32
    %c0_i32_0 = arith.constant 0 : i32
    return %arg0, %c0_i32 : i32, i32
  }
}

module attributes {stable_mosaic.version = 14 : i64} {
  func.func @_scale_body(%arg0: i32, %arg1: memref<2000x128xf32, #tpu.memory_space<vmem>>, %arg2: memref<2x2000x1xf32, #tpu.memory_space<vmem>>, %arg3: memref<2000x128xf32, #tpu.memory_space<vmem>>) attributes {dimension_semantics = [#tpu.dimension_semantics<arbitrary>], iteration_bounds = array<i64: 5>, scalar_prefetch = 0 : i64, scratch_operands = 0 : i64, tpu.core_type = #tpu.core_type<tc>, window_params = [{transform_indices = @transform_0, window_bounds = array<i64: 2000, 128>}, {transform_indices = @transform_1, window_bounds = array<i64: 2, 2000, 1>}, {transform_indices = @transform_2, window_bounds = array<i64: 2000, 128>}]} {
    %get3A = arith.constant 0 : index
    %get3A_0 = arith.constant 0 : index
    %get3A_1 = vector.load %arg1[%get3A, %get3A_0] : memref<2000x128xf32, #tpu.memory_space<vmem>>, vector<2000x128xf32>
    %get3A_2 = arith.constant 0 : index
    %get3A_3 = arith.constant 0 : index
    %get3A_4 = arith.constant 0 : index
    %get3A_5 = vector.load %arg2[%get3A_2, %get3A_3, %get3A_4] : memref<2x2000x1xf32, #tpu.memory_space<vmem>>, vector<1x2000x1xf32>
    %get3A_6 = vector.shape_cast %get3A_5 : vector<1x2000x1xf32> to vector<2000x1xf32>
    %get3A_7 = arith.constant 1 : index
    %get3A_8 = arith.constant 0 : index
    %get3A_9 = arith.constant 0 : index
    %get3A_10 = vector.load %arg2[%get3A_7, %get3A_8, %get3A_9] : memref<2x2000x1xf32, #tpu.memory_space<vmem>>, vector<1x2000x1xf32>
    %get3A_11 = vector.shape_cast %get3A_10 : vector<1x2000x1xf32> to vector<2000x1xf32>
    %add3A = arith.addf %get3A_6, %get3A_11 : vector<2000x1xf32>
    %max3A = arith.constant 1.000000e+00 : f32
    %max3A_12 = vector.broadcast %max3A : f32 to vector<2000x1xf32>
    %max3A_13 = arith.maximumf %add3A, %max3A_12 : vector<2000x1xf32>
    %rsqrt3A = math.rsqrt %max3A_13 : vector<2000x1xf32>
    %mul3A = vector.broadcast %rsqrt3A : vector<2000x1xf32> to vector<2000x128xf32>
    %mul3A_14 = arith.mulf %get3A_1, %mul3A : vector<2000x128xf32>
    %swap3A = arith.constant 0 : index
    %swap3A_15 = arith.constant 0 : index
    %swap3A_16 = vector.load %arg3[%swap3A, %swap3A_15] : memref<2000x128xf32, #tpu.memory_space<vmem>>, vector<2000x128xf32>
    tpu.vector_store %arg3[%swap3A, %swap3A_15], %mul3A_14 {strides = array<i32>} : memref<2000x128xf32, #tpu.memory_space<vmem>>, vector<2000x128xf32>,
    return
  }
  func.func @transform_0(%arg0: i32) -> (i32, i32) {
    %c0_i32 = arith.constant 0 : i32
    %c0_i32_0 = arith.constant 0 : i32
    return %arg0, %c0_i32 : i32, i32
  }
  func.func @transform_1(%arg0: i32) -> (i32, i32, i32) {
    %c0_i32 = arith.constant 0 : i32
    %c0_i32_0 = arith.constant 0 : i32
    %c0_i32_1 = arith.constant 0 : i32
    return %c0_i32, %arg0, %c0_i32_0 : i32, i32, i32
  }
  func.func @transform_2(%arg0: i32) -> (i32, i32) {
    %c0_i32 = arith.constant 0 : i32
    %c0_i32_0 = arith.constant 0 : i32
    return %arg0, %c0_i32 : i32, i32
  }
}

module attributes {stable_mosaic.version = 14 : i64} {
  func.func @_l2_body(%arg0: i32, %arg1: memref<2x1280x128xf32, #tpu.memory_space<vmem>>, %arg2: memref<2x1280x1xf32, #tpu.memory_space<vmem>>, %arg3: memref<1x128xf32, #tpu.memory_space<vmem>>, %arg4: memref<1280x128xf32, #tpu.memory_space<vmem>>) attributes {dimension_semantics = [#tpu.dimension_semantics<arbitrary>], iteration_bounds = array<i64: 8>, scalar_prefetch = 0 : i64, scratch_operands = 0 : i64, tpu.core_type = #tpu.core_type<tc>, window_params = [{transform_indices = @transform_0, window_bounds = array<i64: 2, 1280, 128>}, {transform_indices = @transform_1, window_bounds = array<i64: 2, 1280, 1>}, {pipeline_mode = #tpu.pipeline_mode<synchronous>, transform_indices = @transform_2, window_bounds = array<i64: 1, 128>}, {transform_indices = @transform_3, window_bounds = array<i64: 1280, 128>}]} {
    %get3A = arith.constant 0 : index
    %get3A_0 = arith.constant 0 : index
    %get3A_1 = arith.constant 0 : index
    %get3A_2 = vector.load %arg2[%get3A, %get3A_0, %get3A_1] : memref<2x1280x1xf32, #tpu.memory_space<vmem>>, vector<1x1280x1xf32>
    %get3A_3 = vector.shape_cast %get3A_2 : vector<1x1280x1xf32> to vector<1280x1xf32>
    %get3A_4 = arith.constant 1 : index
    %get3A_5 = arith.constant 0 : index
    %get3A_6 = arith.constant 0 : index
    %get3A_7 = vector.load %arg2[%get3A_4, %get3A_5, %get3A_6] : memref<2x1280x1xf32, #tpu.memory_space<vmem>>, vector<1x1280x1xf32>
    %get3A_8 = vector.shape_cast %get3A_7 : vector<1x1280x1xf32> to vector<1280x1xf32>
    %add3A = arith.addf %get3A_3, %get3A_8 : vector<1280x1xf32>
    %max3A = arith.constant 1.000000e+00 : f32
    %max3A_9 = vector.broadcast %max3A : f32 to vector<1280x1xf32>
    %max3A_10 = arith.maximumf %add3A, %max3A_9 : vector<1280x1xf32>
    %rsqrt3A = math.rsqrt %max3A_10 : vector<1280x1xf32>
    %get3A_11 = arith.constant 0 : index
    %get3A_12 = arith.constant 0 : index
    %get3A_13 = arith.constant 0 : index
    %get3A_14 = vector.load %arg1[%get3A_11, %get3A_12, %get3A_13] : memref<2x1280x128xf32, #tpu.memory_space<vmem>>, vector<1x1280x128xf32>
    %get3A_15 = vector.shape_cast %get3A_14 : vector<1x1280x128xf32> to vector<1280x128xf32>
    %get3A_16 = arith.constant 1 : index
    %get3A_17 = arith.constant 0 : index
    %get3A_18 = arith.constant 0 : index
    %get3A_19 = vector.load %arg1[%get3A_16, %get3A_17, %get3A_18] : memref<2x1280x128xf32, #tpu.memory_space<vmem>>, vector<1x1280x128xf32>
    %get3A_20 = vector.shape_cast %get3A_19 : vector<1x1280x128xf32> to vector<1280x128xf32>
    %add3A_21 = arith.addf %get3A_15, %get3A_20 : vector<1280x128xf32>
    %mul3A = vector.broadcast %rsqrt3A : vector<1280x1xf32> to vector<1280x128xf32>
    %mul3A_22 = arith.mulf %add3A_21, %mul3A : vector<1280x128xf32>
    %get3A_23 = arith.constant 0 : index
    %get3A_24 = arith.constant 0 : index
    %get3A_25 = vector.load %arg3[%get3A_23, %get3A_24] : memref<1x128xf32, #tpu.memory_space<vmem>>, vector<1x128xf32>
    %add3A_26 = vector.broadcast %get3A_25 : vector<1x128xf32> to vector<1280x128xf32>
    %add3A_27 = arith.addf %mul3A_22, %add3A_26 : vector<1280x128xf32>
    %max3A_28 = arith.constant 0.000000e+00 : f32
    %max3A_29 = vector.broadcast %max3A_28 : f32 to vector<1280x128xf32>
    %max3A_30 = arith.maximumf %add3A_27, %max3A_29 : vector<1280x128xf32>
    %mul3A_31 = vector.broadcast %rsqrt3A : vector<1280x1xf32> to vector<1280x128xf32>
    %mul3A_32 = arith.mulf %max3A_30, %mul3A_31 : vector<1280x128xf32>
    %swap3A = arith.constant 0 : index
    %swap3A_33 = arith.constant 0 : index
    %swap3A_34 = vector.load %arg4[%swap3A, %swap3A_33] : memref<1280x128xf32, #tpu.memory_space<vmem>>, vector<1280x128xf32>
    tpu.vector_store %arg4[%swap3A, %swap3A_33], %mul3A_32 {strides = array<i32>} : memref<1280x128xf32, #tpu.memory_space<vmem>>, vector<1280x128xf32>,
    return
  }
  func.func @transform_0(%arg0: i32) -> (i32, i32, i32) {
    %c0_i32 = arith.constant 0 : i32
    %c0_i32_0 = arith.constant 0 : i32
    %c0_i32_1 = arith.constant 0 : i32
    return %c0_i32, %arg0, %c0_i32_0 : i32, i32, i32
  }
  func.func @transform_1(%arg0: i32) -> (i32, i32, i32) {
    %c0_i32 = arith.constant 0 : i32
    %c0_i32_0 = arith.constant 0 : i32
    %c0_i32_1 = arith.constant 0 : i32
    return %c0_i32, %arg0, %c0_i32_0 : i32, i32, i32
  }
  func.func @transform_2(%arg0: i32) -> (i32, i32) {
    %c0_i32 = arith.constant 0 : i32
    %c0_i32_0 = arith.constant 0 : i32
    %c0_i32_1 = arith.constant 0 : i32
    return %c0_i32, %c0_i32_0 : i32, i32
  }
  func.func @transform_3(%arg0: i32) -> (i32, i32) {
    %c0_i32 = arith.constant 0 : i32
    %c0_i32_0 = arith.constant 0 : i32
    return %arg0, %c0_i32 : i32, i32
  }
}

module attributes {stable_mosaic.version = 14 : i64} {
  func.func @_l3_body(%arg0: i32, %arg1: memref<2x2000x128xf32, #tpu.memory_space<vmem>>, %arg2: memref<2x2000x1xf32, #tpu.memory_space<vmem>>, %arg3: memref<128x16xf32, #tpu.memory_space<vmem>>, %arg4: memref<1x16xf32, #tpu.memory_space<vmem>>, %arg5: memref<2000x16xf32, #tpu.memory_space<vmem>>) attributes {dimension_semantics = [#tpu.dimension_semantics<arbitrary>], iteration_bounds = array<i64: 5>, scalar_prefetch = 0 : i64, scratch_operands = 0 : i64, tpu.core_type = #tpu.core_type<tc>, window_params = [{transform_indices = @transform_0, window_bounds = array<i64: 2, 2000, 128>}, {transform_indices = @transform_1, window_bounds = array<i64: 2, 2000, 1>}, {pipeline_mode = #tpu.pipeline_mode<synchronous>, transform_indices = @transform_2, window_bounds = array<i64: 128, 16>}, {pipeline_mode = #tpu.pipeline_mode<synchronous>, transform_indices = @transform_3, window_bounds = array<i64: 1, 16>}, {transform_indices = @transform_4, window_bounds = array<i64: 2000, 16>}]} {
    %get3A = arith.constant 0 : index
    %get3A_0 = arith.constant 0 : index
    %get3A_1 = arith.constant 0 : index
    %get3A_2 = vector.load %arg1[%get3A, %get3A_0, %get3A_1] : memref<2x2000x128xf32, #tpu.memory_space<vmem>>, vector<1x2000x128xf32>
    %get3A_3 = vector.shape_cast %get3A_2 : vector<1x2000x128xf32> to vector<2000x128xf32>
    %get3A_4 = arith.constant 1 : index
    %get3A_5 = arith.constant 0 : index
    %get3A_6 = arith.constant 0 : index
    %get3A_7 = vector.load %arg1[%get3A_4, %get3A_5, %get3A_6] : memref<2x2000x128xf32, #tpu.memory_space<vmem>>, vector<1x2000x128xf32>
    %get3A_8 = vector.shape_cast %get3A_7 : vector<1x2000x128xf32> to vector<2000x128xf32>
    %add3A = arith.addf %get3A_3, %get3A_8 : vector<2000x128xf32>
    %get3A_9 = arith.constant 0 : index
    %get3A_10 = arith.constant 0 : index
    %get3A_11 = arith.constant 0 : index
    %get3A_12 = vector.load %arg2[%get3A_9, %get3A_10, %get3A_11] : memref<2x2000x1xf32, #tpu.memory_space<vmem>>, vector<1x2000x1xf32>
    %get3A_13 = vector.shape_cast %get3A_12 : vector<1x2000x1xf32> to vector<2000x1xf32>
    %get3A_14 = arith.constant 1 : index
    %get3A_15 = arith.constant 0 : index
    %get3A_16 = arith.constant 0 : index
    %get3A_17 = vector.load %arg2[%get3A_14, %get3A_15, %get3A_16] : memref<2x2000x1xf32, #tpu.memory_space<vmem>>, vector<1x2000x1xf32>
    %get3A_18 = vector.shape_cast %get3A_17 : vector<1x2000x1xf32> to vector<2000x1xf32>
    %add3A_19 = arith.addf %get3A_13, %get3A_18 : vector<2000x1xf32>
    %max3A = arith.constant 1.000000e+00 : f32
    %max3A_20 = vector.broadcast %max3A : f32 to vector<2000x1xf32>
    %max3A_21 = arith.maximumf %add3A_19, %max3A_20 : vector<2000x1xf32>
    %rsqrt3A = math.rsqrt %max3A_21 : vector<2000x1xf32>
    %mul3A = vector.broadcast %rsqrt3A : vector<2000x1xf32> to vector<2000x128xf32>
    %mul3A_22 = arith.mulf %add3A, %mul3A : vector<2000x128xf32>
    %get3A_23 = arith.constant 0 : index
    %get3A_24 = arith.constant 0 : index
    %get3A_25 = vector.load %arg3[%get3A_23, %get3A_24] : memref<128x16xf32, #tpu.memory_space<vmem>>, vector<128x16xf32>
    %dot_general3A = arith.constant dense<0.000000e+00> : vector<2000x16xf32>
    %dot_general3A_26 = tpu.matmul %mul3A_22, %get3A_25, %dot_general3A {dimension_numbers = #tpu.dot_dimension_numbers<[1], [0], [0], [1], [0, 0, 1, 1], [], []>, transpose_lhs_hint = false} : vector<2000x128xf32>, vector<128x16xf32>, vector<2000x16xf32> -> vector<2000x16xf32>
    %get3A_27 = arith.constant 0 : index
    %get3A_28 = arith.constant 0 : index
    %get3A_29 = vector.load %arg4[%get3A_27, %get3A_28] : memref<1x16xf32, #tpu.memory_space<vmem>>, vector<1x16xf32>
    %add3A_30 = vector.broadcast %get3A_29 : vector<1x16xf32> to vector<2000x16xf32>
    %add3A_31 = arith.addf %dot_general3A_26, %add3A_30 : vector<2000x16xf32>
    %reduce_max3A = arith.constant dense<0xFF800000> : vector<2000xf32>
    %reduce_max3A_32 = vector.multi_reduction <maximumf>, %add3A_31, %reduce_max3A [1] : vector<2000x16xf32> to vector<2000xf32>
    %broadcast_in_dim3A = vector.shape_cast %reduce_max3A_32 : vector<2000xf32> to vector<2000x1xf32>
    %sub3A = vector.broadcast %broadcast_in_dim3A : vector<2000x1xf32> to vector<2000x16xf32>
    %sub3A_33 = arith.subf %add3A_31, %sub3A : vector<2000x16xf32>
    %exp3A = math.exp %sub3A_33 : vector<2000x16xf32>
    %reduce_sum3A = arith.constant dense<0.000000e+00> : vector<2000xf32>
    %reduce_sum3A_34 = vector.multi_reduction <add>, %exp3A, %reduce_sum3A [1] : vector<2000x16xf32> to vector<2000xf32>
    %broadcast_in_dim3A_35 = vector.shape_cast %reduce_sum3A_34 : vector<2000xf32> to vector<2000x1xf32>
    %div3A = vector.broadcast %broadcast_in_dim3A_35 : vector<2000x1xf32> to vector<2000x16xf32>
    %div3A_36 = arith.divf %exp3A, %div3A : vector<2000x16xf32>
    %swap3A = arith.constant 0 : index
    %swap3A_37 = arith.constant 0 : index
    %swap3A_38 = vector.load %arg5[%swap3A, %swap3A_37] : memref<2000x16xf32, #tpu.memory_space<vmem>>, vector<2000x16xf32>
    tpu.vector_store %arg5[%swap3A, %swap3A_37], %div3A_36 {strides = array<i32>} : memref<2000x16xf32, #tpu.memory_space<vmem>>, vector<2000x16xf32>,
    return
  }
  func.func @transform_0(%arg0: i32) -> (i32, i32, i32) {
    %c0_i32 = arith.constant 0 : i32
    %c0_i32_0 = arith.constant 0 : i32
    %c0_i32_1 = arith.constant 0 : i32
    return %c0_i32, %arg0, %c0_i32_0 : i32, i32, i32
  }
  func.func @transform_1(%arg0: i32) -> (i32, i32, i32) {
    %c0_i32 = arith.constant 0 : i32
    %c0_i32_0 = arith.constant 0 : i32
    %c0_i32_1 = arith.constant 0 : i32
    return %c0_i32, %arg0, %c0_i32_0 : i32, i32, i32
  }
  func.func @transform_2(%arg0: i32) -> (i32, i32) {
    %c0_i32 = arith.constant 0 : i32
    %c0_i32_0 = arith.constant 0 : i32
    %c0_i32_1 = arith.constant 0 : i32
    return %c0_i32, %c0_i32_0 : i32, i32
  }
  func.func @transform_3(%arg0: i32) -> (i32, i32) {
    %c0_i32 = arith.constant 0 : i32
    %c0_i32_0 = arith.constant 0 : i32
    %c0_i32_1 = arith.constant 0 : i32
    return %c0_i32, %c0_i32_0 : i32, i32
  }
  func.func @transform_4(%arg0: i32) -> (i32, i32) {
    %c0_i32 = arith.constant 0 : i32
    %c0_i32_0 = arith.constant 0 : i32
    return %arg0, %c0_i32 : i32, i32
  }
}

</mosaic_0001>

<sc_bundles>
// kernel: kernel.12.cloned.1.call-start
scs
__scs_entry_jumppad:
0x0: {  	(pc) =	sbr.rel $0x88, $3  }
0x1: {  	(tag) =	ssettag $0x0;
	lr =	simm.s32 $0x1  }
0x2: {  	[smem:$0x3F9B] =	sst lr;
	_ =	strace $0xD0000000  }
0x3: {  	_ = 	snop  }
0x4: {  	_ = 	snop  }
0x5: {  	_ = 	snop  }
0x6: {  	_ = 	snop  }
0x7: {  	_ = 	snop  }
__scs_overlays_trampoline_lowered:
0x8: {  	[smem:$0x3FAA] =	sst s0  }
0x9: {  	[smem:$0x3FAB] =	sst s1  }
0xa: {  	[smem:$0x3FAC] =	sst s2  }
0xb: {  	[smem:$0x3FAD] =	sst s3  }
0xc: {  	[smem:$0x3FAE] =	sst s4  }
0xd: {  	[smem:$0x3FAF] =	sst s5  }
0xe: {  	[smem:$0x3FB0] =	sst s6  }
0xf: {  	[smem:$0x3FB1] =	sst s7  }
0x10: {  	[smem:$0x3FB2] =	sst s8  }
0x11: {  	[smem:$0x3FB3] =	sst s9;
	s0 =	simm.s32 @!p0 $0x0  }
0x12: {  	s1 =	sld [smem:$0x3F99];
	s0 =	simm.s32 @p0 $0x1  }
0x13: {  	[smem:$0x3FB4] =	sst s0;
	s0 =	simm.s32 @!p1 $0x0  }
0x14: {  	s2 =	sld [smem:$0x3F98];
	s0 =	simm.s32 @p1 $0x1  }
0x15: {  	[smem:$0x3FB5] =	sst s0;
	s0 =	simm.s32 @!p2 $0x0  }
0x16: {  	s3 =	sld [smem:$0x3FDB];
	s0 =	simm.s32 @p2 $0x1  }
0x17: {  	s4 =	simm.s32 $0x1BF5;
	[smem:$0x3FB7] =	sst s0  }
0x18: {  	s0 =	sld [smem:$0x3F9A];
	_ =	swait.ge [sflag:s4], $0x0  }
0x19: {  	s7 =	sld [smem:$0x3F9B]  }
0x1a: {  	s8 =	sadd.s32 $0xFFFFE003, lr  }
0x1b: {  	s9 =	sadd.s32 $0xFFFFFEF7, lr;
	s5 =	simm.s32 $0xFFFFFFFF;
	p2 =	slt.u32 s8, $0xFFFFF086  }
0x1c: {  	p1 =	slt.u32 s9, $0xF7A;
	s5 =	simm.s32 @!p2 $0x0  }
0x1d: {  	s5 =	simm.s32 @p1 $0x1;
	p0 =	seq.s32 s7, s2  }
0x1e: {  	s7 =	smul.u32 @!p0 $0xF7A, s2;
	p2 =	seq.s32 @!p0 s5, $0x0  }
0x1f: {  	s9 =	smul.u32 $0xF7A, s1;
	s8 =	simm.s32 @!p0 $0x1BF5;
	p2 =	por !p2, p0  }
0x20: {  	[sflag:s8] =	ssyncset.s32 @!p0 $0xFFFFF086;
	s6 =	sadd.s32 @!p0 s3, s7;
	s7 =	simm.s32 @!p0 $0x108  }
0x21: {  	s3 =	sadd.s32 s3, s9;
	s6 =	sadd.s32 @!p0 $0x88, s6;
	s7 =	simm.s32 @p2 $0x1082  }
0x22: {  	[simem:s7], [sflag:s8] =	dma.local @!p0 [hbm:s6], $0xF7A  }
0x23: {  	s9 =	sor.u32 $0xD0000000, s2;
	s6 =	simm.s32 $0x108;
	_ =	swait.ge @!p0 [sflag:s8], $0x0  }
0x24: {  	s3 =	sadd.s32 $0x88, s3;
	s6 =	simm.s32 @!p1 $0x1082;
	[sflag:s4] =	ssyncset.s32 $0xFFFFF086  }
0x25: {  	[simem:s6], [sflag:s4] =	dma.local [hbm:s3], $0xF7A  }
0x26: {  	[smem:$0x3F9B] =	sst s1;
	(tag) =	ssettag s2;
	_ =	strace s9  }
0x27: {  	s1 =	sld [smem:$0x3FAB]  }
0x28: {  	s2 =	sld [smem:$0x3FAC]  }
0x29: {  	s4 =	sld [smem:$0x3FAE]  }
0x2a: {  	p0 =	seq.s32 s5, $0x0;
	s5 =	sld [smem:$0x3FAF]  }
0x2b: {  	s6 =	sld [smem:$0x3FB0]  }
0x2c: {  	s7 =	sld [smem:$0x3FB1]  }
0x2d: {  	s3 =	simm.s32 $0x108;
	s8 =	sld [smem:$0x3FB2]  }
0x2e: {  	s3 =	simm.s32 @!p0 $0x1082;
	s9 =	sld [smem:$0x3FB3]  }
0x2f: {  	lr =	sadd.s32 s0, s3;
	s0 =	sld [smem:$0x3FAA]  }
0x30: {  	s3 =	sld [smem:$0x3FAD]  }
0x31: {  	[smem:$0x3FB6] =	sst s10  }
0x32: {  	s10 =	sld [smem:$0x3FB4];
	_ =	sdelay $0x3  }
0x33: {  	p0 =	seq.s32 s10, $0x1;
	s10 =	sld [smem:$0x3FB6];
	_ =	sdelay $0x3  }
0x34: {  	[smem:$0x3FB6] =	sst s10  }
0x35: {  	s10 =	sld [smem:$0x3FB5];
	_ =	sdelay $0x3  }
0x36: {  	p1 =	seq.s32 s10, $0x1;
	s10 =	sld [smem:$0x3FB6];
	_ =	sdelay $0x3  }
0x37: {  	[smem:$0x3FB6] =	sst s10  }
0x38: {  	s10 =	sld [smem:$0x3FB7]  }
0x39: {  	_ = 	snop;
	(pc) =	sbr.ind lr, $3  }
0x3a: {  	_ = 	snop  }
0x3b: {  	_ = 	snop  }
0x3c: {  	p2 =	seq.s32 s10, $0x1;
	s10 =	sld [smem:$0x3FB6]  }
0x3d: {  	_ =	shalt  }
0x3e: {  	_ =	shalt  }
0x3f: {  	_ =	shalt  }
0x40: {  	_ =	shalt  }
0x41: {  	_ =	shalt  }
0x42: {  	_ =	shalt  }
0x43: {  	_ =	shalt  }
0x44: {  	_ =	shalt  }
0x45: {  	_ =	shalt  }
0x46: {  	_ =	shalt  }
0x47: {  	_ =	shalt  }
0x48: {  	_ =	shalt  }
0x49: {  	_ =	shalt  }
0x4a: {  	_ =	shalt  }
0x4b: {  	_ =	shalt  }
0x4c: {  	_ =	shalt  }
0x4d: {  	_ =	shalt  }
0x4e: {  	_ =	shalt  }
0x4f: {  	_ =	shalt  }
0x50: {  	_ =	shalt  }
0x51: {  	_ =	shalt  }
0x52: {  	_ =	shalt  }
0x53: {  	_ =	shalt  }
0x54: {  	_ =	shalt  }
0x55: {  	_ =	shalt  }
0x56: {  	_ =	shalt  }
0x57: {  	_ =	shalt  }
0x58: {  	_ =	shalt  }
0x59: {  	_ =	shalt  }
0x5a: {  	_ =	shalt  }
0x5b: {  	_ =	shalt  }
0x5c: {  	_ =	shalt  }
0x5d: {  	_ =	shalt  }
0x5e: {  	_ =	shalt  }
0x5f: {  	_ =	shalt  }
0x60: {  	_ =	shalt  }
0x61: {  	_ =	shalt  }
0x62: {  	_ =	shalt  }
0x63: {  	_ =	shalt  }
0x64: {  	_ =	shalt  }
0x65: {  	_ =	shalt  }
0x66: {  	_ =	shalt  }
0x67: {  	_ =	shalt  }
0x68: {  	_ =	shalt  }
0x69: {  	_ =	shalt  }
0x6a: {  	_ =	shalt  }
0x6b: {  	_ =	shalt  }
0x6c: {  	_ =	shalt  }
0x6d: {  	_ =	shalt  }
0x6e: {  	_ =	shalt  }
0x6f: {  	_ =	shalt  }
0x70: {  	_ =	shalt  }
0x71: {  	_ =	shalt  }
0x72: {  	_ =	shalt  }
0x73: {  	_ =	shalt  }
0x74: {  	_ =	shalt  }
0x75: {  	_ =	shalt  }
0x76: {  	_ =	shalt  }
0x77: {  	_ =	shalt  }
0x78: {  	_ =	shalt  }
0x79: {  	_ =	shalt  }
0x7a: {  	_ =	shalt  }
0x7b: {  	_ =	shalt  }
0x7c: {  	_ =	shalt  }
0x7d: {  	_ =	shalt  }
0x7e: {  	_ =	shalt  }
0x7f: {  	_ =	shalt  }
0x80: {  	_ =	shalt  }
0x81: {  	_ =	shalt  }
0x82: {  	_ =	shalt  }
0x83: {  	_ =	shalt  }
0x84: {  	_ =	shalt  }
0x85: {  	_ =	shalt  }
0x86: {  	_ =	shalt  }
0x87: {  	_ =	shalt  }
.Lfunc_end0:
.L_simem_size_0:
called_computation.1_lowered:
.L_overlay_start_0:
0x88: {  	s2 =	sld [smem:$0x3FD9]  }
0x89: {  	s3 =	sld [smem:$0x3FFE];
	_ =	sdelay $0x1  }
0x8a: {  	s1 =	srdreg.scid  }
0x8b: {  	s0 =	sand.u32 $0x1, s1  }
0x8c: {  	s16 =	sshll.u32 s0, $0xA;
	s2 =	sadd.s32 s3, s2  }
0x8d: {  	s2 =	sadd.s32 s2, s16  }
0x8e: {  	[smem:$0x3FC2] =	sst s2  }
0x8f: {  	_ = 	snop  }
0x90: {  	(tm) =	ssettm $0x1  }
0x91: {  	s17 =	sld [smem:$0x3FFB];
	_ =	sdelay $0x3  }
0x92: {  	_ =	strace s17  }
0x93: {  	s2 =	sld [smem:$0x3FFC];
	_ =	sdelay $0x3  }
0x94: {  	_ =	strace s2  }
0x95: {  	s2 =	sld [smem:$0x3FFD];
	_ =	sdelay $0x3  }
0x96: {  	_ =	strace s2  }
0x97: {  	_ =	strace $0x8FFFFFFF  }
0x98: {  	s18 =	sld [smem:$0x3FDB];
	_ =	sdelay $0x1  }
0x99: {  	s19 =	simm.s32 $_scs_section_size  }
0x9a: {  	s4 =	simm.s32 $_size__tile_overlayer_lowered;
	s5 =	simm.s32 $_tile_overlayer_lowered  }
0x9b: {  	s22 =	simm.s32 $0x1BFF;
	s21 =	sshll.u32 s5, $0x1;
	s2 =	sadd.s32 s19, s18  }
0x9c: {  	s6 =	simm.s32 $0x0;
	s20 =	sshll.u32 s4, $0x1;
	s4 =	sadd.s32 s21, s2  }
0x9d: {  	[timem:s6], [sflag:s22] =	dma.local [hbm:s4], s20  }
0x9e: {  	_ =	swait.ge [sflag:s22], s20  }
0x9f: {  	s3 =	ssub.s32 $0x0, s20;
	[sflag:s22] =	ssyncset.done $0x0  }
0xa0: {  	[sflag:s22] =	ssyncadd.s32 s3;
	_ =	sdelay $0x1  }
0xa1: {  	s23 =	simm.s32 $0x1B8B  }
0xa2: {  	_ =	swait.ge [sflag:s23], $0x1  }
0xa3: {  	[sflag:s23] =	ssyncset.done $0x0  }
0xa4: {  	s25 =	simm.s32 $0x1B8E;
	s24 =	sld [smem:$0x3FFE];
	[sflag:s23] =	ssyncadd.s32 $0xFFFFFFFF  }
0xa5: {  	s26 =	simm.s32 $execute0_lowered;
	[smem:$0x3FD2] =	sst s25  }
0xa6: {  	s4 =	sshll.u32 s26, $0x1;
	_ =	strace $0x80000049;
	[dreg:$0x1] =	wrdreg $0xFFFFFFFF  }
0xa7: {  	s28 =	simm.s32 $_size_execute0_lowered;
	s2 =	sadd.s32 s2, s4;
	[dreg:$0x0] =	wrdreg $0x0  }
0xa8: {  	s4 =	sshll.u32 s28, $0x1;
	[dreg:$0x2] =	wrdreg s2  }
0xa9: {  	[dreg:$0x3] =	wrdreg s4  }
0xaa: {  	[dreg:$0x4] =	wrdreg $0xC0  }
0xab: {  	_ =	task [dreg:s6], $0x5FFFF  }
0xac: {  	[dreg:$0x1] =	wrdreg $0xFFFFFFFF  }
0xad: {  	[dreg:$0x0] =	wrdreg $0x60  }
0xae: {  	[dreg:$0x2] =	wrdreg s24  }
0xaf: {  	[dreg:$0x3] =	wrdreg $0x82000  }
0xb0: {  	[dreg:$0x4] =	wrdreg $0x9  }
0xb1: {  	_ =	task.clear_ibuf [dreg:s6], $0x5FFFF;
	_ =	strace $0x90000049  }
0xb2: {  	s29 =	simm.s32 $0x9;
	_ =	strace $0x8000004B  }
0xb3: {  	_ =	swait.ge [sflag:s29], $0x1  }
0xb4: {  	[sflag:s29] =	ssyncadd.s32 $0xFFFFFFFF  }
0xb5: {  	_ =	strace $0x9000004B  }
0xb6: {  	_ =	sfence  }
0xb7: {  	s30 =	sld [smem:$0x0];
	_ =	sdelay $0x2  }
0xb8: {  	s31 =	sshll.u32 s1, $0xD;
	s1 =	sshrl.u32 s1, $0x2  }
0xb9: {  	s3 =	sand.u32 $0x4000, s31;
	s1 =	sadd.s32 s1, s30  }
0xba: {  	s0 =	sor.u32 s3, s0;
	s1 =	sshll.u32 s1, $0x11  }
0xbb: {  	s0 =	sor.u32 s1, s0  }
0xbc: {  	s0 =	sadd.s32 $0x8F2B, s0  }
0xbd: {  	[sflag:s0] =	ssyncadd.remote.s32 $0x1  }
0xbe: {  	_ =	sfence.sel $0xFFFF  }
0xbf: {  	[dreg:$0x0] =	wrdreg $0xFFFFFFFF;
	(pc) =	sbr.abs _section_cstart, $3  }
0xc0: {  	[dreg:$0x1] =	wrdreg $0xFFFFFFFF  }
0xc1: {  	_ =	task.clear_ibuf [dreg:s6], $0x2FFFF;
	_ =	strace $0x9FFFFFFF  }
0xc2: {  	(tm) =	ssettm $0x7FFFFFFF  }
0xc3: {  	_ =	shalt  }
tec
execute0_lowered:
.L_overlay_start_1:
0x0: {  	(tag) =	ssettag $0x1  }
0x1: {  	s0 =	rddreg [dreg:$0x0]  }
0x2: {  	s1 =	srdreg.scid;
	s2 =	rddreg [dreg:$0x1]  }
0x3: {  	s9 =	stileid.u32;
	s3 =	simm.s32 $0x0;
	s28 =	simm.s32 $0x3  }
0x4: {  	s29 =	simm.s32 $0x4200;
	s30 =	simm.s32 $0x4;
	s31 =	simm.s32 $0x180  }
0x5: {  	s1 =	sand.u32 $0x1, s1;
	s6 =	smul.u32 $0x14000, s9;
	[smem:$0x7FF] =	sst s3  }
0x6: {  	s4 =	sadd.s32 $0x66000, s0;
	s8 =	smul.u32 $0x50000, s9;
	s18 =	sshll.u32 s9, $0x1  }
0x7: {  	s5 =	smul.u32 $0x140000, s1;
	_ =	strace $0x8000004A;
	s19 =	ssub.s32 $0x2, s1  }
0x8: {  	s1 =	sor.u32 s1, s18;
	s20 =	sshrl.u32 s8, $0x2;
	s10 =	sshrl.u32 s19, $0x1  }
0x9: {  	s8 =	smul.u32 $0x2800, s1;
	s6 =	sadd.s32 s6, s5;
	s5 =	sadd.s32 $0xC000, s0  }
0xa: {  	s21 =	ssub.s32 s19, s10;
	s7 =	sshrl.u32 s6, $0x3;
	s6 =	sadd.s32 $0x2000, s0  }
0xb: {  	s25 =	sshrl.u32 s8, $0x3;
	s18 =	smax.u32 s21, $0x1;
	s21 =	simm.s32 $0x200  }
0xc: {  	s0 =	sadd.s32 s7, s0;
	s7 =	sadd.s32 s20, s2;
	s13 =	sadd.s32 s5, s25  }
0xd: {  	s14 =	sadd.s32 s6, s25;
	s26 =	sor.u32 $0x10, s25;
	s9 =	sadd.s32 $0x4E0, s25  }
0xe: {  	s25 =	simm.s32 $0x100;
	s22 =	sadd.s32 $0x4000, s7;
	s23 =	sadd.s32 $0x8000, s7  }
0xf: {  	s24 =	sadd.s32 $0xC000, s7;
	s12 =	sadd.s32 $0x10000, s7;
	s15 =	sadd.s32 s5, s26  }
0x10: {  	s16 =	sadd.s32 s6, s26;
	s17 =	sadd.s32 $0x8D200, s0;
	[dreg:$0x3] =	wrdreg s22  }
0x11: {  	s19 =	sadd.s32 s5, s9;
	s20 =	sadd.s32 s6, s9;
	[dreg:$0x4] =	wrdreg s23  }
0x12: {  	s26 =	simm.s32 $0x2;
	s0 =	simm.s32 $0x0;
	[dreg:$0x5] =	wrdreg s24  }
0x13: {  	v0 =	vimm.f32 $0.0e+00;
	s22 =	simm.s32 $0x5;
	s23 =	simm.s32 $0x80;
	s24 =	simm.s32 $0x1  }
.LBB2_1:
0x14: {  	s1 =	simm.s32 $0x0;
	s9 =	simm.s32 $0x200  }
.LBB2_2:
0x15: {  	p0 =	sne.s32 s9, $0xFE00;
	[tilespmem:s1+$0x270] =	vst v0  }
0x16: {  	[tilespmem:s1+$0x200] =	vst v0  }
0x17: {  	[tilespmem:s1+$0x210] =	vst v0  }
.Ltmp0:
0x18: {  	[tilespmem:s1+$0x220] =	vst v0;
	(pc) =	sbr.rel @p0 .LBB2_2-.Ltmp0, $4  }
0x19: {  	[tilespmem:s1+$0x230] =	vst v0  }
0x1a: {  	[tilespmem:s1+$0x240] =	vst v0  }
0x1b: {  	[tilespmem:s1+$0x250] =	vst v0  }
0x1c: {  	[tilespmem:s1+$0x260] =	vst v0;
	s1 =	sshra.s32 s9, $0x2;
	s9 =	sadd.s32 $0x200, s9  }
0x1d: {  	[tilespmem:s1+$0x270] =	vst v0  }
0x1e: {  	[tilespmem:s1+$0x200] =	vst v0  }
0x1f: {  	[tilespmem:s1+$0x210] =	vst v0  }
0x20: {  	[tilespmem:s1+$0x220] =	vst v0  }
0x21: {  	[tilespmem:s1+$0x230] =	vst v0  }
0x22: {  	[tilespmem:s1+$0x240] =	vst v0  }
0x23: {  	[tilespmem:s1+$0x250] =	vst v0  }
0x24: {  	[tilespmem:s1+$0x260] =	vst v0  }
0x25: {  	[spmem:s7] =	stream.linear.scatter [tilespmem:s21], [sflag:$0x5], $0x4000, $0x38;
	[tilespmem:$0x1C200] =	vst v63  }
0x26: {  	_ =	swait.ge [sflag:s22], $0x4000  }
0x27: {  	[sflag:s22] =	ssyncset.done $0x0  }
0x28: {  	s11 =	rddreg [dreg:$0x3];
	[sflag:s22] =	ssyncadd.s32 $0xFFFFC000  }
0x29: {  	[spmem:s11] =	stream.linear.scatter [tilespmem:s21], [sflag:$0x5], $0x4000, $0x38;
	[tilespmem:$0x1C200] =	vst v63  }
0x2a: {  	_ =	swait.ge [sflag:s22], $0x4000  }
0x2b: {  	[sflag:s22] =	ssyncset.done $0x0  }
0x2c: {  	s9 =	rddreg [dreg:$0x4];
	[sflag:s22] =	ssyncadd.s32 $0xFFFFC000  }
0x2d: {  	[spmem:s9] =	stream.linear.scatter [tilespmem:s21], [sflag:$0x5], $0x4000, $0x38;
	[tilespmem:$0x1C200] =	vst v63  }
0x2e: {  	_ =	swait.ge [sflag:s22], $0x4000  }
0x2f: {  	[sflag:s22] =	ssyncset.done $0x0  }
0x30: {  	s10 =	rddreg [dreg:$0x5];
	[sflag:s22] =	ssyncadd.s32 $0xFFFFC000  }
0x31: {  	[spmem:s10] =	stream.linear.scatter [tilespmem:s21], [sflag:$0x5], $0x4000, $0x38;
	[tilespmem:$0x1C200] =	vst v63  }
0x32: {  	_ =	swait.ge [sflag:s22], $0x4000  }
0x33: {  	[sflag:s22] =	ssyncset.done $0x0  }
0x34: {  	[sflag:s22] =	ssyncadd.s32 $0xFFFFC000  }
0x35: {  	[spmem:s12] =	stream.linear.scatter [tilespmem:s21], [sflag:$0x5], $0x4000, $0x38;
	[tilespmem:$0x1C200] =	vst v63  }
0x36: {  	_ =	swait.ge [sflag:s22], $0x4000  }
0x37: {  	[sflag:s22] =	ssyncset.done $0x0  }
0x38: {  	[sflag:s22] =	ssyncadd.s32 $0xFFFFC000  }
0x39: {  	[bflag:$0x0] =	sbarrier.arrive $0xFFFF  }
0x3a: {  	[tilespmem:s3], [sflag:$0x1] =	stream.linear.gather [hbm4b:s13+s3], $0x80, $0x38;
	[tilespmem:$0x1C200] =	vst v63  }
0x3b: {  	_ = 	snop  }
0x3c: {  	[tilespmem:s23], [sflag:$0x1] =	stream.linear.gather [hbm4b:s14+s3], $0x80, $0x38;
	[tilespmem:$0x1C200] =	vst v63  }
0x3d: {  	_ =	swait.ge [sflag:s24], $0x80  }
0x3e: {  	[sflag:s24] =	ssyncset.done $0x0  }
0x3f: {  	[sflag:s24] =	ssyncadd.s32 $0xFFFFFF80  }
0x40: {  	_ =	swait.ge [sflag:s24], $0x80  }
0x41: {  	[sflag:s24] =	ssyncset.done $0x0  }
0x42: {  	[sflag:s24] =	ssyncadd.s32 $0xFFFFFF80  }
0x43: {  	[tilespmem:s21], [sflag:$0x3] =	stream.indirect.gather [hbm4b:s4+s23], $0x80, s3, s23, $0xb8;
	[tilespmem:$0x1C200] =	vst v63  }
0x44: {  	_ = 	snop  }
0x45: {  	[tilespmem:s25], [sflag:$0x2] =	stream.linear.gather [hbm4b:s15+s3], $0x80, $0x38;
	[tilespmem:$0x1C200] =	vst v63  }
0x46: {  	s1 =	simm.s32 $0x180  }
0x47: {  	[tilespmem:s1], [sflag:$0x2] =	stream.linear.gather [hbm4b:s16+s3], $0x80, $0x38;
	[tilespmem:$0x1C200] =	vst v63  }
0x48: {  	_ =	swait.ge [sflag:s26], $0x80  }
0x49: {  	[sflag:s26] =	ssyncset.done $0x0  }
0x4a: {  	[sflag:s26] =	ssyncadd.s32 $0xFFFFFF80  }
0x4b: {  	_ =	swait.ge [sflag:s26], $0x80  }
0x4c: {  	[sflag:s26] =	ssyncset.done $0x0  }
0x4d: {  	[sflag:s26] =	ssyncadd.s32 $0xFFFFFF80  }
0x4e: {  	_ =	swait.ge [sflag:s28], $0x4000  }
0x4f: {  	s9 =	simm.s32 $0x100;
	[sflag:s28] =	ssyncset.done $0x0  }
0x50: {  	s10 =	sand.u32 $0x7C00, s9;
	[sflag:s28] =	ssyncadd.s32 $0xFFFFC000  }
0x51: {  	[tilespmem:s29], [sflag:$0x4] =	stream.indirect.gather [hbm4b:s4+s23], $0x80, s25, s23, $0xb8;
	[tilespmem:$0x1C200] =	vst v63  }
0x52: {  	s9 =	sand.u32 $0x300, s9;
	s10 =	sadd.s32 s8, s10  }
0x53: {  	[spmem:s2] =	stream.indirect.scatter.add.f32 [tilespmem:s21], [sflag:$0x5], $0x80, s23, s23, $0xb8;
	[tilespmem:$0x1C200] =	vst v63  }
0x54: {  	s9 =	sor.u32 s9, s10;
	_ =	swait.ge [sflag:s22], $0x4000  }
0x55: {  	s9 =	sshrl.u32 s9, $0x3;
	[sflag:s22] =	ssyncset.done $0x0  }
0x56: {  	s11 =	sadd.s32 s5, s9;
	[sflag:s22] =	ssyncadd.s32 $0xFFFFC000  }
0x57: {  	[tilespmem:s3], [sflag:$0x1] =	stream.linear.gather [hbm4b:s11+s3], $0x80, $0x38;
	[tilespmem:$0x1C200] =	vst v63  }
0x58: {  	s9 =	sadd.s32 s6, s9  }
0x59: {  	[tilespmem:s23], [sflag:$0x1] =	stream.linear.gather [hbm4b:s9+s3], $0x80, $0x38;
	[tilespmem:$0x1C200] =	vst v63  }
0x5a: {  	_ =	swait.ge [sflag:s24], $0x80  }
0x5b: {  	[sflag:s24] =	ssyncset.done $0x0  }
0x5c: {  	[sflag:s24] =	ssyncadd.s32 $0xFFFFFF80  }
0x5d: {  	_ =	swait.ge [sflag:s24], $0x80  }
0x5e: {  	[sflag:s24] =	ssyncset.done $0x0  }
0x5f: {  	[sflag:s24] =	ssyncadd.s32 $0xFFFFFF80  }
0x60: {  	_ =	swait.ge [sflag:s30], $0x4000  }
0x61: {  	[sflag:s30] =	ssyncset.done $0x0  }
0x62: {  	s11 =	sand.u32 $0x7C00, s1;
	[sflag:s30] =	ssyncadd.s32 $0xFFFFC000  }
0x63: {  	[tilespmem:s21], [sflag:$0x3] =	stream.indirect.gather [hbm4b:s4+s23], $0x80, s3, s23, $0xb8;
	[tilespmem:$0x1C200] =	vst v63  }
0x64: {  	s1 =	sand.u32 $0x380, s1;
	s9 =	sadd.s32 s8, s11  }
0x65: {  	[spmem:s2] =	stream.indirect.scatter.add.f32 [tilespmem:s29], [sflag:$0x5], $0x80, s31, s23, $0xb8;
	[tilespmem:$0x1C200] =	vst v63  }
0x66: {  	s1 =	sor.u32 s1, s9;
	_ =	swait.ge [sflag:s22], $0x4000  }
0x67: {  	s9 =	sshrl.u32 s1, $0x3;
	[sflag:s22] =	ssyncset.done $0x0  }
0x68: {  	s1 =	sadd.s32 s5, s9;
	[sflag:s22] =	ssyncadd.s32 $0xFFFFC000  }
0x69: {  	[tilespmem:s25], [sflag:$0x2] =	stream.linear.gather [hbm4b:s1+s3], $0x80, $0x38;
	[tilespmem:$0x1C200] =	vst v63  }
0x6a: {  	s10 =	sadd.s32 s6, s9;
	s1 =	simm.s32 $0x280  }
.LBB2_4:
0x6b: {  	p0 =	sne.s32 s1, $0x2680;
	s9 =	smov.u32 s1;
	s1 =	sadd.s32 $0x100, s1  }
0x6c: {  	[tilespmem:s31], [sflag:$0x2] =	stream.linear.gather [hbm4b:s10+s3], $0x80, $0x38;
	[tilespmem:$0x1C200] =	vst v63  }
0x6d: {  	_ =	swait.ge [sflag:s26], $0x80  }
0x6e: {  	[sflag:s26] =	ssyncset.done $0x0  }
0x6f: {  	[sflag:s26] =	ssyncadd.s32 $0xFFFFFF80  }
0x70: {  	_ =	swait.ge [sflag:s26], $0x80  }
0x71: {  	[sflag:s26] =	ssyncset.done $0x0  }
0x72: {  	[sflag:s26] =	ssyncadd.s32 $0xFFFFFF80  }
0x73: {  	_ =	swait.ge [sflag:s28], $0x4000  }
0x74: {  	[sflag:s28] =	ssyncset.done $0x0  }
0x75: {  	s10 =	sadd.s32 $0xFFFFFF80, s9;
	[sflag:s28] =	ssyncadd.s32 $0xFFFFC000  }
0x76: {  	[tilespmem:s29], [sflag:$0x4] =	stream.indirect.gather [hbm4b:s4+s23], $0x80, s25, s23, $0xb8;
	[tilespmem:$0x1C200] =	vst v63  }
0x77: {  	s11 =	sand.u32 $0x7C00, s10;
	s10 =	sand.u32 $0x300, s10  }
0x78: {  	[spmem:s2] =	stream.indirect.scatter.add.f32 [tilespmem:s21], [sflag:$0x5], $0x80, s23, s23, $0xb8;
	[tilespmem:$0x1C200] =	vst v63  }
0x79: {  	s11 =	sadd.s32 s8, s11;
	_ =	swait.ge [sflag:s22], $0x4000  }
0x7a: {  	s10 =	sor.u32 s10, s11;
	[sflag:s22] =	ssyncset.done $0x0  }
0x7b: {  	s10 =	sshrl.u32 s10, $0x3;
	[sflag:s22] =	ssyncadd.s32 $0xFFFFC000  }
0x7c: {  	s11 =	sadd.s32 s5, s10;
	s10 =	sadd.s32 s6, s10  }
0x7d: {  	[tilespmem:s3], [sflag:$0x1] =	stream.linear.gather [hbm4b:s11+s3], $0x80, $0x38;
	[tilespmem:$0x1C200] =	vst v63  }
0x7e: {  	_ = 	snop  }
0x7f: {  	[tilespmem:s23], [sflag:$0x1] =	stream.linear.gather [hbm4b:s10+s3], $0x80, $0x38;
	[tilespmem:$0x1C200] =	vst v63  }
0x80: {  	_ =	swait.ge [sflag:s24], $0x80  }
0x81: {  	[sflag:s24] =	ssyncset.done $0x0  }
0x82: {  	[sflag:s24] =	ssyncadd.s32 $0xFFFFFF80  }
0x83: {  	_ =	swait.ge [sflag:s24], $0x80  }
0x84: {  	[sflag:s24] =	ssyncset.done $0x0  }
0x85: {  	[sflag:s24] =	ssyncadd.s32 $0xFFFFFF80  }
0x86: {  	_ =	swait.ge [sflag:s30], $0x4000  }
0x87: {  	[sflag:s30] =	ssyncset.done $0x0  }
0x88: {  	s10 =	sand.u32 $0x7C00, s9;
	[sflag:s30] =	ssyncadd.s32 $0xFFFFC000  }
0x89: {  	[tilespmem:s21], [sflag:$0x3] =	stream.indirect.gather [hbm4b:s4+s23], $0x80, s3, s23, $0xb8;
	[tilespmem:$0x1C200] =	vst v63  }
0x8a: {  	s9 =	sand.u32 $0x380, s9;
	s10 =	sadd.s32 s8, s10  }
0x8b: {  	[spmem:s2] =	stream.indirect.scatter.add.f32 [tilespmem:s29], [sflag:$0x5], $0x80, s31, s23, $0xb8;
	[tilespmem:$0x1C200] =	vst v63  }
.Ltmp1:
0x8c: {  	_ = 	snop;
	(pc) =	sbr.rel @p0 .LBB2_4-.Ltmp1, $4  }
0x8d: {  	s9 =	sor.u32 s9, s10;
	_ =	swait.ge [sflag:s22], $0x4000  }
0x8e: {  	s9 =	sshrl.u32 s9, $0x3;
	[sflag:s22] =	ssyncset.done $0x0  }
0x8f: {  	s11 =	sadd.s32 s5, s9;
	s10 =	sadd.s32 s6, s9;
	[sflag:s22] =	ssyncadd.s32 $0xFFFFC000  }
0x90: {  	[tilespmem:s25], [sflag:$0x2] =	stream.linear.gather [hbm4b:s11+s3], $0x80, $0x38;
	[tilespmem:$0x1C200] =	vst v63  }
0x91: {  	[tilespmem:s31], [sflag:$0x2] =	stream.linear.gather [hbm4b:s10+s3], $0x80, $0x38;
	[tilespmem:$0x1C200] =	vst v63  }
0x92: {  	_ =	swait.ge [sflag:s26], $0x80  }
0x93: {  	[sflag:s26] =	ssyncset.done $0x0  }
0x94: {  	[sflag:s26] =	ssyncadd.s32 $0xFFFFFF80  }
0x95: {  	_ =	swait.ge [sflag:s26], $0x80  }
0x96: {  	[sflag:s26] =	ssyncset.done $0x0  }
0x97: {  	[sflag:s26] =	ssyncadd.s32 $0xFFFFFF80  }
0x98: {  	_ =	swait.ge [sflag:s28], $0x4000  }
0x99: {  	[sflag:s28] =	ssyncset.done $0x0  }
0x9a: {  	[sflag:s28] =	ssyncadd.s32 $0xFFFFC000  }
0x9b: {  	[tilespmem:s29], [sflag:$0x4] =	stream.indirect.gather [hbm4b:s4+s23], $0x80, s25, s23, $0xb8;
	[tilespmem:$0x1C200] =	vst v63  }
0x9c: {  	_ = 	snop  }
0x9d: {  	[spmem:s2] =	stream.indirect.scatter.add.f32 [tilespmem:s21], [sflag:$0x5], $0x80, s23, s23, $0xb8;
	[tilespmem:$0x1C200] =	vst v63  }
0x9e: {  	_ =	swait.ge [sflag:s22], $0x4000  }
0x9f: {  	[sflag:s22] =	ssyncset.done $0x0  }
0xa0: {  	[sflag:s22] =	ssyncadd.s32 $0xFFFFC000  }
0xa1: {  	[tilespmem:s3], [sflag:$0x1] =	stream.linear.gather [hbm4b:s19+s3], $0x80, $0x38;
	[tilespmem:$0x1C200] =	vst v63  }
0xa2: {  	_ = 	snop  }
0xa3: {  	[tilespmem:s23], [sflag:$0x1] =	stream.linear.gather [hbm4b:s20+s3], $0x80, $0x38;
	[tilespmem:$0x1C200] =	vst v63  }
0xa4: {  	_ =	swait.ge [sflag:s24], $0x80  }
0xa5: {  	[sflag:s24] =	ssyncset.done $0x0  }
0xa6: {  	[sflag:s24] =	ssyncadd.s32 $0xFFFFFF80  }
0xa7: {  	_ =	swait.ge [sflag:s24], $0x80  }
0xa8: {  	[sflag:s24] =	ssyncset.done $0x0  }
0xa9: {  	[sflag:s24] =	ssyncadd.s32 $0xFFFFFF80  }
0xaa: {  	_ =	swait.ge [sflag:s30], $0x4000  }
0xab: {  	[sflag:s30] =	ssyncset.done $0x0  }
0xac: {  	[sflag:s30] =	ssyncadd.s32 $0xFFFFC000  }
0xad: {  	[tilespmem:s21], [sflag:$0x3] =	stream.indirect.gather [hbm4b:s4+s23], $0x80, s3, s23, $0xb8;
	[tilespmem:$0x1C200] =	vst v63  }
0xae: {  	_ = 	snop  }
0xaf: {  	[spmem:s2] =	stream.indirect.scatter.add.f32 [tilespmem:s29], [sflag:$0x5], $0x80, s31, s23, $0xb8;
	[tilespmem:$0x1C200] =	vst v63  }
0xb0: {  	_ =	swait.ge [sflag:s22], $0x4000  }
0xb1: {  	[sflag:s22] =	ssyncset.done $0x0  }
0xb2: {  	[sflag:s22] =	ssyncadd.s32 $0xFFFFC000  }
0xb3: {  	[tilespmem:s25], [sflag:$0x2] =	stream.linear.gather [hbm4b:s19+s3], $0x80, $0x38;
	[tilespmem:$0x1C200] =	vst v63  }
0xb4: {  	_ = 	snop  }
0xb5: {  	[tilespmem:s31], [sflag:$0x2] =	stream.linear.gather [hbm4b:s20+s3], $0x80, $0x38;
	[tilespmem:$0x1C200] =	vst v63  }
0xb6: {  	_ =	swait.ge [sflag:s26], $0x80  }
0xb7: {  	[sflag:s26] =	ssyncset.done $0x0  }
0xb8: {  	[sflag:s26] =	ssyncadd.s32 $0xFFFFFF80  }
0xb9: {  	_ =	swait.ge [sflag:s26], $0x80  }
0xba: {  	[sflag:s26] =	ssyncset.done $0x0  }
0xbb: {  	[sflag:s26] =	ssyncadd.s32 $0xFFFFFF80  }
0xbc: {  	_ =	swait.ge [sflag:s28], $0x4000  }
0xbd: {  	[sflag:s28] =	ssyncset.done $0x0  }
0xbe: {  	[sflag:s28] =	ssyncadd.s32 $0xFFFFC000  }
0xbf: {  	[spmem:s2] =	stream.indirect.scatter.add.f32 [tilespmem:s21], [sflag:$0x5], $0x80, s23, s23, $0xb8;
	[tilespmem:$0x1C200] =	vst v63  }
0xc0: {  	s1 =	stileid.u32;
	_ =	swait.ge [sflag:s22], $0x4000  }
0xc1: {  	s9 =	sshrl.u32 s7, $0x3;
	s0 =	sadd.s32 $0x1, s0;
	[sflag:s22] =	ssyncset.done $0x0  }
0xc2: {  	s1 =	sshll.u32 s1, $0x6;
	p0 =	sne.s32 s0, s18;
	[sflag:s22] =	ssyncadd.s32 $0xFFFFC000  }
.Ltmp2:
0xc3: {  	s1 =	sor.u32 $0x1C05, s1;
	[bflag:$0x0] =	sbarrier.arrive $0xFFFF;
	(pc) =	sbr.rel @p0 .LBB2_1-.Ltmp2, $4  }
0xc4: {  	[hbm:s17], [sflag:s1] =	dma.local [spmem:s9], $0x2800  }
0xc5: {  	_ =	swait.ge [sflag:s22], $0x2800  }
0xc6: {  	[sflag:s22] =	ssyncset.done $0x0  }
0xc7: {  	[sflag:s22] =	ssyncadd.s32 $0xFFFFD800  }
0xc8: {  	_ =	sfence.sel $0x180000  }
0xc9: {  	[bflag:$0x0] =	sbarrier.arrive $0xFFFF  }
0xca: {  	_ =	strace $0x9000004A  }
0xcb: {  	s0 =	stileid.u32;
	[bflag:$0x2] =	sbarrier.arrive $0xFFFF  }
0xcc: {  	p0 =	sne.s32 s0, $0x0;
	s0 =	rddreg [dreg:$0x2]  }
0xcd: {  	s0 =	sadd.s32 @!p0 $0x100000, s0  }
0xce: {  	[sflag:s0] =	ssyncadd.tile.s32 @!p0 $0x1;
	_ =	shalt  }
.Lfunc_end2:
_tile_overlayer_lowered:
.L_overlay_start_2:
0xcf: {  	(tag) =	ssettag $0x2  }
0xd0: {  	s0 =	rddreg [dreg:$0x0];
	s2 =	stileid.u32  }
0xd1: {  	s1 =	rddreg [dreg:$0x1];
	p0 =	sne.s32 s2, $0x0  }
0xd2: {  	s3 =	rddreg [dreg:$0x2];
	[bflag:$0x3] =	sbarrier.arrive $0xFFFF;
	s2 =	simm.s32 @!p0 $0x1C05  }
0xd3: {  	[timem:s3], [sflag:s2] =	dma.local @!p0 [hbm:s0], s1  }
0xd4: {  	s0 =	simm.s32 @!p0 $0x5  }
0xd5: {  	_ =	swait.ge @!p0 [sflag:s0], s1  }
0xd6: {  	s1 =	ssub.s32 @!p0 $0x0, s1;
	[sflag:s0] =	ssyncset.done @!p0 $0x0  }
0xd7: {  	[sflag:s0] =	ssyncadd.s32 @!p0 s1  }
0xd8: {  	[bflag:$0x3] =	sbarrier.arrive $0xFFFF  }
0xd9: {  	_ =	shalt  }

// kernel: kernel.15.cloned.1.call-start
scs
__scs_entry_jumppad:
0x0: {  	(pc) =	sbr.rel $0x88, $3  }
0x1: {  	(tag) =	ssettag $0x0;
	lr =	simm.s32 $0x1  }
0x2: {  	[smem:$0x3F9B] =	sst lr;
	_ =	strace $0xD0000000  }
0x3: {  	_ = 	snop  }
0x4: {  	_ = 	snop  }
0x5: {  	_ = 	snop  }
0x6: {  	_ = 	snop  }
0x7: {  	_ = 	snop  }
__scs_overlays_trampoline_lowered:
0x8: {  	[smem:$0x3FAA] =	sst s0  }
0x9: {  	[smem:$0x3FAB] =	sst s1  }
0xa: {  	[smem:$0x3FAC] =	sst s2  }
0xb: {  	[smem:$0x3FAD] =	sst s3  }
0xc: {  	[smem:$0x3FAE] =	sst s4  }
0xd: {  	[smem:$0x3FAF] =	sst s5  }
0xe: {  	[smem:$0x3FB0] =	sst s6  }
0xf: {  	[smem:$0x3FB1] =	sst s7  }
0x10: {  	[smem:$0x3FB2] =	sst s8  }
0x11: {  	[smem:$0x3FB3] =	sst s9;
	s0 =	simm.s32 @!p0 $0x0  }
0x12: {  	s1 =	sld [smem:$0x3F99];
	s0 =	simm.s32 @p0 $0x1  }
0x13: {  	[smem:$0x3FB4] =	sst s0;
	s0 =	simm.s32 @!p1 $0x0  }
0x14: {  	s2 =	sld [smem:$0x3F98];
	s0 =	simm.s32 @p1 $0x1  }
0x15: {  	[smem:$0x3FB5] =	sst s0;
	s0 =	simm.s32 @!p2 $0x0  }
0x16: {  	s3 =	sld [smem:$0x3FDB];
	s0 =	simm.s32 @p2 $0x1  }
0x17: {  	s4 =	simm.s32 $0x1BF5;
	[smem:$0x3FB7] =	sst s0  }
0x18: {  	s0 =	sld [smem:$0x3F9A];
	_ =	swait.ge [sflag:s4], $0x0  }
0x19: {  	s7 =	sld [smem:$0x3F9B]  }
0x1a: {  	s8 =	sadd.s32 $0xFFFFE003, lr  }
0x1b: {  	s9 =	sadd.s32 $0xFFFFFEF7, lr;
	s5 =	simm.s32 $0xFFFFFFFF;
	p2 =	slt.u32 s8, $0xFFFFF086  }
0x1c: {  	p1 =	slt.u32 s9, $0xF7A;
	s5 =	simm.s32 @!p2 $0x0  }
0x1d: {  	s5 =	simm.s32 @p1 $0x1;
	p0 =	seq.s32 s7, s2  }
0x1e: {  	s7 =	smul.u32 @!p0 $0xF7A, s2;
	p2 =	seq.s32 @!p0 s5, $0x0  }
0x1f: {  	s9 =	smul.u32 $0xF7A, s1;
	s8 =	simm.s32 @!p0 $0x1BF5;
	p2 =	por !p2, p0  }
0x20: {  	[sflag:s8] =	ssyncset.s32 @!p0 $0xFFFFF086;
	s6 =	sadd.s32 @!p0 s3, s7;
	s7 =	simm.s32 @!p0 $0x108  }
0x21: {  	s3 =	sadd.s32 s3, s9;
	s6 =	sadd.s32 @!p0 $0x88, s6;
	s7 =	simm.s32 @p2 $0x1082  }
0x22: {  	[simem:s7], [sflag:s8] =	dma.local @!p0 [hbm:s6], $0xF7A  }
0x23: {  	s9 =	sor.u32 $0xD0000000, s2;
	s6 =	simm.s32 $0x108;
	_ =	swait.ge @!p0 [sflag:s8], $0x0  }
0x24: {  	s3 =	sadd.s32 $0x88, s3;
	s6 =	simm.s32 @!p1 $0x1082;
	[sflag:s4] =	ssyncset.s32 $0xFFFFF086  }
0x25: {  	[simem:s6], [sflag:s4] =	dma.local [hbm:s3], $0xF7A  }
0x26: {  	[smem:$0x3F9B] =	sst s1;
	(tag) =	ssettag s2;
	_ =	strace s9  }
0x27: {  	s1 =	sld [smem:$0x3FAB]  }
0x28: {  	s2 =	sld [smem:$0x3FAC]  }
0x29: {  	s4 =	sld [smem:$0x3FAE]  }
0x2a: {  	p0 =	seq.s32 s5, $0x0;
	s5 =	sld [smem:$0x3FAF]  }
0x2b: {  	s6 =	sld [smem:$0x3FB0]  }
0x2c: {  	s7 =	sld [smem:$0x3FB1]  }
0x2d: {  	s3 =	simm.s32 $0x108;
	s8 =	sld [smem:$0x3FB2]  }
0x2e: {  	s3 =	simm.s32 @!p0 $0x1082;
	s9 =	sld [smem:$0x3FB3]  }
0x2f: {  	lr =	sadd.s32 s0, s3;
	s0 =	sld [smem:$0x3FAA]  }
0x30: {  	s3 =	sld [smem:$0x3FAD]  }
0x31: {  	[smem:$0x3FB6] =	sst s10  }
0x32: {  	s10 =	sld [smem:$0x3FB4];
	_ =	sdelay $0x3  }
0x33: {  	p0 =	seq.s32 s10, $0x1;
	s10 =	sld [smem:$0x3FB6];
	_ =	sdelay $0x3  }
0x34: {  	[smem:$0x3FB6] =	sst s10  }
0x35: {  	s10 =	sld [smem:$0x3FB5];
	_ =	sdelay $0x3  }
0x36: {  	p1 =	seq.s32 s10, $0x1;
	s10 =	sld [smem:$0x3FB6];
	_ =	sdelay $0x3  }
0x37: {  	[smem:$0x3FB6] =	sst s10  }
0x38: {  	s10 =	sld [smem:$0x3FB7]  }
0x39: {  	_ = 	snop;
	(pc) =	sbr.ind lr, $3  }
0x3a: {  	_ = 	snop  }
0x3b: {  	_ = 	snop  }
0x3c: {  	p2 =	seq.s32 s10, $0x1;
	s10 =	sld [smem:$0x3FB6]  }
0x3d: {  	_ =	shalt  }
0x3e: {  	_ =	shalt  }
0x3f: {  	_ =	shalt  }
0x40: {  	_ =	shalt  }
0x41: {  	_ =	shalt  }
0x42: {  	_ =	shalt  }
0x43: {  	_ =	shalt  }
0x44: {  	_ =	shalt  }
0x45: {  	_ =	shalt  }
0x46: {  	_ =	shalt  }
0x47: {  	_ =	shalt  }
0x48: {  	_ =	shalt  }
0x49: {  	_ =	shalt  }
0x4a: {  	_ =	shalt  }
0x4b: {  	_ =	shalt  }
0x4c: {  	_ =	shalt  }
0x4d: {  	_ =	shalt  }
0x4e: {  	_ =	shalt  }
0x4f: {  	_ =	shalt  }
0x50: {  	_ =	shalt  }
0x51: {  	_ =	shalt  }
0x52: {  	_ =	shalt  }
0x53: {  	_ =	shalt  }
0x54: {  	_ =	shalt  }
0x55: {  	_ =	shalt  }
0x56: {  	_ =	shalt  }
0x57: {  	_ =	shalt  }
0x58: {  	_ =	shalt  }
0x59: {  	_ =	shalt  }
0x5a: {  	_ =	shalt  }
0x5b: {  	_ =	shalt  }
0x5c: {  	_ =	shalt  }
0x5d: {  	_ =	shalt  }
0x5e: {  	_ =	shalt  }
0x5f: {  	_ =	shalt  }
0x60: {  	_ =	shalt  }
0x61: {  	_ =	shalt  }
0x62: {  	_ =	shalt  }
0x63: {  	_ =	shalt  }
0x64: {  	_ =	shalt  }
0x65: {  	_ =	shalt  }
0x66: {  	_ =	shalt  }
0x67: {  	_ =	shalt  }
0x68: {  	_ =	shalt  }
0x69: {  	_ =	shalt  }
0x6a: {  	_ =	shalt  }
0x6b: {  	_ =	shalt  }
0x6c: {  	_ =	shalt  }
0x6d: {  	_ =	shalt  }
0x6e: {  	_ =	shalt  }
0x6f: {  	_ =	shalt  }
0x70: {  	_ =	shalt  }
0x71: {  	_ =	shalt  }
0x72: {  	_ =	shalt  }
0x73: {  	_ =	shalt  }
0x74: {  	_ =	shalt  }
0x75: {  	_ =	shalt  }
0x76: {  	_ =	shalt  }
0x77: {  	_ =	shalt  }
0x78: {  	_ =	shalt  }
0x79: {  	_ =	shalt  }
0x7a: {  	_ =	shalt  }
0x7b: {  	_ =	shalt  }
0x7c: {  	_ =	shalt  }
0x7d: {  	_ =	shalt  }
0x7e: {  	_ =	shalt  }
0x7f: {  	_ =	shalt  }
0x80: {  	_ =	shalt  }
0x81: {  	_ =	shalt  }
0x82: {  	_ =	shalt  }
0x83: {  	_ =	shalt  }
0x84: {  	_ =	shalt  }
0x85: {  	_ =	shalt  }
0x86: {  	_ =	shalt  }
0x87: {  	_ =	shalt  }
.Lfunc_end0:
.L_simem_size_0:
called_computation.2_lowered:
.L_overlay_start_0:
0x88: {  	s2 =	sld [smem:$0x3FD9]  }
0x89: {  	s3 =	sld [smem:$0x3FFE];
	_ =	sdelay $0x1  }
0x8a: {  	s1 =	srdreg.scid  }
0x8b: {  	s0 =	sand.u32 $0x1, s1  }
0x8c: {  	s16 =	sshll.u32 s0, $0xA;
	s2 =	sadd.s32 s3, s2  }
0x8d: {  	s2 =	sadd.s32 s2, s16  }
0x8e: {  	[smem:$0x3FC2] =	sst s2  }
0x8f: {  	_ = 	snop  }
0x90: {  	(tm) =	ssettm $0x1  }
0x91: {  	s17 =	sld [smem:$0x3FFB];
	_ =	sdelay $0x3  }
0x92: {  	_ =	strace s17  }
0x93: {  	s2 =	sld [smem:$0x3FFC];
	_ =	sdelay $0x3  }
0x94: {  	_ =	strace s2  }
0x95: {  	s2 =	sld [smem:$0x3FFD];
	_ =	sdelay $0x3  }
0x96: {  	_ =	strace s2  }
0x97: {  	_ =	strace $0x8FFFFFFF  }
0x98: {  	s18 =	sld [smem:$0x3FDB];
	_ =	sdelay $0x1  }
0x99: {  	s19 =	simm.s32 $_scs_section_size  }
0x9a: {  	s4 =	simm.s32 $_size__tile_overlayer_lowered;
	s5 =	simm.s32 $_tile_overlayer_lowered  }
0x9b: {  	s22 =	simm.s32 $0x1BFF;
	s21 =	sshll.u32 s5, $0x1;
	s2 =	sadd.s32 s19, s18  }
0x9c: {  	s6 =	simm.s32 $0x0;
	s20 =	sshll.u32 s4, $0x1;
	s4 =	sadd.s32 s21, s2  }
0x9d: {  	[timem:s6], [sflag:s22] =	dma.local [hbm:s4], s20  }
0x9e: {  	_ =	swait.ge [sflag:s22], s20  }
0x9f: {  	s3 =	ssub.s32 $0x0, s20;
	[sflag:s22] =	ssyncset.done $0x0  }
0xa0: {  	[sflag:s22] =	ssyncadd.s32 s3;
	_ =	sdelay $0x1  }
0xa1: {  	s23 =	simm.s32 $0x1B8B  }
0xa2: {  	_ =	swait.ge [sflag:s23], $0x1  }
0xa3: {  	[sflag:s23] =	ssyncset.done $0x0  }
0xa4: {  	s25 =	simm.s32 $0x1B8E;
	s24 =	sld [smem:$0x3FFE];
	[sflag:s23] =	ssyncadd.s32 $0xFFFFFFFF  }
0xa5: {  	s26 =	simm.s32 $execute0_lowered;
	[smem:$0x3FD2] =	sst s25  }
0xa6: {  	s4 =	sshll.u32 s26, $0x1;
	_ =	strace $0x8000004C;
	[dreg:$0x1] =	wrdreg $0xFFFFFFFF  }
0xa7: {  	s28 =	simm.s32 $_size_execute0_lowered;
	s2 =	sadd.s32 s2, s4;
	[dreg:$0x0] =	wrdreg $0x0  }
0xa8: {  	s4 =	sshll.u32 s28, $0x1;
	[dreg:$0x2] =	wrdreg s2  }
0xa9: {  	[dreg:$0x3] =	wrdreg s4  }
0xaa: {  	[dreg:$0x4] =	wrdreg $0xC0  }
0xab: {  	_ =	task [dreg:s6], $0x5FFFF  }
0xac: {  	[dreg:$0x1] =	wrdreg $0xFFFFFFFF  }
0xad: {  	[dreg:$0x0] =	wrdreg $0x60  }
0xae: {  	[dreg:$0x2] =	wrdreg s24  }
0xaf: {  	[dreg:$0x3] =	wrdreg $0x82000  }
0xb0: {  	[dreg:$0x4] =	wrdreg $0x9  }
0xb1: {  	_ =	task.clear_ibuf [dreg:s6], $0x5FFFF;
	_ =	strace $0x9000004C  }
0xb2: {  	s29 =	simm.s32 $0x9;
	_ =	strace $0x8000004E  }
0xb3: {  	_ =	swait.ge [sflag:s29], $0x1  }
0xb4: {  	[sflag:s29] =	ssyncadd.s32 $0xFFFFFFFF  }
0xb5: {  	_ =	strace $0x9000004E  }
0xb6: {  	_ =	sfence  }
0xb7: {  	s30 =	sld [smem:$0x0];
	_ =	sdelay $0x2  }
0xb8: {  	s31 =	sshll.u32 s1, $0xD;
	s1 =	sshrl.u32 s1, $0x2  }
0xb9: {  	s3 =	sand.u32 $0x4000, s31;
	s1 =	sadd.s32 s1, s30  }
0xba: {  	s0 =	sor.u32 s3, s0;
	s1 =	sshll.u32 s1, $0x11  }
0xbb: {  	s0 =	sor.u32 s1, s0  }
0xbc: {  	s0 =	sadd.s32 $0x8F2B, s0  }
0xbd: {  	[sflag:s0] =	ssyncadd.remote.s32 $0x1  }
0xbe: {  	_ =	sfence.sel $0xFFFF  }
0xbf: {  	[dreg:$0x0] =	wrdreg $0xFFFFFFFF;
	(pc) =	sbr.abs _section_cstart, $3  }
0xc0: {  	[dreg:$0x1] =	wrdreg $0xFFFFFFFF  }
0xc1: {  	_ =	task.clear_ibuf [dreg:s6], $0x2FFFF;
	_ =	strace $0x9FFFFFFF  }
0xc2: {  	(tm) =	ssettm $0x7FFFFFFF  }
0xc3: {  	_ =	shalt  }
tec
execute0_lowered:
.L_overlay_start_1:
0x0: {  	(tag) =	ssettag $0x1  }
0x1: {  	s0 =	rddreg [dreg:$0x0]  }
0x2: {  	s1 =	srdreg.scid;
	s2 =	rddreg [dreg:$0x1]  }
0x3: {  	s9 =	stileid.u32;
	s3 =	simm.s32 $0x0;
	s28 =	simm.s32 $0x3  }
0x4: {  	s29 =	simm.s32 $0x4200;
	s30 =	simm.s32 $0x4;
	s31 =	simm.s32 $0x180  }
0x5: {  	s1 =	sand.u32 $0x1, s1;
	s6 =	smul.u32 $0x14000, s9;
	[smem:$0x7FF] =	sst s3  }
0x6: {  	s4 =	sadd.s32 $0x66000, s0;
	s8 =	smul.u32 $0x50000, s9;
	s18 =	sshll.u32 s9, $0x1  }
0x7: {  	s5 =	smul.u32 $0x140000, s1;
	_ =	strace $0x8000004D;
	s19 =	ssub.s32 $0x2, s1  }
0x8: {  	s1 =	sor.u32 s1, s18;
	s20 =	sshrl.u32 s8, $0x2;
	s10 =	sshrl.u32 s19, $0x1  }
0x9: {  	s8 =	smul.u32 $0x2800, s1;
	s6 =	sadd.s32 s6, s5;
	s5 =	sadd.s32 $0xC000, s0  }
0xa: {  	s21 =	ssub.s32 s19, s10;
	s7 =	sshrl.u32 s6, $0x3;
	s6 =	sadd.s32 $0x2000, s0  }
0xb: {  	s25 =	sshrl.u32 s8, $0x3;
	s18 =	smax.u32 s21, $0x1;
	s21 =	simm.s32 $0x200  }
0xc: {  	s0 =	sadd.s32 s7, s0;
	s7 =	sadd.s32 s20, s2;
	s13 =	sadd.s32 s5, s25  }
0xd: {  	s14 =	sadd.s32 s6, s25;
	s26 =	sor.u32 $0x10, s25;
	s9 =	sadd.s32 $0x4E0, s25  }
0xe: {  	s25 =	simm.s32 $0x100;
	s22 =	sadd.s32 $0x4000, s7;
	s23 =	sadd.s32 $0x8000, s7  }
0xf: {  	s24 =	sadd.s32 $0xC000, s7;
	s12 =	sadd.s32 $0x10000, s7;
	s15 =	sadd.s32 s5, s26  }
0x10: {  	s16 =	sadd.s32 s6, s26;
	s17 =	sadd.s32 $0x8E000, s0;
	[dreg:$0x3] =	wrdreg s22  }
0x11: {  	s19 =	sadd.s32 s5, s9;
	s20 =	sadd.s32 s6, s9;
	[dreg:$0x4] =	wrdreg s23  }
0x12: {  	s26 =	simm.s32 $0x2;
	s0 =	simm.s32 $0x0;
	[dreg:$0x5] =	wrdreg s24  }
0x13: {  	v0 =	vimm.f32 $0.0e+00;
	s22 =	simm.s32 $0x5;
	s23 =	simm.s32 $0x80;
	s24 =	simm.s32 $0x1  }
.LBB2_1:
0x14: {  	s1 =	simm.s32 $0x0;
	s9 =	simm.s32 $0x200  }
.LBB2_2:
0x15: {  	p0 =	sne.s32 s9, $0xFE00;
	[tilespmem:s1+$0x270] =	vst v0  }
0x16: {  	[tilespmem:s1+$0x200] =	vst v0  }
0x17: {  	[tilespmem:s1+$0x210] =	vst v0  }
.Ltmp0:
0x18: {  	[tilespmem:s1+$0x220] =	vst v0;
	(pc) =	sbr.rel @p0 .LBB2_2-.Ltmp0, $4  }
0x19: {  	[tilespmem:s1+$0x230] =	vst v0  }
0x1a: {  	[tilespmem:s1+$0x240] =	vst v0  }
0x1b: {  	[tilespmem:s1+$0x250] =	vst v0  }
0x1c: {  	[tilespmem:s1+$0x260] =	vst v0;
	s1 =	sshra.s32 s9, $0x2;
	s9 =	sadd.s32 $0x200, s9  }
0x1d: {  	[tilespmem:s1+$0x270] =	vst v0  }
0x1e: {  	[tilespmem:s1+$0x200] =	vst v0  }
0x1f: {  	[tilespmem:s1+$0x210] =	vst v0  }
0x20: {  	[tilespmem:s1+$0x220] =	vst v0  }
0x21: {  	[tilespmem:s1+$0x230] =	vst v0  }
0x22: {  	[tilespmem:s1+$0x240] =	vst v0  }
0x23: {  	[tilespmem:s1+$0x250] =	vst v0  }
0x24: {  	[tilespmem:s1+$0x260] =	vst v0  }
0x25: {  	[spmem:s7] =	stream.linear.scatter [tilespmem:s21], [sflag:$0x5], $0x4000, $0x38;
	[tilespmem:$0x1C200] =	vst v63  }
0x26: {  	_ =	swait.ge [sflag:s22], $0x4000  }
0x27: {  	[sflag:s22] =	ssyncset.done $0x0  }
0x28: {  	s11 =	rddreg [dreg:$0x3];
	[sflag:s22] =	ssyncadd.s32 $0xFFFFC000  }
0x29: {  	[spmem:s11] =	stream.linear.scatter [tilespmem:s21], [sflag:$0x5], $0x4000, $0x38;
	[tilespmem:$0x1C200] =	vst v63  }
0x2a: {  	_ =	swait.ge [sflag:s22], $0x4000  }
0x2b: {  	[sflag:s22] =	ssyncset.done $0x0  }
0x2c: {  	s9 =	rddreg [dreg:$0x4];
	[sflag:s22] =	ssyncadd.s32 $0xFFFFC000  }
0x2d: {  	[spmem:s9] =	stream.linear.scatter [tilespmem:s21], [sflag:$0x5], $0x4000, $0x38;
	[tilespmem:$0x1C200] =	vst v63  }
0x2e: {  	_ =	swait.ge [sflag:s22], $0x4000  }
0x2f: {  	[sflag:s22] =	ssyncset.done $0x0  }
0x30: {  	s10 =	rddreg [dreg:$0x5];
	[sflag:s22] =	ssyncadd.s32 $0xFFFFC000  }
0x31: {  	[spmem:s10] =	stream.linear.scatter [tilespmem:s21], [sflag:$0x5], $0x4000, $0x38;
	[tilespmem:$0x1C200] =	vst v63  }
0x32: {  	_ =	swait.ge [sflag:s22], $0x4000  }
0x33: {  	[sflag:s22] =	ssyncset.done $0x0  }
0x34: {  	[sflag:s22] =	ssyncadd.s32 $0xFFFFC000  }
0x35: {  	[spmem:s12] =	stream.linear.scatter [tilespmem:s21], [sflag:$0x5], $0x4000, $0x38;
	[tilespmem:$0x1C200] =	vst v63  }
0x36: {  	_ =	swait.ge [sflag:s22], $0x4000  }
0x37: {  	[sflag:s22] =	ssyncset.done $0x0  }
0x38: {  	[sflag:s22] =	ssyncadd.s32 $0xFFFFC000  }
0x39: {  	[bflag:$0x0] =	sbarrier.arrive $0xFFFF  }
0x3a: {  	[tilespmem:s3], [sflag:$0x1] =	stream.linear.gather [hbm4b:s13+s3], $0x80, $0x38;
	[tilespmem:$0x1C200] =	vst v63  }
0x3b: {  	_ = 	snop  }
0x3c: {  	[tilespmem:s23], [sflag:$0x1] =	stream.linear.gather [hbm4b:s14+s3], $0x80, $0x38;
	[tilespmem:$0x1C200] =	vst v63  }
0x3d: {  	_ =	swait.ge [sflag:s24], $0x80  }
0x3e: {  	[sflag:s24] =	ssyncset.done $0x0  }
0x3f: {  	[sflag:s24] =	ssyncadd.s32 $0xFFFFFF80  }
0x40: {  	_ =	swait.ge [sflag:s24], $0x80  }
0x41: {  	[sflag:s24] =	ssyncset.done $0x0  }
0x42: {  	[sflag:s24] =	ssyncadd.s32 $0xFFFFFF80  }
0x43: {  	[tilespmem:s21], [sflag:$0x3] =	stream.indirect.gather [hbm4b:s4+s23], $0x80, s3, s23, $0xb8;
	[tilespmem:$0x1C200] =	vst v63  }
0x44: {  	_ = 	snop  }
0x45: {  	[tilespmem:s25], [sflag:$0x2] =	stream.linear.gather [hbm4b:s15+s3], $0x80, $0x38;
	[tilespmem:$0x1C200] =	vst v63  }
0x46: {  	s1 =	simm.s32 $0x180  }
0x47: {  	[tilespmem:s1], [sflag:$0x2] =	stream.linear.gather [hbm4b:s16+s3], $0x80, $0x38;
	[tilespmem:$0x1C200] =	vst v63  }
0x48: {  	_ =	swait.ge [sflag:s26], $0x80  }
0x49: {  	[sflag:s26] =	ssyncset.done $0x0  }
0x4a: {  	[sflag:s26] =	ssyncadd.s32 $0xFFFFFF80  }
0x4b: {  	_ =	swait.ge [sflag:s26], $0x80  }
0x4c: {  	[sflag:s26] =	ssyncset.done $0x0  }
0x4d: {  	[sflag:s26] =	ssyncadd.s32 $0xFFFFFF80  }
0x4e: {  	_ =	swait.ge [sflag:s28], $0x4000  }
0x4f: {  	s9 =	simm.s32 $0x100;
	[sflag:s28] =	ssyncset.done $0x0  }
0x50: {  	s10 =	sand.u32 $0x7C00, s9;
	[sflag:s28] =	ssyncadd.s32 $0xFFFFC000  }
0x51: {  	[tilespmem:s29], [sflag:$0x4] =	stream.indirect.gather [hbm4b:s4+s23], $0x80, s25, s23, $0xb8;
	[tilespmem:$0x1C200] =	vst v63  }
0x52: {  	s9 =	sand.u32 $0x300, s9;
	s10 =	sadd.s32 s8, s10  }
0x53: {  	[spmem:s2] =	stream.indirect.scatter.add.f32 [tilespmem:s21], [sflag:$0x5], $0x80, s23, s23, $0xb8;
	[tilespmem:$0x1C200] =	vst v63  }
0x54: {  	s9 =	sor.u32 s9, s10;
	_ =	swait.ge [sflag:s22], $0x4000  }
0x55: {  	s9 =	sshrl.u32 s9, $0x3;
	[sflag:s22] =	ssyncset.done $0x0  }
0x56: {  	s11 =	sadd.s32 s5, s9;
	[sflag:s22] =	ssyncadd.s32 $0xFFFFC000  }
0x57: {  	[tilespmem:s3], [sflag:$0x1] =	stream.linear.gather [hbm4b:s11+s3], $0x80, $0x38;
	[tilespmem:$0x1C200] =	vst v63  }
0x58: {  	s9 =	sadd.s32 s6, s9  }
0x59: {  	[tilespmem:s23], [sflag:$0x1] =	stream.linear.gather [hbm4b:s9+s3], $0x80, $0x38;
	[tilespmem:$0x1C200] =	vst v63  }
0x5a: {  	_ =	swait.ge [sflag:s24], $0x80  }
0x5b: {  	[sflag:s24] =	ssyncset.done $0x0  }
0x5c: {  	[sflag:s24] =	ssyncadd.s32 $0xFFFFFF80  }
0x5d: {  	_ =	swait.ge [sflag:s24], $0x80  }
0x5e: {  	[sflag:s24] =	ssyncset.done $0x0  }
0x5f: {  	[sflag:s24] =	ssyncadd.s32 $0xFFFFFF80  }
0x60: {  	_ =	swait.ge [sflag:s30], $0x4000  }
0x61: {  	[sflag:s30] =	ssyncset.done $0x0  }
0x62: {  	s11 =	sand.u32 $0x7C00, s1;
	[sflag:s30] =	ssyncadd.s32 $0xFFFFC000  }
0x63: {  	[tilespmem:s21], [sflag:$0x3] =	stream.indirect.gather [hbm4b:s4+s23], $0x80, s3, s23, $0xb8;
	[tilespmem:$0x1C200] =	vst v63  }
0x64: {  	s1 =	sand.u32 $0x380, s1;
	s9 =	sadd.s32 s8, s11  }
0x65: {  	[spmem:s2] =	stream.indirect.scatter.add.f32 [tilespmem:s29], [sflag:$0x5], $0x80, s31, s23, $0xb8;
	[tilespmem:$0x1C200] =	vst v63  }
0x66: {  	s1 =	sor.u32 s1, s9;
	_ =	swait.ge [sflag:s22], $0x4000  }
0x67: {  	s9 =	sshrl.u32 s1, $0x3;
	[sflag:s22] =	ssyncset.done $0x0  }
0x68: {  	s1 =	sadd.s32 s5, s9;
	[sflag:s22] =	ssyncadd.s32 $0xFFFFC000  }
0x69: {  	[tilespmem:s25], [sflag:$0x2] =	stream.linear.gather [hbm4b:s1+s3], $0x80, $0x38;
	[tilespmem:$0x1C200] =	vst v63  }
0x6a: {  	s10 =	sadd.s32 s6, s9;
	s1 =	simm.s32 $0x280  }
.LBB2_4:
0x6b: {  	p0 =	sne.s32 s1, $0x2680;
	s9 =	smov.u32 s1;
	s1 =	sadd.s32 $0x100, s1  }
0x6c: {  	[tilespmem:s31], [sflag:$0x2] =	stream.linear.gather [hbm4b:s10+s3], $0x80, $0x38;
	[tilespmem:$0x1C200] =	vst v63  }
0x6d: {  	_ =	swait.ge [sflag:s26], $0x80  }
0x6e: {  	[sflag:s26] =	ssyncset.done $0x0  }
0x6f: {  	[sflag:s26] =	ssyncadd.s32 $0xFFFFFF80  }
0x70: {  	_ =	swait.ge [sflag:s26], $0x80  }
0x71: {  	[sflag:s26] =	ssyncset.done $0x0  }
0x72: {  	[sflag:s26] =	ssyncadd.s32 $0xFFFFFF80  }
0x73: {  	_ =	swait.ge [sflag:s28], $0x4000  }
0x74: {  	[sflag:s28] =	ssyncset.done $0x0  }
0x75: {  	s10 =	sadd.s32 $0xFFFFFF80, s9;
	[sflag:s28] =	ssyncadd.s32 $0xFFFFC000  }
0x76: {  	[tilespmem:s29], [sflag:$0x4] =	stream.indirect.gather [hbm4b:s4+s23], $0x80, s25, s23, $0xb8;
	[tilespmem:$0x1C200] =	vst v63  }
0x77: {  	s11 =	sand.u32 $0x7C00, s10;
	s10 =	sand.u32 $0x300, s10  }
0x78: {  	[spmem:s2] =	stream.indirect.scatter.add.f32 [tilespmem:s21], [sflag:$0x5], $0x80, s23, s23, $0xb8;
	[tilespmem:$0x1C200] =	vst v63  }
0x79: {  	s11 =	sadd.s32 s8, s11;
	_ =	swait.ge [sflag:s22], $0x4000  }
0x7a: {  	s10 =	sor.u32 s10, s11;
	[sflag:s22] =	ssyncset.done $0x0  }
0x7b: {  	s10 =	sshrl.u32 s10, $0x3;
	[sflag:s22] =	ssyncadd.s32 $0xFFFFC000  }
0x7c: {  	s11 =	sadd.s32 s5, s10;
	s10 =	sadd.s32 s6, s10  }
0x7d: {  	[tilespmem:s3], [sflag:$0x1] =	stream.linear.gather [hbm4b:s11+s3], $0x80, $0x38;
	[tilespmem:$0x1C200] =	vst v63  }
0x7e: {  	_ = 	snop  }
0x7f: {  	[tilespmem:s23], [sflag:$0x1] =	stream.linear.gather [hbm4b:s10+s3], $0x80, $0x38;
	[tilespmem:$0x1C200] =	vst v63  }
0x80: {  	_ =	swait.ge [sflag:s24], $0x80  }
0x81: {  	[sflag:s24] =	ssyncset.done $0x0  }
0x82: {  	[sflag:s24] =	ssyncadd.s32 $0xFFFFFF80  }
0x83: {  	_ =	swait.ge [sflag:s24], $0x80  }
0x84: {  	[sflag:s24] =	ssyncset.done $0x0  }
0x85: {  	[sflag:s24] =	ssyncadd.s32 $0xFFFFFF80  }
0x86: {  	_ =	swait.ge [sflag:s30], $0x4000  }
0x87: {  	[sflag:s30] =	ssyncset.done $0x0  }
0x88: {  	s10 =	sand.u32 $0x7C00, s9;
	[sflag:s30] =	ssyncadd.s32 $0xFFFFC000  }
0x89: {  	[tilespmem:s21], [sflag:$0x3] =	stream.indirect.gather [hbm4b:s4+s23], $0x80, s3, s23, $0xb8;
	[tilespmem:$0x1C200] =	vst v63  }
0x8a: {  	s9 =	sand.u32 $0x380, s9;
	s10 =	sadd.s32 s8, s10  }
0x8b: {  	[spmem:s2] =	stream.indirect.scatter.add.f32 [tilespmem:s29], [sflag:$0x5], $0x80, s31, s23, $0xb8;
	[tilespmem:$0x1C200] =	vst v63  }
.Ltmp1:
0x8c: {  	_ = 	snop;
	(pc) =	sbr.rel @p0 .LBB2_4-.Ltmp1, $4  }
0x8d: {  	s9 =	sor.u32 s9, s10;
	_ =	swait.ge [sflag:s22], $0x4000  }
0x8e: {  	s9 =	sshrl.u32 s9, $0x3;
	[sflag:s22] =	ssyncset.done $0x0  }
0x8f: {  	s11 =	sadd.s32 s5, s9;
	s10 =	sadd.s32 s6, s9;
	[sflag:s22] =	ssyncadd.s32 $0xFFFFC000  }
0x90: {  	[tilespmem:s25], [sflag:$0x2] =	stream.linear.gather [hbm4b:s11+s3], $0x80, $0x38;
	[tilespmem:$0x1C200] =	vst v63  }
0x91: {  	[tilespmem:s31], [sflag:$0x2] =	stream.linear.gather [hbm4b:s10+s3], $0x80, $0x38;
	[tilespmem:$0x1C200] =	vst v63  }
0x92: {  	_ =	swait.ge [sflag:s26], $0x80  }
0x93: {  	[sflag:s26] =	ssyncset.done $0x0  }
0x94: {  	[sflag:s26] =	ssyncadd.s32 $0xFFFFFF80  }
0x95: {  	_ =	swait.ge [sflag:s26], $0x80  }
0x96: {  	[sflag:s26] =	ssyncset.done $0x0  }
0x97: {  	[sflag:s26] =	ssyncadd.s32 $0xFFFFFF80  }
0x98: {  	_ =	swait.ge [sflag:s28], $0x4000  }
0x99: {  	[sflag:s28] =	ssyncset.done $0x0  }
0x9a: {  	[sflag:s28] =	ssyncadd.s32 $0xFFFFC000  }
0x9b: {  	[tilespmem:s29], [sflag:$0x4] =	stream.indirect.gather [hbm4b:s4+s23], $0x80, s25, s23, $0xb8;
	[tilespmem:$0x1C200] =	vst v63  }
0x9c: {  	_ = 	snop  }
0x9d: {  	[spmem:s2] =	stream.indirect.scatter.add.f32 [tilespmem:s21], [sflag:$0x5], $0x80, s23, s23, $0xb8;
	[tilespmem:$0x1C200] =	vst v63  }
0x9e: {  	_ =	swait.ge [sflag:s22], $0x4000  }
0x9f: {  	[sflag:s22] =	ssyncset.done $0x0  }
0xa0: {  	[sflag:s22] =	ssyncadd.s32 $0xFFFFC000  }
0xa1: {  	[tilespmem:s3], [sflag:$0x1] =	stream.linear.gather [hbm4b:s19+s3], $0x80, $0x38;
	[tilespmem:$0x1C200] =	vst v63  }
0xa2: {  	_ = 	snop  }
0xa3: {  	[tilespmem:s23], [sflag:$0x1] =	stream.linear.gather [hbm4b:s20+s3], $0x80, $0x38;
	[tilespmem:$0x1C200] =	vst v63  }
0xa4: {  	_ =	swait.ge [sflag:s24], $0x80  }
0xa5: {  	[sflag:s24] =	ssyncset.done $0x0  }
0xa6: {  	[sflag:s24] =	ssyncadd.s32 $0xFFFFFF80  }
0xa7: {  	_ =	swait.ge [sflag:s24], $0x80  }
0xa8: {  	[sflag:s24] =	ssyncset.done $0x0  }
0xa9: {  	[sflag:s24] =	ssyncadd.s32 $0xFFFFFF80  }
0xaa: {  	_ =	swait.ge [sflag:s30], $0x4000  }
0xab: {  	[sflag:s30] =	ssyncset.done $0x0  }
0xac: {  	[sflag:s30] =	ssyncadd.s32 $0xFFFFC000  }
0xad: {  	[tilespmem:s21], [sflag:$0x3] =	stream.indirect.gather [hbm4b:s4+s23], $0x80, s3, s23, $0xb8;
	[tilespmem:$0x1C200] =	vst v63  }
0xae: {  	_ = 	snop  }
0xaf: {  	[spmem:s2] =	stream.indirect.scatter.add.f32 [tilespmem:s29], [sflag:$0x5], $0x80, s31, s23, $0xb8;
	[tilespmem:$0x1C200] =	vst v63  }
0xb0: {  	_ =	swait.ge [sflag:s22], $0x4000  }
0xb1: {  	[sflag:s22] =	ssyncset.done $0x0  }
0xb2: {  	[sflag:s22] =	ssyncadd.s32 $0xFFFFC000  }
0xb3: {  	[tilespmem:s25], [sflag:$0x2] =	stream.linear.gather [hbm4b:s19+s3], $0x80, $0x38;
	[tilespmem:$0x1C200] =	vst v63  }
0xb4: {  	_ = 	snop  }
0xb5: {  	[tilespmem:s31], [sflag:$0x2] =	stream.linear.gather [hbm4b:s20+s3], $0x80, $0x38;
	[tilespmem:$0x1C200] =	vst v63  }
0xb6: {  	_ =	swait.ge [sflag:s26], $0x80  }
0xb7: {  	[sflag:s26] =	ssyncset.done $0x0  }
0xb8: {  	[sflag:s26] =	ssyncadd.s32 $0xFFFFFF80  }
0xb9: {  	_ =	swait.ge [sflag:s26], $0x80  }
0xba: {  	[sflag:s26] =	ssyncset.done $0x0  }
0xbb: {  	[sflag:s26] =	ssyncadd.s32 $0xFFFFFF80  }
0xbc: {  	_ =	swait.ge [sflag:s28], $0x4000  }
0xbd: {  	[sflag:s28] =	ssyncset.done $0x0  }
0xbe: {  	[sflag:s28] =	ssyncadd.s32 $0xFFFFC000  }
0xbf: {  	[spmem:s2] =	stream.indirect.scatter.add.f32 [tilespmem:s21], [sflag:$0x5], $0x80, s23, s23, $0xb8;
	[tilespmem:$0x1C200] =	vst v63  }
0xc0: {  	s1 =	stileid.u32;
	_ =	swait.ge [sflag:s22], $0x4000  }
0xc1: {  	s9 =	sshrl.u32 s7, $0x3;
	s0 =	sadd.s32 $0x1, s0;
	[sflag:s22] =	ssyncset.done $0x0  }
0xc2: {  	s1 =	sshll.u32 s1, $0x6;
	p0 =	sne.s32 s0, s18;
	[sflag:s22] =	ssyncadd.s32 $0xFFFFC000  }
.Ltmp2:
0xc3: {  	s1 =	sor.u32 $0x1C05, s1;
	[bflag:$0x0] =	sbarrier.arrive $0xFFFF;
	(pc) =	sbr.rel @p0 .LBB2_1-.Ltmp2, $4  }
0xc4: {  	[hbm:s17], [sflag:s1] =	dma.local [spmem:s9], $0x2800  }
0xc5: {  	_ =	swait.ge [sflag:s22], $0x2800  }
0xc6: {  	[sflag:s22] =	ssyncset.done $0x0  }
0xc7: {  	[sflag:s22] =	ssyncadd.s32 $0xFFFFD800  }
0xc8: {  	_ =	sfence.sel $0x180000  }
0xc9: {  	[bflag:$0x0] =	sbarrier.arrive $0xFFFF  }
0xca: {  	_ =	strace $0x9000004D  }
0xcb: {  	s0 =	stileid.u32;
	[bflag:$0x2] =	sbarrier.arrive $0xFFFF  }
0xcc: {  	p0 =	sne.s32 s0, $0x0;
	s0 =	rddreg [dreg:$0x2]  }
0xcd: {  	s0 =	sadd.s32 @!p0 $0x100000, s0  }
0xce: {  	[sflag:s0] =	ssyncadd.tile.s32 @!p0 $0x1;
	_ =	shalt  }
.Lfunc_end2:
_tile_overlayer_lowered:
.L_overlay_start_2:
0xcf: {  	(tag) =	ssettag $0x2  }
0xd0: {  	s0 =	rddreg [dreg:$0x0];
	s2 =	stileid.u32  }
0xd1: {  	s1 =	rddreg [dreg:$0x1];
	p0 =	sne.s32 s2, $0x0  }
0xd2: {  	s3 =	rddreg [dreg:$0x2];
	[bflag:$0x3] =	sbarrier.arrive $0xFFFF;
	s2 =	simm.s32 @!p0 $0x1C05  }
0xd3: {  	[timem:s3], [sflag:s2] =	dma.local @!p0 [hbm:s0], s1  }
0xd4: {  	s0 =	simm.s32 @!p0 $0x5  }
0xd5: {  	_ =	swait.ge @!p0 [sflag:s0], s1  }
0xd6: {  	s1 =	ssub.s32 @!p0 $0x0, s1;
	[sflag:s0] =	ssyncset.done @!p0 $0x0  }
0xd7: {  	[sflag:s0] =	ssyncadd.s32 @!p0 s1  }
0xd8: {  	[bflag:$0x3] =	sbarrier.arrive $0xFFFF  }
0xd9: {  	_ =	shalt  }

// kernel: kernel.9.cloned.1.call-start
scs
__scs_entry_jumppad:
0x0: {  	(pc) =	sbr.rel $0x88, $3  }
0x1: {  	(tag) =	ssettag $0x0;
	lr =	simm.s32 $0x1  }
0x2: {  	[smem:$0x3F9B] =	sst lr;
	_ =	strace $0xD0000000  }
0x3: {  	_ = 	snop  }
0x4: {  	_ = 	snop  }
0x5: {  	_ = 	snop  }
0x6: {  	_ = 	snop  }
0x7: {  	_ = 	snop  }
__scs_overlays_trampoline_lowered:
0x8: {  	[smem:$0x3FAA] =	sst s0  }
0x9: {  	[smem:$0x3FAB] =	sst s1  }
0xa: {  	[smem:$0x3FAC] =	sst s2  }
0xb: {  	[smem:$0x3FAD] =	sst s3  }
0xc: {  	[smem:$0x3FAE] =	sst s4  }
0xd: {  	[smem:$0x3FAF] =	sst s5  }
0xe: {  	[smem:$0x3FB0] =	sst s6  }
0xf: {  	[smem:$0x3FB1] =	sst s7  }
0x10: {  	[smem:$0x3FB2] =	sst s8  }
0x11: {  	[smem:$0x3FB3] =	sst s9;
	s0 =	simm.s32 @!p0 $0x0  }
0x12: {  	s1 =	sld [smem:$0x3F99];
	s0 =	simm.s32 @p0 $0x1  }
0x13: {  	[smem:$0x3FB4] =	sst s0;
	s0 =	simm.s32 @!p1 $0x0  }
0x14: {  	s2 =	sld [smem:$0x3F98];
	s0 =	simm.s32 @p1 $0x1  }
0x15: {  	[smem:$0x3FB5] =	sst s0;
	s0 =	simm.s32 @!p2 $0x0  }
0x16: {  	s3 =	sld [smem:$0x3FDB];
	s0 =	simm.s32 @p2 $0x1  }
0x17: {  	s4 =	simm.s32 $0x1BF5;
	[smem:$0x3FB7] =	sst s0  }
0x18: {  	s0 =	sld [smem:$0x3F9A];
	_ =	swait.ge [sflag:s4], $0x0  }
0x19: {  	s7 =	sld [smem:$0x3F9B]  }
0x1a: {  	s8 =	sadd.s32 $0xFFFFE003, lr  }
0x1b: {  	s9 =	sadd.s32 $0xFFFFFEF7, lr;
	s5 =	simm.s32 $0xFFFFFFFF;
	p2 =	slt.u32 s8, $0xFFFFF086  }
0x1c: {  	p1 =	slt.u32 s9, $0xF7A;
	s5 =	simm.s32 @!p2 $0x0  }
0x1d: {  	s5 =	simm.s32 @p1 $0x1;
	p0 =	seq.s32 s7, s2  }
0x1e: {  	s7 =	smul.u32 @!p0 $0xF7A, s2;
	p2 =	seq.s32 @!p0 s5, $0x0  }
0x1f: {  	s9 =	smul.u32 $0xF7A, s1;
	s8 =	simm.s32 @!p0 $0x1BF5;
	p2 =	por !p2, p0  }
0x20: {  	[sflag:s8] =	ssyncset.s32 @!p0 $0xFFFFF086;
	s6 =	sadd.s32 @!p0 s3, s7;
	s7 =	simm.s32 @!p0 $0x108  }
0x21: {  	s3 =	sadd.s32 s3, s9;
	s6 =	sadd.s32 @!p0 $0x88, s6;
	s7 =	simm.s32 @p2 $0x1082  }
0x22: {  	[simem:s7], [sflag:s8] =	dma.local @!p0 [hbm:s6], $0xF7A  }
0x23: {  	s9 =	sor.u32 $0xD0000000, s2;
	s6 =	simm.s32 $0x108;
	_ =	swait.ge @!p0 [sflag:s8], $0x0  }
0x24: {  	s3 =	sadd.s32 $0x88, s3;
	s6 =	simm.s32 @!p1 $0x1082;
	[sflag:s4] =	ssyncset.s32 $0xFFFFF086  }
0x25: {  	[simem:s6], [sflag:s4] =	dma.local [hbm:s3], $0xF7A  }
0x26: {  	[smem:$0x3F9B] =	sst s1;
	(tag) =	ssettag s2;
	_ =	strace s9  }
0x27: {  	s1 =	sld [smem:$0x3FAB]  }
0x28: {  	s2 =	sld [smem:$0x3FAC]  }
0x29: {  	s4 =	sld [smem:$0x3FAE]  }
0x2a: {  	p0 =	seq.s32 s5, $0x0;
	s5 =	sld [smem:$0x3FAF]  }
0x2b: {  	s6 =	sld [smem:$0x3FB0]  }
0x2c: {  	s7 =	sld [smem:$0x3FB1]  }
0x2d: {  	s3 =	simm.s32 $0x108;
	s8 =	sld [smem:$0x3FB2]  }
0x2e: {  	s3 =	simm.s32 @!p0 $0x1082;
	s9 =	sld [smem:$0x3FB3]  }
0x2f: {  	lr =	sadd.s32 s0, s3;
	s0 =	sld [smem:$0x3FAA]  }
0x30: {  	s3 =	sld [smem:$0x3FAD]  }
0x31: {  	[smem:$0x3FB6] =	sst s10  }
0x32: {  	s10 =	sld [smem:$0x3FB4];
	_ =	sdelay $0x3  }
0x33: {  	p0 =	seq.s32 s10, $0x1;
	s10 =	sld [smem:$0x3FB6];
	_ =	sdelay $0x3  }
0x34: {  	[smem:$0x3FB6] =	sst s10  }
0x35: {  	s10 =	sld [smem:$0x3FB5];
	_ =	sdelay $0x3  }
0x36: {  	p1 =	seq.s32 s10, $0x1;
	s10 =	sld [smem:$0x3FB6];
	_ =	sdelay $0x3  }
0x37: {  	[smem:$0x3FB6] =	sst s10  }
0x38: {  	s10 =	sld [smem:$0x3FB7]  }
0x39: {  	_ = 	snop;
	(pc) =	sbr.ind lr, $3  }
0x3a: {  	_ = 	snop  }
0x3b: {  	_ = 	snop  }
0x3c: {  	p2 =	seq.s32 s10, $0x1;
	s10 =	sld [smem:$0x3FB6]  }
0x3d: {  	_ =	shalt  }
0x3e: {  	_ =	shalt  }
0x3f: {  	_ =	shalt  }
0x40: {  	_ =	shalt  }
0x41: {  	_ =	shalt  }
0x42: {  	_ =	shalt  }
0x43: {  	_ =	shalt  }
0x44: {  	_ =	shalt  }
0x45: {  	_ =	shalt  }
0x46: {  	_ =	shalt  }
0x47: {  	_ =	shalt  }
0x48: {  	_ =	shalt  }
0x49: {  	_ =	shalt  }
0x4a: {  	_ =	shalt  }
0x4b: {  	_ =	shalt  }
0x4c: {  	_ =	shalt  }
0x4d: {  	_ =	shalt  }
0x4e: {  	_ =	shalt  }
0x4f: {  	_ =	shalt  }
0x50: {  	_ =	shalt  }
0x51: {  	_ =	shalt  }
0x52: {  	_ =	shalt  }
0x53: {  	_ =	shalt  }
0x54: {  	_ =	shalt  }
0x55: {  	_ =	shalt  }
0x56: {  	_ =	shalt  }
0x57: {  	_ =	shalt  }
0x58: {  	_ =	shalt  }
0x59: {  	_ =	shalt  }
0x5a: {  	_ =	shalt  }
0x5b: {  	_ =	shalt  }
0x5c: {  	_ =	shalt  }
0x5d: {  	_ =	shalt  }
0x5e: {  	_ =	shalt  }
0x5f: {  	_ =	shalt  }
0x60: {  	_ =	shalt  }
0x61: {  	_ =	shalt  }
0x62: {  	_ =	shalt  }
0x63: {  	_ =	shalt  }
0x64: {  	_ =	shalt  }
0x65: {  	_ =	shalt  }
0x66: {  	_ =	shalt  }
0x67: {  	_ =	shalt  }
0x68: {  	_ =	shalt  }
0x69: {  	_ =	shalt  }
0x6a: {  	_ =	shalt  }
0x6b: {  	_ =	shalt  }
0x6c: {  	_ =	shalt  }
0x6d: {  	_ =	shalt  }
0x6e: {  	_ =	shalt  }
0x6f: {  	_ =	shalt  }
0x70: {  	_ =	shalt  }
0x71: {  	_ =	shalt  }
0x72: {  	_ =	shalt  }
0x73: {  	_ =	shalt  }
0x74: {  	_ =	shalt  }
0x75: {  	_ =	shalt  }
0x76: {  	_ =	shalt  }
0x77: {  	_ =	shalt  }
0x78: {  	_ =	shalt  }
0x79: {  	_ =	shalt  }
0x7a: {  	_ =	shalt  }
0x7b: {  	_ =	shalt  }
0x7c: {  	_ =	shalt  }
0x7d: {  	_ =	shalt  }
0x7e: {  	_ =	shalt  }
0x7f: {  	_ =	shalt  }
0x80: {  	_ =	shalt  }
0x81: {  	_ =	shalt  }
0x82: {  	_ =	shalt  }
0x83: {  	_ =	shalt  }
0x84: {  	_ =	shalt  }
0x85: {  	_ =	shalt  }
0x86: {  	_ =	shalt  }
0x87: {  	_ =	shalt  }
.Lfunc_end0:
.L_simem_size_0:
called_computation_lowered:
.L_overlay_start_0:
0x88: {  	s2 =	sld [smem:$0x3FD9]  }
0x89: {  	s3 =	sld [smem:$0x3FFE];
	_ =	sdelay $0x1  }
0x8a: {  	s1 =	srdreg.scid  }
0x8b: {  	s0 =	sand.u32 $0x1, s1  }
0x8c: {  	s17 =	sshll.u32 s0, $0xA;
	s2 =	sadd.s32 s3, s2  }
0x8d: {  	s2 =	sadd.s32 s2, s17  }
0x8e: {  	[smem:$0x3FC2] =	sst s2  }
0x8f: {  	_ = 	snop  }
0x90: {  	s2 =	sld [smem:$0x3FD0];
	(tm) =	ssettm $0x1  }
0x91: {  	s18 =	sld [smem:$0x3FFB];
	_ =	sdelay $0x3  }
0x92: {  	_ =	strace s18  }
0x93: {  	s3 =	sld [smem:$0x3FFC];
	_ =	sdelay $0x3  }
0x94: {  	_ =	strace s3  }
0x95: {  	s3 =	sld [smem:$0x3FFD];
	_ =	sdelay $0x3  }
0x96: {  	_ =	strace s3  }
0x97: {  	_ =	strace $0x8FFFFFFF  }
0x98: {  	s19 =	sld [smem:$0x3FDB];
	_ =	sdelay $0x1  }
0x99: {  	s4 =	simm.s32 $_scs_section_size  }
0x9a: {  	s5 =	simm.s32 $_size__tile_overlayer_lowered;
	s6 =	simm.s32 $_tile_overlayer_lowered  }
0x9b: {  	s22 =	simm.s32 $0x1BFF;
	s21 =	sshll.u32 s6, $0x1;
	s3 =	sadd.s32 s4, s19  }
0x9c: {  	s7 =	simm.s32 $0x0;
	s20 =	sshll.u32 s5, $0x1;
	s5 =	sadd.s32 s21, s3  }
0x9d: {  	[timem:s7], [sflag:s22] =	dma.local [hbm:s5], s20  }
0x9e: {  	_ =	swait.ge [sflag:s22], s20  }
0x9f: {  	s4 =	ssub.s32 $0x0, s20;
	[sflag:s22] =	ssyncset.done $0x0  }
0xa0: {  	[sflag:s22] =	ssyncadd.s32 s4;
	_ =	sdelay $0x1  }
0xa1: {  	s23 =	simm.s32 $0x1B8B  }
0xa2: {  	_ =	swait.ge [sflag:s23], $0x1  }
0xa3: {  	[sflag:s23] =	ssyncset.done $0x0  }
0xa4: {  	s25 =	simm.s32 $0x1B8E;
	s24 =	sld [smem:$0x3FFE];
	[sflag:s23] =	ssyncadd.s32 $0xFFFFFFFF  }
0xa5: {  	s26 =	simm.s32 $execute0_lowered;
	[smem:$0x3FD2] =	sst s25  }
0xa6: {  	s5 =	sshll.u32 s26, $0x1;
	_ =	strace $0x80000046;
	[dreg:$0x1] =	wrdreg $0xFFFFFFFF  }
0xa7: {  	s28 =	simm.s32 $_size_execute0_lowered;
	s3 =	sadd.s32 s3, s5;
	[dreg:$0x0] =	wrdreg $0x0  }
0xa8: {  	s5 =	sshll.u32 s28, $0x1;
	[dreg:$0x2] =	wrdreg s3  }
0xa9: {  	[dreg:$0x3] =	wrdreg s5  }
0xaa: {  	[dreg:$0x4] =	wrdreg $0xC0  }
0xab: {  	_ =	task [dreg:s7], $0x5FFFF  }
0xac: {  	[dreg:$0x1] =	wrdreg $0xFFFFFFFF  }
0xad: {  	[dreg:$0x0] =	wrdreg $0x60  }
0xae: {  	[dreg:$0x2] =	wrdreg s24  }
0xaf: {  	[dreg:$0x3] =	wrdreg s2  }
0xb0: {  	[dreg:$0x4] =	wrdreg $0x2B000  }
0xb1: {  	[dreg:$0x5] =	wrdreg $0x9  }
0xb2: {  	_ =	task.clear_ibuf [dreg:s7], $0x6FFFF;
	_ =	strace $0x90000046  }
0xb3: {  	s29 =	simm.s32 $0x9;
	_ =	strace $0x80000048  }
0xb4: {  	_ =	swait.ge [sflag:s29], $0x1  }
0xb5: {  	[sflag:s29] =	ssyncadd.s32 $0xFFFFFFFF  }
0xb6: {  	_ =	strace $0x90000048  }
0xb7: {  	_ =	sfence  }
0xb8: {  	s30 =	sld [smem:$0x0];
	_ =	sdelay $0x2  }
0xb9: {  	s31 =	sshll.u32 s1, $0xD;
	s1 =	sshrl.u32 s1, $0x2  }
0xba: {  	s3 =	sand.u32 $0x4000, s31;
	s1 =	sadd.s32 s1, s30  }
0xbb: {  	s0 =	sor.u32 s3, s0;
	s1 =	sshll.u32 s1, $0x11  }
0xbc: {  	s0 =	sor.u32 s1, s0  }
0xbd: {  	s0 =	sadd.s32 $0x8F2B, s0  }
0xbe: {  	[sflag:s0] =	ssyncadd.remote.s32 $0x1  }
0xbf: {  	_ =	sfence.sel $0xFFFF  }
0xc0: {  	[dreg:$0x0] =	wrdreg $0xFFFFFFFF;
	(pc) =	sbr.abs _section_cstart, $3  }
0xc1: {  	[dreg:$0x1] =	wrdreg $0xFFFFFFFF  }
0xc2: {  	_ =	task.clear_ibuf [dreg:s7], $0x2FFFF;
	_ =	strace $0x9FFFFFFF  }
0xc3: {  	(tm) =	ssettm $0x7FFFFFFF  }
tec
execute0_lowered:
.L_overlay_start_1:
0x0: {  	(tag) =	ssettag $0x1  }
0x1: {  	s4 =	rddreg [dreg:$0x0];
	s1 =	srdreg.scid  }
0x2: {  	s0 =	stileid.u32;
	s6 =	rddreg [dreg:$0x1]  }
0x3: {  	s2 =	rddreg [dreg:$0x2];
	s3 =	simm.s32 $0x0;
	s11 =	simm.s32 $0x2800  }
0x4: {  	s14 =	simm.s32 $0x20;
	s15 =	simm.s32 $0x10;
	s16 =	simm.s32 $0x0  }
0x5: {  	s5 =	sand.u32 $0x1, s1;
	s1 =	rddreg [dreg:$0x3];
	s8 =	smul.u32 $0xA00, s0  }
0x6: {  	s26 =	sshll.u32 s0, $0x1;
	[smem:$0x7FF] =	sst s3;
	s10 =	smul.u32 $0x500, s0  }
0x7: {  	s12 =	sshll.u32 s0, $0x6;
	s7 =	sor.u32 s5, s26;
	_ =	strace $0x80000047  }
0x8: {  	s9 =	ssub.s32 $0x2, s5;
	s5 =	sshll.u32 s5, $0x7;
	s12 =	sor.u32 $0x1C01, s12  }
0x9: {  	s7 =	smul.u32 $0x500, s7;
	s28 =	sshrl.u32 s9, $0x1;
	s29 =	sshrl.u32 s8, $0x2  }
0xa: {  	s30 =	sor.u32 s5, s10;
	s8 =	simm.s32 $0x2880;
	s10 =	simm.s32 $0x80  }
0xb: {  	s9 =	ssub.s32 s9, s28;
	s31 =	sshrl.u32 s30, $0x3;
	s7 =	sadd.s32 s7, s4  }
0xc: {  	s4 =	sadd.s32 s29, s2;
	s6 =	sadd.s32 s6, s31;
	s5 =	sadd.s32 $0x2000, s7  }
0xd: {  	v0 =	vimm.f32 $1.000000000e+00;
	v1 =	vimm.f32 $0.0e+00;
	s7 =	smax.u32 s9, $0x1;
	s9 =	simm.s32 $0x1;
	s13 =	sshrl.u32 s4, $0x3  }
.LBB2_1:
0xe: {  	[tilespmem:$0x2800] =	vst v0  }
0xf: {  	[tilespmem:$0x2810] =	vst v0  }
0x10: {  	[tilespmem:$0x2820] =	vst v0  }
0x11: {  	[tilespmem:$0x2830] =	vst v0  }
0x12: {  	[tilespmem:$0x2840] =	vst v0  }
0x13: {  	[tilespmem:$0x2850] =	vst v0  }
0x14: {  	[tilespmem:$0x2860] =	vst v0  }
0x15: {  	[tilespmem:$0x2870] =	vst v0  }
0x16: {  	[tilespmem:$0x2880] =	vst v1  }
0x17: {  	[tilespmem:$0x2890] =	vst v1  }
0x18: {  	[tilespmem:$0x28A0] =	vst v1  }
0x19: {  	[tilespmem:$0x28B0] =	vst v1  }
0x1a: {  	[tilespmem:$0x28C0] =	vst v1  }
0x1b: {  	[tilespmem:$0x28D0] =	vst v1  }
0x1c: {  	[tilespmem:$0x28E0] =	vst v1  }
0x1d: {  	[tilespmem:$0x28F0] =	vst v1  }
0x1e: {  	[tilespmem:$0x2900] =	vst v1  }
0x1f: {  	[tilespmem:$0x2910] =	vst v1  }
0x20: {  	[tilespmem:$0x2920] =	vst v1  }
0x21: {  	[tilespmem:$0x2930] =	vst v1  }
0x22: {  	[tilespmem:$0x2940] =	vst v1  }
0x23: {  	[tilespmem:$0x2950] =	vst v1  }
0x24: {  	[tilespmem:$0x2960] =	vst v1  }
0x25: {  	[tilespmem:$0x2970] =	vst v1  }
0x26: {  	[tilespmem:$0x2980] =	vst v1  }
0x27: {  	[tilespmem:$0x2990] =	vst v1  }
0x28: {  	[tilespmem:$0x29A0] =	vst v1  }
0x29: {  	[tilespmem:$0x29B0] =	vst v1  }
0x2a: {  	[tilespmem:$0x29C0] =	vst v1  }
0x2b: {  	[tilespmem:$0x29D0] =	vst v1  }
0x2c: {  	[tilespmem:$0x29E0] =	vst v1  }
0x2d: {  	[tilespmem:$0x29F0] =	vst v1  }
0x2e: {  	[tilespmem:$0x2A00] =	vst v1  }
0x2f: {  	[tilespmem:$0x2A10] =	vst v1  }
0x30: {  	[tilespmem:$0x2A20] =	vst v1  }
0x31: {  	[tilespmem:$0x2A30] =	vst v1  }
0x32: {  	[tilespmem:$0x2A40] =	vst v1  }
0x33: {  	[tilespmem:$0x2A50] =	vst v1  }
0x34: {  	[tilespmem:$0x2A60] =	vst v1  }
0x35: {  	[tilespmem:$0x2A70] =	vst v1  }
0x36: {  	[tilespmem:$0x2A80] =	vst v1  }
0x37: {  	[tilespmem:$0x2A90] =	vst v1  }
0x38: {  	[tilespmem:$0x2AA0] =	vst v1  }
0x39: {  	[tilespmem:$0x2AB0] =	vst v1  }
0x3a: {  	[tilespmem:$0x2AC0] =	vst v1  }
0x3b: {  	[tilespmem:$0x2AD0] =	vst v1  }
0x3c: {  	[tilespmem:$0x2AE0] =	vst v1  }
0x3d: {  	[tilespmem:$0x2AF0] =	vst v1  }
0x3e: {  	[spmem:s4] =	stream.linear.scatter [tilespmem:s8], [sflag:$0x1], $0x280, $0x38;
	[tilespmem:$0x2D80] =	vst v63  }
0x3f: {  	_ =	swait.ge [sflag:s9], $0x280  }
0x40: {  	[sflag:s9] =	ssyncset.done $0x0  }
0x41: {  	[sflag:s9] =	ssyncadd.s32 $0xFFFFFD80  }
0x42: {  	[tilespmem:s3], [sflag:$0x1] =	stream.linear.gather [hbm4b:s5+s3], $0x2780, $0x38;
	[tilespmem:$0x2D80] =	vst v63  }
0x43: {  	_ =	swait.ge [sflag:s9], $0x2780  }
0x44: {  	[sflag:s9] =	ssyncset.done $0x0  }
0x45: {  	[sflag:s9] =	ssyncadd.s32 $0xFFFFD880  }
0x46: {  	s17 =	simm.s32 $0x0;
	[bflag:$0x0] =	sbarrier.arrive $0xFFFF  }
0x47: {  	[spmem:s2] =	stream.indirect.scatter.add.f32 [tilespmem:s11], [sflag:$0x1], $0x1, s17, s10, $0xb8;
	[tilespmem:$0x2D80] =	vst v63  }
0x48: {  	_ =	swait.ge [sflag:s9], $0x80  }
0x49: {  	s17 =	simm.s32 $0x200;
	[sflag:s9] =	ssyncset.done $0x0  }
.LBB2_2:
0x4a: {  	s18 =	sshra.s32 s17, $0x2;
	[sflag:s9] =	ssyncadd.s32 $0xFFFFFF80;
	p0 =	sne.s32 s17, $0x9C00  }
0x4b: {  	[spmem:s2] =	stream.indirect.scatter.add.f32 [tilespmem:s11], [sflag:$0x1], $0x1, s18, s10, $0xb8;
	[tilespmem:$0x2D80] =	vst v63  }
.Ltmp0:
0x4c: {  	_ = 	snop;
	(pc) =	sbr.rel @p0 .LBB2_2-.Ltmp0, $4  }
0x4d: {  	_ = 	snop  }
0x4e: {  	s17 =	sadd.s32 $0x200, s17  }
0x4f: {  	_ =	swait.ge [sflag:s9], $0x80  }
0x50: {  	[sflag:s9] =	ssyncset.done $0x0  }
0x51: {  	s16 =	sadd.s32 $0x1, s16  }
0x52: {  	[sflag:s9] =	ssyncadd.s32 $0xFFFFFF80;
	p0 =	sne.s32 s16, s7  }
.Ltmp1:
0x53: {  	[bflag:$0x0] =	sbarrier.arrive $0xFFFF;
	(pc) =	sbr.rel @p0 .LBB2_1-.Ltmp1, $4  }
0x54: {  	[hbm:s6@s14], [sflag:s12] =	dma.strided [spmem:s13@s15], $0x50, s9, $0x10   }
0x55: {  	_ =	swait.ge [sflag:s9], $0x50  }
0x56: {  	[sflag:s9] =	ssyncset.done $0x0  }
0x57: {  	[sflag:s9] =	ssyncadd.s32 $0xFFFFFFB0  }
0x58: {  	_ =	sfence.sel $0x180000  }
0x59: {  	[bflag:$0x0] =	sbarrier.arrive $0xFFFF  }
0x5a: {  	p0 =	sne.s32 s0, $0x0;
	_ =	strace $0x90000047  }
0x5b: {  	s0 =	sadd.s32 @!p0 $0x100000, s1;
	[bflag:$0x2] =	sbarrier.arrive $0xFFFF  }
0x5c: {  	[sflag:s0] =	ssyncadd.tile.s32 @!p0 $0x1;
	_ =	shalt  }
.Lfunc_end2:
_tile_overlayer_lowered:
.L_overlay_start_2:
0x5d: {  	(tag) =	ssettag $0x2  }
0x5e: {  	s0 =	rddreg [dreg:$0x0];
	s2 =	stileid.u32  }
0x5f: {  	s1 =	rddreg [dreg:$0x1];
	p0 =	sne.s32 s2, $0x0  }
0x60: {  	s3 =	rddreg [dreg:$0x2];
	[bflag:$0x3] =	sbarrier.arrive $0xFFFF;
	s2 =	simm.s32 @!p0 $0x1C01  }
0x61: {  	[timem:s3], [sflag:s2] =	dma.local @!p0 [hbm:s0], s1  }
0x62: {  	s0 =	simm.s32 @!p0 $0x1  }
0x63: {  	_ =	swait.ge @!p0 [sflag:s0], s1  }
0x64: {  	s1 =	ssub.s32 @!p0 $0x0, s1;
	[sflag:s0] =	ssyncset.done @!p0 $0x0  }
0x65: {  	[sflag:s0] =	ssyncadd.s32 @!p0 s1  }
0x66: {  	[bflag:$0x3] =	sbarrier.arrive $0xFFFF  }
0x67: {  	_ =	shalt  }

</sc_bundles>
